<compile_context>
chip_gen: v7x
topology: tpu7x:2x2x1
jax: 0.10.2.dev20260603
libtpu: 0.0.44.dev20260713+nightly
codegen_flags: <defaults>
</compile_context>

<pallas_src>
import functools
import math

import jax
import jax.numpy as jnp
from jax import lax
from jax.experimental import pallas as pl
from jax.experimental.pallas import tpu as pltpu
from jax.experimental.pallas import tpu_sc as plsc

_NC = 2
_NS = 16
_NW = _NC * _NS
_L = 16


def _emb_kernel_factory(J, IB, D, scale):
    mesh = plsc.VectorSubcoreMesh(core_axis_name="c", subcore_axis_name="s")
    DB = D // 8
    KD = D // _L

    @functools.partial(
        pl.kernel,
        mesh=mesh,
        out_type=jax.ShapeDtypeStruct((J, DB, _NW, 8, IB), jnp.float32),
        scratch_types=[
            pltpu.VMEM((J, IB), jnp.int32),
            pltpu.VMEM((IB, D), jnp.float32),
            pltpu.VMEM((IB, D), jnp.float32),
            pltpu.VMEM((IB, D), jnp.float32),
            pltpu.VMEM((IB, D), jnp.float32),
            pltpu.VMEM((DB, 8, IB), jnp.float32),
            pltpu.VMEM((DB, 8, IB), jnp.float32),
            pltpu.SemaphoreType.DMA,
            pltpu.SemaphoreType.DMA,
            pltpu.SemaphoreType.DMA,
            pltpu.SemaphoreType.DMA,
            pltpu.SemaphoreType.DMA,
            pltpu.SemaphoreType.DMA,
        ],
        compiler_params=pltpu.CompilerParams(
            needs_layout_passes=False, use_tc_tiling_on_sc=False
        ),
    )
    def emb(xt_hbm, lut_hbm, out_hbm, idx_v, gb0, gb1, gb2, gb3, ob0, ob1,
            gs0, gs1, gs2, gs3, os0, os1):
        wid = lax.axis_index("s") * _NC + lax.axis_index("c")
        gbufs, obufs = (gb0, gb1, gb2, gb3), (ob0, ob1)
        gsems, osems = (gs0, gs1, gs2, gs3), (os0, os1)
        pltpu.sync_copy(xt_hbm.at[:, pl.ds(wid * IB, IB)], idx_v)

        iota = lax.iota(jnp.int32, _L)
        zero16 = iota * 0
        i0k = [(lax.shift_right_logical(iota, 3) + 2 * k) for k in range(KD)]
        i1 = iota & 7

        def start_gather(j, b):
            for g in range(IB // _L):
                idx16 = idx_v[j, pl.ds(g * _L, _L)]
                pltpu.async_copy(
                    lut_hbm.at[idx16],
                    gbufs[b].at[pl.ds(g * _L, _L)],
                    gsems[b],
                )

        def wait_gather(b):
            pltpu.make_async_copy(
                lut_hbm.at[pl.ds(0, IB)], gbufs[b], gsems[b]
            ).wait()

        def wait_out(b):
            pltpu.make_async_copy(
                out_hbm.at[0, :, wid], obufs[b], osems[b]
            ).wait()

        for q in range(4):
            start_gather(q, q)

        def quad_body(jj, c):
            for q in range(4):
                j = 4 * jj + q
                gbuf, obuf = gbufs[q], obufs[q % 2]

                wait_gather(q)

                @pl.when(j >= 2)
                def _():
                    wait_out(q % 2)

                @plsc.parallel_loop(0, IB, step=1, unroll=8)
                def row_body(r):
                    r16 = zero16 + r
                    for k in range(KD):
                        v = gbuf[r, pl.ds(k * _L, _L)]
                        plsc.store_scatter(obuf, [i0k[k], i1, r16], v)

                @pl.when(j + 4 < J)
                def _():
                    start_gather(j + 4, q)

                pltpu.async_copy(obuf, out_hbm.at[j, :, wid], osems[q % 2])
            return c

        lax.fori_loop(0, J // 4, quad_body, 0)
        wait_out(0)
        wait_out(1)

    return emb


def kernel(x, lut):
    B0, B1 = x.shape
    V, D = lut.shape
    scale = float(math.sqrt(D))
    IB = B0 // _NW
    lutp = (jnp.pad(lut, ((0, 0), (0, D))) * scale).reshape(2 * V, D)
    xt = x.T * 2
    out5 = _emb_kernel_factory(B1, IB, D, scale)(xt, lutp)
    return out5.transpose(2, 4, 0, 1, 3).reshape(B0, B1, D)

# --- scband reference (transcript-rebuilt; emitter-appended) ---
"""Pipeline reference for scband-embeddings-171798692224 (READ-ONLY COPY).

The authoritative reference and input builder live on the scoring server;
editing this copy changes nothing except your own understanding.
"""

import jax, jax.numpy as jnp
import numpy as np
import math

VOCAB = 1000000
D_MODEL = 64

def setup_inputs(seed: int = 0) -> dict:
    key = jax.random.key(seed)
    k1, k2 = jax.random.split(key)
    x = jax.random.randint(k1, (4096, 200), 0, VOCAB, dtype=jnp.int64 if jax.config.jax_enable_x64 else jnp.int32)
    lut = jax.random.normal(k2, (VOCAB, D_MODEL), dtype=jnp.float32)
    return {"x": x, "lut": lut}

def reference(x, lut):
    aux = jnp.take(lut, x, axis=0)
    return aux * math.sqrt(D_MODEL)

if __name__ == "__main__":
    import jax
    _d = setup_inputs()
    print(jax.jit(kernel)(*tuple(_d.values())))

</pallas_src>

<mosaic_0001>
#map = affine_map<(d0, d1) -> (0, 0)>
#map1 = affine_map<(d0, d1) -> (0, 0, 0, 0, 0)>
module attributes {stable_mosaic.version = 14 : i64} {
  func.func @emb(%arg0: i32, %arg1: i32, %arg2: memref<200x4096xi32, #tpu.memory_space<hbm>>, %arg3: memref<2000000x64xf32, #tpu.memory_space<hbm>>, %arg4: memref<200x8x32x8x128xf32, #tpu.memory_space<hbm>>, %arg5: memref<200x128xi32, #tpu.memory_space<vmem>>, %arg6: memref<128x64xf32, #tpu.memory_space<vmem>>, %arg7: memref<128x64xf32, #tpu.memory_space<vmem>>, %arg8: memref<128x64xf32, #tpu.memory_space<vmem>>, %arg9: memref<128x64xf32, #tpu.memory_space<vmem>>, %arg10: memref<8x8x128xf32, #tpu.memory_space<vmem>>, %arg11: memref<8x8x128xf32, #tpu.memory_space<vmem>>, %arg12: memref<!tpu.dma_semaphore, #tpu.memory_space<semaphore_mem>>, %arg13: memref<!tpu.dma_semaphore, #tpu.memory_space<semaphore_mem>>, %arg14: memref<!tpu.dma_semaphore, #tpu.memory_space<semaphore_mem>>, %arg15: memref<!tpu.dma_semaphore, #tpu.memory_space<semaphore_mem>>, %arg16: memref<!tpu.dma_semaphore, #tpu.memory_space<semaphore_mem>>, %arg17: memref<!tpu.dma_semaphore, #tpu.memory_space<semaphore_mem>>) attributes {dimension_semantics = [#tpu.dimension_semantics<core_parallel>, #tpu.dimension_semantics<subcore_parallel>], iteration_bounds = array<i64: 2, 16>, scalar_prefetch = 0 : i64, scratch_operands = 13 : i64, tpu.core_type = #tpu.core_type<sc_vector_subcore>, window_params = [{transform_indices = #map}, {transform_indices = #map}, {transform_indices = #map1}]} {
    %mul3A = arith.constant 2 : i32
    %mul3A_0 = arith.muli %arg1, %mul3A : i32
    %add3A = arith.addi %mul3A_0, %arg0 : i32
    %mul3A_1 = arith.constant 128 : i32
    %mul3A_2 = arith.muli %add3A, %mul3A_1 : i32
    "tpu.region"() ({
      %run_scoped3A = tpu.sem_alloc : memref<!tpu.dma_semaphore, #tpu.memory_space<semaphore_mem>>
      %dma_start3A_375 = arith.constant 0 : i32
      %dma_start3A_376 = tpu.memref_slice %arg2[%dma_start3A_375, %mul3A_2] : memref<200x4096xi32, #tpu.memory_space<hbm>> -> memref<200x128xi32, #tpu.memory_space<hbm>>
      %dma_start3A_377 = arith.constant 0 : i32
      %dma_start3A_378 = tpu.memref_slice %arg2[%dma_start3A_377, %mul3A_2] : memref<200x4096xi32, #tpu.memory_space<hbm>> -> memref<200x128xi32, #tpu.memory_space<hbm>>
      tpu.enqueue_dma source(%dma_start3A_378 : memref<200x128xi32, #tpu.memory_space<hbm>>) target(%arg5 : memref<200x128xi32, #tpu.memory_space<vmem>>) target_semaphore(%run_scoped3A : memref<!tpu.dma_semaphore, #tpu.memory_space<semaphore_mem>>)
      %dma_wait3A_379 = arith.constant 0 : i32
      %dma_wait3A_380 = tpu.memref_slice %arg2[%dma_wait3A_379, %mul3A_2] : memref<200x4096xi32, #tpu.memory_space<hbm>> -> memref<200x128xi32, #tpu.memory_space<hbm>>
      %dma_wait3A_381 = arith.constant 0 : i32
      %dma_wait3A_382 = tpu.memref_slice %arg2[%dma_wait3A_381, %mul3A_2] : memref<200x4096xi32, #tpu.memory_space<hbm>> -> memref<200x128xi32, #tpu.memory_space<hbm>>
      tpu.wait_dma2 semaphore(%run_scoped3A : memref<!tpu.dma_semaphore, #tpu.memory_space<semaphore_mem>>) src(%dma_wait3A_382 : memref<200x128xi32, #tpu.memory_space<hbm>>) dst(%arg5 : memref<200x128xi32, #tpu.memory_space<vmem>>)
      tpu.yield
    }) : () -> ()
    %iota3A = tpu.iota {dimensions = array<i32: 0>} : vector<16xi32>
    %mul3A_3 = arith.constant 0 : i32
    %mul3A_4 = vector.broadcast %mul3A_3 : i32 to vector<16xi32>
    %mul3A_5 = arith.muli %iota3A, %mul3A_4 : vector<16xi32>
    %shift_right_logical3A = arith.constant 3 : i32
    %shift_right_logical3A_6 = vector.broadcast %shift_right_logical3A : i32 to vector<16xi32>
    %shift_right_logical3A_7 = arith.shrui %iota3A, %shift_right_logical3A_6 : vector<16xi32>
    %add3A_8 = arith.constant 0 : i32
    %add3A_9 = vector.broadcast %add3A_8 : i32 to vector<16xi32>
    %add3A_10 = arith.addi %shift_right_logical3A_7, %add3A_9 : vector<16xi32>
    %shift_right_logical3A_11 = arith.constant 3 : i32
    %shift_right_logical3A_12 = vector.broadcast %shift_right_logical3A_11 : i32 to vector<16xi32>
    %shift_right_logical3A_13 = arith.shrui %iota3A, %shift_right_logical3A_12 : vector<16xi32>
    %add3A_14 = arith.constant 2 : i32
    %add3A_15 = vector.broadcast %add3A_14 : i32 to vector<16xi32>
    %add3A_16 = arith.addi %shift_right_logical3A_13, %add3A_15 : vector<16xi32>
    %shift_right_logical3A_17 = arith.constant 3 : i32
    %shift_right_logical3A_18 = vector.broadcast %shift_right_logical3A_17 : i32 to vector<16xi32>
    %shift_right_logical3A_19 = arith.shrui %iota3A, %shift_right_logical3A_18 : vector<16xi32>
    %add3A_20 = arith.constant 4 : i32
    %add3A_21 = vector.broadcast %add3A_20 : i32 to vector<16xi32>
    %add3A_22 = arith.addi %shift_right_logical3A_19, %add3A_21 : vector<16xi32>
    %shift_right_logical3A_23 = arith.constant 3 : i32
    %shift_right_logical3A_24 = vector.broadcast %shift_right_logical3A_23 : i32 to vector<16xi32>
    %shift_right_logical3A_25 = arith.shrui %iota3A, %shift_right_logical3A_24 : vector<16xi32>
    %add3A_26 = arith.constant 6 : i32
    %add3A_27 = vector.broadcast %add3A_26 : i32 to vector<16xi32>
    %add3A_28 = arith.addi %shift_right_logical3A_25, %add3A_27 : vector<16xi32>
    %and3A = arith.constant 7 : i32
    %and3A_29 = vector.broadcast %and3A : i32 to vector<16xi32>
    %and3A_30 = arith.andi %iota3A, %and3A_29 : vector<16xi32>
    %get3A = arith.constant 0 : i32
    %get3A_31 = arith.index_cast %get3A : i32 to index
    %get3A_32 = arith.constant 0 : index
    %get3A_33 = tpu.vector_load %arg5[%get3A_31, %get3A_32] {strides = array<i32>} : memref<200x128xi32, #tpu.memory_space<vmem>>, vector<16xi32>,
    %dma_start3A = arith.constant 0 : i32
    %dma_start3A_34 = arith.constant 0 : i32
    %dma_start3A_35 = tpu.memref_slice %arg6[%dma_start3A, %dma_start3A_34] : memref<128x64xf32, #tpu.memory_space<vmem>> -> memref<16x64xf32, #tpu.memory_space<vmem>>
    %dma_start3A_36 = arith.constant 0 : i32
    %dma_start3A_37 = arith.constant 0 : i32
    %dma_start3A_38 = tpu.memref_slice %arg3[%dma_start3A_36, %dma_start3A_37] : memref<2000000x64xf32, #tpu.memory_space<hbm>> -> memref<2000000x64xf32, #tpu.memory_space<hbm>>
    tpu.enqueue_indirect_dma source(%dma_start3A_38 : memref<2000000x64xf32, #tpu.memory_space<hbm>>) target(%dma_start3A_35 : memref<16x64xf32, #tpu.memory_space<vmem>>) offsets(%get3A_33 : vector<16xi32>) semaphore(%arg12 : memref<!tpu.dma_semaphore, #tpu.memory_space<semaphore_mem>>)
    %get3A_39 = arith.constant 0 : i32
    %get3A_40 = arith.index_cast %get3A_39 : i32 to index
    %get3A_41 = arith.constant 16 : index
    %get3A_42 = tpu.vector_load %arg5[%get3A_40, %get3A_41] {strides = array<i32>} : memref<200x128xi32, #tpu.memory_space<vmem>>, vector<16xi32>,
    %dma_start3A_43 = arith.constant 16 : i32
    %dma_start3A_44 = arith.constant 0 : i32
    %dma_start3A_45 = tpu.memref_slice %arg6[%dma_start3A_43, %dma_start3A_44] : memref<128x64xf32, #tpu.memory_space<vmem>> -> memref<16x64xf32, #tpu.memory_space<vmem>>
    %dma_start3A_46 = arith.constant 0 : i32
    %dma_start3A_47 = arith.constant 0 : i32
    %dma_start3A_48 = tpu.memref_slice %arg3[%dma_start3A_46, %dma_start3A_47] : memref<2000000x64xf32, #tpu.memory_space<hbm>> -> memref<2000000x64xf32, #tpu.memory_space<hbm>>
    tpu.enqueue_indirect_dma source(%dma_start3A_48 : memref<2000000x64xf32, #tpu.memory_space<hbm>>) target(%dma_start3A_45 : memref<16x64xf32, #tpu.memory_space<vmem>>) offsets(%get3A_42 : vector<16xi32>) semaphore(%arg12 : memref<!tpu.dma_semaphore, #tpu.memory_space<semaphore_mem>>)
    %get3A_49 = arith.constant 0 : i32
    %get3A_50 = arith.index_cast %get3A_49 : i32 to index
    %get3A_51 = arith.constant 32 : index
    %get3A_52 = tpu.vector_load %arg5[%get3A_50, %get3A_51] {strides = array<i32>} : memref<200x128xi32, #tpu.memory_space<vmem>>, vector<16xi32>,
    %dma_start3A_53 = arith.constant 32 : i32
    %dma_start3A_54 = arith.constant 0 : i32
    %dma_start3A_55 = tpu.memref_slice %arg6[%dma_start3A_53, %dma_start3A_54] : memref<128x64xf32, #tpu.memory_space<vmem>> -> memref<16x64xf32, #tpu.memory_space<vmem>>
    %dma_start3A_56 = arith.constant 0 : i32
    %dma_start3A_57 = arith.constant 0 : i32
    %dma_start3A_58 = tpu.memref_slice %arg3[%dma_start3A_56, %dma_start3A_57] : memref<2000000x64xf32, #tpu.memory_space<hbm>> -> memref<2000000x64xf32, #tpu.memory_space<hbm>>
    tpu.enqueue_indirect_dma source(%dma_start3A_58 : memref<2000000x64xf32, #tpu.memory_space<hbm>>) target(%dma_start3A_55 : memref<16x64xf32, #tpu.memory_space<vmem>>) offsets(%get3A_52 : vector<16xi32>) semaphore(%arg12 : memref<!tpu.dma_semaphore, #tpu.memory_space<semaphore_mem>>)
    %get3A_59 = arith.constant 0 : i32
    %get3A_60 = arith.index_cast %get3A_59 : i32 to index
    %get3A_61 = arith.constant 48 : index
    %get3A_62 = tpu.vector_load %arg5[%get3A_60, %get3A_61] {strides = array<i32>} : memref<200x128xi32, #tpu.memory_space<vmem>>, vector<16xi32>,
    %dma_start3A_63 = arith.constant 48 : i32
    %dma_start3A_64 = arith.constant 0 : i32
    %dma_start3A_65 = tpu.memref_slice %arg6[%dma_start3A_63, %dma_start3A_64] : memref<128x64xf32, #tpu.memory_space<vmem>> -> memref<16x64xf32, #tpu.memory_space<vmem>>
    %dma_start3A_66 = arith.constant 0 : i32
    %dma_start3A_67 = arith.constant 0 : i32
    %dma_start3A_68 = tpu.memref_slice %arg3[%dma_start3A_66, %dma_start3A_67] : memref<2000000x64xf32, #tpu.memory_space<hbm>> -> memref<2000000x64xf32, #tpu.memory_space<hbm>>
    tpu.enqueue_indirect_dma source(%dma_start3A_68 : memref<2000000x64xf32, #tpu.memory_space<hbm>>) target(%dma_start3A_65 : memref<16x64xf32, #tpu.memory_space<vmem>>) offsets(%get3A_62 : vector<16xi32>) semaphore(%arg12 : memref<!tpu.dma_semaphore, #tpu.memory_space<semaphore_mem>>)
    %get3A_69 = arith.constant 0 : i32
    %get3A_70 = arith.index_cast %get3A_69 : i32 to index
    %get3A_71 = arith.constant 64 : index
    %get3A_72 = tpu.vector_load %arg5[%get3A_70, %get3A_71] {strides = array<i32>} : memref<200x128xi32, #tpu.memory_space<vmem>>, vector<16xi32>,
    %dma_start3A_73 = arith.constant 64 : i32
    %dma_start3A_74 = arith.constant 0 : i32
    %dma_start3A_75 = tpu.memref_slice %arg6[%dma_start3A_73, %dma_start3A_74] : memref<128x64xf32, #tpu.memory_space<vmem>> -> memref<16x64xf32, #tpu.memory_space<vmem>>
    %dma_start3A_76 = arith.constant 0 : i32
    %dma_start3A_77 = arith.constant 0 : i32
    %dma_start3A_78 = tpu.memref_slice %arg3[%dma_start3A_76, %dma_start3A_77] : memref<2000000x64xf32, #tpu.memory_space<hbm>> -> memref<2000000x64xf32, #tpu.memory_space<hbm>>
    tpu.enqueue_indirect_dma source(%dma_start3A_78 : memref<2000000x64xf32, #tpu.memory_space<hbm>>) target(%dma_start3A_75 : memref<16x64xf32, #tpu.memory_space<vmem>>) offsets(%get3A_72 : vector<16xi32>) semaphore(%arg12 : memref<!tpu.dma_semaphore, #tpu.memory_space<semaphore_mem>>)
    %get3A_79 = arith.constant 0 : i32
    %get3A_80 = arith.index_cast %get3A_79 : i32 to index
    %get3A_81 = arith.constant 80 : index
    %get3A_82 = tpu.vector_load %arg5[%get3A_80, %get3A_81] {strides = array<i32>} : memref<200x128xi32, #tpu.memory_space<vmem>>, vector<16xi32>,
    %dma_start3A_83 = arith.constant 80 : i32
    %dma_start3A_84 = arith.constant 0 : i32
    %dma_start3A_85 = tpu.memref_slice %arg6[%dma_start3A_83, %dma_start3A_84] : memref<128x64xf32, #tpu.memory_space<vmem>> -> memref<16x64xf32, #tpu.memory_space<vmem>>
    %dma_start3A_86 = arith.constant 0 : i32
    %dma_start3A_87 = arith.constant 0 : i32
    %dma_start3A_88 = tpu.memref_slice %arg3[%dma_start3A_86, %dma_start3A_87] : memref<2000000x64xf32, #tpu.memory_space<hbm>> -> memref<2000000x64xf32, #tpu.memory_space<hbm>>
    tpu.enqueue_indirect_dma source(%dma_start3A_88 : memref<2000000x64xf32, #tpu.memory_space<hbm>>) target(%dma_start3A_85 : memref<16x64xf32, #tpu.memory_space<vmem>>) offsets(%get3A_82 : vector<16xi32>) semaphore(%arg12 : memref<!tpu.dma_semaphore, #tpu.memory_space<semaphore_mem>>)
    %get3A_89 = arith.constant 0 : i32
    %get3A_90 = arith.index_cast %get3A_89 : i32 to index
    %get3A_91 = arith.constant 96 : index
    %get3A_92 = tpu.vector_load %arg5[%get3A_90, %get3A_91] {strides = array<i32>} : memref<200x128xi32, #tpu.memory_space<vmem>>, vector<16xi32>,
    %dma_start3A_93 = arith.constant 96 : i32
    %dma_start3A_94 = arith.constant 0 : i32
    %dma_start3A_95 = tpu.memref_slice %arg6[%dma_start3A_93, %dma_start3A_94] : memref<128x64xf32, #tpu.memory_space<vmem>> -> memref<16x64xf32, #tpu.memory_space<vmem>>
    %dma_start3A_96 = arith.constant 0 : i32
    %dma_start3A_97 = arith.constant 0 : i32
    %dma_start3A_98 = tpu.memref_slice %arg3[%dma_start3A_96, %dma_start3A_97] : memref<2000000x64xf32, #tpu.memory_space<hbm>> -> memref<2000000x64xf32, #tpu.memory_space<hbm>>
    tpu.enqueue_indirect_dma source(%dma_start3A_98 : memref<2000000x64xf32, #tpu.memory_space<hbm>>) target(%dma_start3A_95 : memref<16x64xf32, #tpu.memory_space<vmem>>) offsets(%get3A_92 : vector<16xi32>) semaphore(%arg12 : memref<!tpu.dma_semaphore, #tpu.memory_space<semaphore_mem>>)
    %get3A_99 = arith.constant 0 : i32
    %get3A_100 = arith.index_cast %get3A_99 : i32 to index
    %get3A_101 = arith.constant 112 : index
    %get3A_102 = tpu.vector_load %arg5[%get3A_100, %get3A_101] {strides = array<i32>} : memref<200x128xi32, #tpu.memory_space<vmem>>, vector<16xi32>,
    %dma_start3A_103 = arith.constant 112 : i32
    %dma_start3A_104 = arith.constant 0 : i32
    %dma_start3A_105 = tpu.memref_slice %arg6[%dma_start3A_103, %dma_start3A_104] : memref<128x64xf32, #tpu.memory_space<vmem>> -> memref<16x64xf32, #tpu.memory_space<vmem>>
    %dma_start3A_106 = arith.constant 0 : i32
    %dma_start3A_107 = arith.constant 0 : i32
    %dma_start3A_108 = tpu.memref_slice %arg3[%dma_start3A_106, %dma_start3A_107] : memref<2000000x64xf32, #tpu.memory_space<hbm>> -> memref<2000000x64xf32, #tpu.memory_space<hbm>>
    tpu.enqueue_indirect_dma source(%dma_start3A_108 : memref<2000000x64xf32, #tpu.memory_space<hbm>>) target(%dma_start3A_105 : memref<16x64xf32, #tpu.memory_space<vmem>>) offsets(%get3A_102 : vector<16xi32>) semaphore(%arg12 : memref<!tpu.dma_semaphore, #tpu.memory_space<semaphore_mem>>)
    %get3A_109 = arith.constant 1 : i32
    %get3A_110 = arith.index_cast %get3A_109 : i32 to index
    %get3A_111 = arith.constant 0 : index
    %get3A_112 = tpu.vector_load %arg5[%get3A_110, %get3A_111] {strides = array<i32>} : memref<200x128xi32, #tpu.memory_space<vmem>>, vector<16xi32>,
    %dma_start3A_113 = arith.constant 0 : i32
    %dma_start3A_114 = arith.constant 0 : i32
    %dma_start3A_115 = tpu.memref_slice %arg7[%dma_start3A_113, %dma_start3A_114] : memref<128x64xf32, #tpu.memory_space<vmem>> -> memref<16x64xf32, #tpu.memory_space<vmem>>
    %dma_start3A_116 = arith.constant 0 : i32
    %dma_start3A_117 = arith.constant 0 : i32
    %dma_start3A_118 = tpu.memref_slice %arg3[%dma_start3A_116, %dma_start3A_117] : memref<2000000x64xf32, #tpu.memory_space<hbm>> -> memref<2000000x64xf32, #tpu.memory_space<hbm>>
    tpu.enqueue_indirect_dma source(%dma_start3A_118 : memref<2000000x64xf32, #tpu.memory_space<hbm>>) target(%dma_start3A_115 : memref<16x64xf32, #tpu.memory_space<vmem>>) offsets(%get3A_112 : vector<16xi32>) semaphore(%arg13 : memref<!tpu.dma_semaphore, #tpu.memory_space<semaphore_mem>>)
    %get3A_119 = arith.constant 1 : i32
    %get3A_120 = arith.index_cast %get3A_119 : i32 to index
    %get3A_121 = arith.constant 16 : index
    %get3A_122 = tpu.vector_load %arg5[%get3A_120, %get3A_121] {strides = array<i32>} : memref<200x128xi32, #tpu.memory_space<vmem>>, vector<16xi32>,
    %dma_start3A_123 = arith.constant 16 : i32
    %dma_start3A_124 = arith.constant 0 : i32
    %dma_start3A_125 = tpu.memref_slice %arg7[%dma_start3A_123, %dma_start3A_124] : memref<128x64xf32, #tpu.memory_space<vmem>> -> memref<16x64xf32, #tpu.memory_space<vmem>>
    %dma_start3A_126 = arith.constant 0 : i32
    %dma_start3A_127 = arith.constant 0 : i32
    %dma_start3A_128 = tpu.memref_slice %arg3[%dma_start3A_126, %dma_start3A_127] : memref<2000000x64xf32, #tpu.memory_space<hbm>> -> memref<2000000x64xf32, #tpu.memory_space<hbm>>
    tpu.enqueue_indirect_dma source(%dma_start3A_128 : memref<2000000x64xf32, #tpu.memory_space<hbm>>) target(%dma_start3A_125 : memref<16x64xf32, #tpu.memory_space<vmem>>) offsets(%get3A_122 : vector<16xi32>) semaphore(%arg13 : memref<!tpu.dma_semaphore, #tpu.memory_space<semaphore_mem>>)
    %get3A_129 = arith.constant 1 : i32
    %get3A_130 = arith.index_cast %get3A_129 : i32 to index
    %get3A_131 = arith.constant 32 : index
    %get3A_132 = tpu.vector_load %arg5[%get3A_130, %get3A_131] {strides = array<i32>} : memref<200x128xi32, #tpu.memory_space<vmem>>, vector<16xi32>,
    %dma_start3A_133 = arith.constant 32 : i32
    %dma_start3A_134 = arith.constant 0 : i32
    %dma_start3A_135 = tpu.memref_slice %arg7[%dma_start3A_133, %dma_start3A_134] : memref<128x64xf32, #tpu.memory_space<vmem>> -> memref<16x64xf32, #tpu.memory_space<vmem>>
    %dma_start3A_136 = arith.constant 0 : i32
    %dma_start3A_137 = arith.constant 0 : i32
    %dma_start3A_138 = tpu.memref_slice %arg3[%dma_start3A_136, %dma_start3A_137] : memref<2000000x64xf32, #tpu.memory_space<hbm>> -> memref<2000000x64xf32, #tpu.memory_space<hbm>>
    tpu.enqueue_indirect_dma source(%dma_start3A_138 : memref<2000000x64xf32, #tpu.memory_space<hbm>>) target(%dma_start3A_135 : memref<16x64xf32, #tpu.memory_space<vmem>>) offsets(%get3A_132 : vector<16xi32>) semaphore(%arg13 : memref<!tpu.dma_semaphore, #tpu.memory_space<semaphore_mem>>)
    %get3A_139 = arith.constant 1 : i32
    %get3A_140 = arith.index_cast %get3A_139 : i32 to index
    %get3A_141 = arith.constant 48 : index
    %get3A_142 = tpu.vector_load %arg5[%get3A_140, %get3A_141] {strides = array<i32>} : memref<200x128xi32, #tpu.memory_space<vmem>>, vector<16xi32>,
    %dma_start3A_143 = arith.constant 48 : i32
    %dma_start3A_144 = arith.constant 0 : i32
    %dma_start3A_145 = tpu.memref_slice %arg7[%dma_start3A_143, %dma_start3A_144] : memref<128x64xf32, #tpu.memory_space<vmem>> -> memref<16x64xf32, #tpu.memory_space<vmem>>
    %dma_start3A_146 = arith.constant 0 : i32
    %dma_start3A_147 = arith.constant 0 : i32
    %dma_start3A_148 = tpu.memref_slice %arg3[%dma_start3A_146, %dma_start3A_147] : memref<2000000x64xf32, #tpu.memory_space<hbm>> -> memref<2000000x64xf32, #tpu.memory_space<hbm>>
    tpu.enqueue_indirect_dma source(%dma_start3A_148 : memref<2000000x64xf32, #tpu.memory_space<hbm>>) target(%dma_start3A_145 : memref<16x64xf32, #tpu.memory_space<vmem>>) offsets(%get3A_142 : vector<16xi32>) semaphore(%arg13 : memref<!tpu.dma_semaphore, #tpu.memory_space<semaphore_mem>>)
    %get3A_149 = arith.constant 1 : i32
    %get3A_150 = arith.index_cast %get3A_149 : i32 to index
    %get3A_151 = arith.constant 64 : index
    %get3A_152 = tpu.vector_load %arg5[%get3A_150, %get3A_151] {strides = array<i32>} : memref<200x128xi32, #tpu.memory_space<vmem>>, vector<16xi32>,
    %dma_start3A_153 = arith.constant 64 : i32
    %dma_start3A_154 = arith.constant 0 : i32
    %dma_start3A_155 = tpu.memref_slice %arg7[%dma_start3A_153, %dma_start3A_154] : memref<128x64xf32, #tpu.memory_space<vmem>> -> memref<16x64xf32, #tpu.memory_space<vmem>>
    %dma_start3A_156 = arith.constant 0 : i32
    %dma_start3A_157 = arith.constant 0 : i32
    %dma_start3A_158 = tpu.memref_slice %arg3[%dma_start3A_156, %dma_start3A_157] : memref<2000000x64xf32, #tpu.memory_space<hbm>> -> memref<2000000x64xf32, #tpu.memory_space<hbm>>
    tpu.enqueue_indirect_dma source(%dma_start3A_158 : memref<2000000x64xf32, #tpu.memory_space<hbm>>) target(%dma_start3A_155 : memref<16x64xf32, #tpu.memory_space<vmem>>) offsets(%get3A_152 : vector<16xi32>) semaphore(%arg13 : memref<!tpu.dma_semaphore, #tpu.memory_space<semaphore_mem>>)
    %get3A_159 = arith.constant 1 : i32
    %get3A_160 = arith.index_cast %get3A_159 : i32 to index
    %get3A_161 = arith.constant 80 : index
    %get3A_162 = tpu.vector_load %arg5[%get3A_160, %get3A_161] {strides = array<i32>} : memref<200x128xi32, #tpu.memory_space<vmem>>, vector<16xi32>,
    %dma_start3A_163 = arith.constant 80 : i32
    %dma_start3A_164 = arith.constant 0 : i32
    %dma_start3A_165 = tpu.memref_slice %arg7[%dma_start3A_163, %dma_start3A_164] : memref<128x64xf32, #tpu.memory_space<vmem>> -> memref<16x64xf32, #tpu.memory_space<vmem>>
    %dma_start3A_166 = arith.constant 0 : i32
    %dma_start3A_167 = arith.constant 0 : i32
    %dma_start3A_168 = tpu.memref_slice %arg3[%dma_start3A_166, %dma_start3A_167] : memref<2000000x64xf32, #tpu.memory_space<hbm>> -> memref<2000000x64xf32, #tpu.memory_space<hbm>>
    tpu.enqueue_indirect_dma source(%dma_start3A_168 : memref<2000000x64xf32, #tpu.memory_space<hbm>>) target(%dma_start3A_165 : memref<16x64xf32, #tpu.memory_space<vmem>>) offsets(%get3A_162 : vector<16xi32>) semaphore(%arg13 : memref<!tpu.dma_semaphore, #tpu.memory_space<semaphore_mem>>)
    %get3A_169 = arith.constant 1 : i32
    %get3A_170 = arith.index_cast %get3A_169 : i32 to index
    %get3A_171 = arith.constant 96 : index
    %get3A_172 = tpu.vector_load %arg5[%get3A_170, %get3A_171] {strides = array<i32>} : memref<200x128xi32, #tpu.memory_space<vmem>>, vector<16xi32>,
    %dma_start3A_173 = arith.constant 96 : i32
    %dma_start3A_174 = arith.constant 0 : i32
    %dma_start3A_175 = tpu.memref_slice %arg7[%dma_start3A_173, %dma_start3A_174] : memref<128x64xf32, #tpu.memory_space<vmem>> -> memref<16x64xf32, #tpu.memory_space<vmem>>
    %dma_start3A_176 = arith.constant 0 : i32
    %dma_start3A_177 = arith.constant 0 : i32
    %dma_start3A_178 = tpu.memref_slice %arg3[%dma_start3A_176, %dma_start3A_177] : memref<2000000x64xf32, #tpu.memory_space<hbm>> -> memref<2000000x64xf32, #tpu.memory_space<hbm>>
    tpu.enqueue_indirect_dma source(%dma_start3A_178 : memref<2000000x64xf32, #tpu.memory_space<hbm>>) target(%dma_start3A_175 : memref<16x64xf32, #tpu.memory_space<vmem>>) offsets(%get3A_172 : vector<16xi32>) semaphore(%arg13 : memref<!tpu.dma_semaphore, #tpu.memory_space<semaphore_mem>>)
    %get3A_179 = arith.constant 1 : i32
    %get3A_180 = arith.index_cast %get3A_179 : i32 to index
    %get3A_181 = arith.constant 112 : index
    %get3A_182 = tpu.vector_load %arg5[%get3A_180, %get3A_181] {strides = array<i32>} : memref<200x128xi32, #tpu.memory_space<vmem>>, vector<16xi32>,
    %dma_start3A_183 = arith.constant 112 : i32
    %dma_start3A_184 = arith.constant 0 : i32
    %dma_start3A_185 = tpu.memref_slice %arg7[%dma_start3A_183, %dma_start3A_184] : memref<128x64xf32, #tpu.memory_space<vmem>> -> memref<16x64xf32, #tpu.memory_space<vmem>>
    %dma_start3A_186 = arith.constant 0 : i32
    %dma_start3A_187 = arith.constant 0 : i32
    %dma_start3A_188 = tpu.memref_slice %arg3[%dma_start3A_186, %dma_start3A_187] : memref<2000000x64xf32, #tpu.memory_space<hbm>> -> memref<2000000x64xf32, #tpu.memory_space<hbm>>
    tpu.enqueue_indirect_dma source(%dma_start3A_188 : memref<2000000x64xf32, #tpu.memory_space<hbm>>) target(%dma_start3A_185 : memref<16x64xf32, #tpu.memory_space<vmem>>) offsets(%get3A_182 : vector<16xi32>) semaphore(%arg13 : memref<!tpu.dma_semaphore, #tpu.memory_space<semaphore_mem>>)
    %get3A_189 = arith.constant 2 : i32
    %get3A_190 = arith.index_cast %get3A_189 : i32 to index
    %get3A_191 = arith.constant 0 : index
    %get3A_192 = tpu.vector_load %arg5[%get3A_190, %get3A_191] {strides = array<i32>} : memref<200x128xi32, #tpu.memory_space<vmem>>, vector<16xi32>,
    %dma_start3A_193 = arith.constant 0 : i32
    %dma_start3A_194 = arith.constant 0 : i32
    %dma_start3A_195 = tpu.memref_slice %arg8[%dma_start3A_193, %dma_start3A_194] : memref<128x64xf32, #tpu.memory_space<vmem>> -> memref<16x64xf32, #tpu.memory_space<vmem>>
    %dma_start3A_196 = arith.constant 0 : i32
    %dma_start3A_197 = arith.constant 0 : i32
    %dma_start3A_198 = tpu.memref_slice %arg3[%dma_start3A_196, %dma_start3A_197] : memref<2000000x64xf32, #tpu.memory_space<hbm>> -> memref<2000000x64xf32, #tpu.memory_space<hbm>>
    tpu.enqueue_indirect_dma source(%dma_start3A_198 : memref<2000000x64xf32, #tpu.memory_space<hbm>>) target(%dma_start3A_195 : memref<16x64xf32, #tpu.memory_space<vmem>>) offsets(%get3A_192 : vector<16xi32>) semaphore(%arg14 : memref<!tpu.dma_semaphore, #tpu.memory_space<semaphore_mem>>)
    %get3A_199 = arith.constant 2 : i32
    %get3A_200 = arith.index_cast %get3A_199 : i32 to index
    %get3A_201 = arith.constant 16 : index
    %get3A_202 = tpu.vector_load %arg5[%get3A_200, %get3A_201] {strides = array<i32>} : memref<200x128xi32, #tpu.memory_space<vmem>>, vector<16xi32>,
    %dma_start3A_203 = arith.constant 16 : i32
    %dma_start3A_204 = arith.constant 0 : i32
    %dma_start3A_205 = tpu.memref_slice %arg8[%dma_start3A_203, %dma_start3A_204] : memref<128x64xf32, #tpu.memory_space<vmem>> -> memref<16x64xf32, #tpu.memory_space<vmem>>
    %dma_start3A_206 = arith.constant 0 : i32
    %dma_start3A_207 = arith.constant 0 : i32
    %dma_start3A_208 = tpu.memref_slice %arg3[%dma_start3A_206, %dma_start3A_207] : memref<2000000x64xf32, #tpu.memory_space<hbm>> -> memref<2000000x64xf32, #tpu.memory_space<hbm>>
    tpu.enqueue_indirect_dma source(%dma_start3A_208 : memref<2000000x64xf32, #tpu.memory_space<hbm>>) target(%dma_start3A_205 : memref<16x64xf32, #tpu.memory_space<vmem>>) offsets(%get3A_202 : vector<16xi32>) semaphore(%arg14 : memref<!tpu.dma_semaphore, #tpu.memory_space<semaphore_mem>>)
    %get3A_209 = arith.constant 2 : i32
    %get3A_210 = arith.index_cast %get3A_209 : i32 to index
    %get3A_211 = arith.constant 32 : index
    %get3A_212 = tpu.vector_load %arg5[%get3A_210, %get3A_211] {strides = array<i32>} : memref<200x128xi32, #tpu.memory_space<vmem>>, vector<16xi32>,
    %dma_start3A_213 = arith.constant 32 : i32
    %dma_start3A_214 = arith.constant 0 : i32
    %dma_start3A_215 = tpu.memref_slice %arg8[%dma_start3A_213, %dma_start3A_214] : memref<128x64xf32, #tpu.memory_space<vmem>> -> memref<16x64xf32, #tpu.memory_space<vmem>>
    %dma_start3A_216 = arith.constant 0 : i32
    %dma_start3A_217 = arith.constant 0 : i32
    %dma_start3A_218 = tpu.memref_slice %arg3[%dma_start3A_216, %dma_start3A_217] : memref<2000000x64xf32, #tpu.memory_space<hbm>> -> memref<2000000x64xf32, #tpu.memory_space<hbm>>
    tpu.enqueue_indirect_dma source(%dma_start3A_218 : memref<2000000x64xf32, #tpu.memory_space<hbm>>) target(%dma_start3A_215 : memref<16x64xf32, #tpu.memory_space<vmem>>) offsets(%get3A_212 : vector<16xi32>) semaphore(%arg14 : memref<!tpu.dma_semaphore, #tpu.memory_space<semaphore_mem>>)
    %get3A_219 = arith.constant 2 : i32
    %get3A_220 = arith.index_cast %get3A_219 : i32 to index
    %get3A_221 = arith.constant 48 : index
    %get3A_222 = tpu.vector_load %arg5[%get3A_220, %get3A_221] {strides = array<i32>} : memref<200x128xi32, #tpu.memory_space<vmem>>, vector<16xi32>,
    %dma_start3A_223 = arith.constant 48 : i32
    %dma_start3A_224 = arith.constant 0 : i32
    %dma_start3A_225 = tpu.memref_slice %arg8[%dma_start3A_223, %dma_start3A_224] : memref<128x64xf32, #tpu.memory_space<vmem>> -> memref<16x64xf32, #tpu.memory_space<vmem>>
    %dma_start3A_226 = arith.constant 0 : i32
    %dma_start3A_227 = arith.constant 0 : i32
    %dma_start3A_228 = tpu.memref_slice %arg3[%dma_start3A_226, %dma_start3A_227] : memref<2000000x64xf32, #tpu.memory_space<hbm>> -> memref<2000000x64xf32, #tpu.memory_space<hbm>>
    tpu.enqueue_indirect_dma source(%dma_start3A_228 : memref<2000000x64xf32, #tpu.memory_space<hbm>>) target(%dma_start3A_225 : memref<16x64xf32, #tpu.memory_space<vmem>>) offsets(%get3A_222 : vector<16xi32>) semaphore(%arg14 : memref<!tpu.dma_semaphore, #tpu.memory_space<semaphore_mem>>)
    %get3A_229 = arith.constant 2 : i32
    %get3A_230 = arith.index_cast %get3A_229 : i32 to index
    %get3A_231 = arith.constant 64 : index
    %get3A_232 = tpu.vector_load %arg5[%get3A_230, %get3A_231] {strides = array<i32>} : memref<200x128xi32, #tpu.memory_space<vmem>>, vector<16xi32>,
    %dma_start3A_233 = arith.constant 64 : i32
    %dma_start3A_234 = arith.constant 0 : i32
    %dma_start3A_235 = tpu.memref_slice %arg8[%dma_start3A_233, %dma_start3A_234] : memref<128x64xf32, #tpu.memory_space<vmem>> -> memref<16x64xf32, #tpu.memory_space<vmem>>
    %dma_start3A_236 = arith.constant 0 : i32
    %dma_start3A_237 = arith.constant 0 : i32
    %dma_start3A_238 = tpu.memref_slice %arg3[%dma_start3A_236, %dma_start3A_237] : memref<2000000x64xf32, #tpu.memory_space<hbm>> -> memref<2000000x64xf32, #tpu.memory_space<hbm>>
    tpu.enqueue_indirect_dma source(%dma_start3A_238 : memref<2000000x64xf32, #tpu.memory_space<hbm>>) target(%dma_start3A_235 : memref<16x64xf32, #tpu.memory_space<vmem>>) offsets(%get3A_232 : vector<16xi32>) semaphore(%arg14 : memref<!tpu.dma_semaphore, #tpu.memory_space<semaphore_mem>>)
    %get3A_239 = arith.constant 2 : i32
    %get3A_240 = arith.index_cast %get3A_239 : i32 to index
    %get3A_241 = arith.constant 80 : index
    %get3A_242 = tpu.vector_load %arg5[%get3A_240, %get3A_241] {strides = array<i32>} : memref<200x128xi32, #tpu.memory_space<vmem>>, vector<16xi32>,
    %dma_start3A_243 = arith.constant 80 : i32
    %dma_start3A_244 = arith.constant 0 : i32
    %dma_start3A_245 = tpu.memref_slice %arg8[%dma_start3A_243, %dma_start3A_244] : memref<128x64xf32, #tpu.memory_space<vmem>> -> memref<16x64xf32, #tpu.memory_space<vmem>>
    %dma_start3A_246 = arith.constant 0 : i32
    %dma_start3A_247 = arith.constant 0 : i32
    %dma_start3A_248 = tpu.memref_slice %arg3[%dma_start3A_246, %dma_start3A_247] : memref<2000000x64xf32, #tpu.memory_space<hbm>> -> memref<2000000x64xf32, #tpu.memory_space<hbm>>
    tpu.enqueue_indirect_dma source(%dma_start3A_248 : memref<2000000x64xf32, #tpu.memory_space<hbm>>) target(%dma_start3A_245 : memref<16x64xf32, #tpu.memory_space<vmem>>) offsets(%get3A_242 : vector<16xi32>) semaphore(%arg14 : memref<!tpu.dma_semaphore, #tpu.memory_space<semaphore_mem>>)
    %get3A_249 = arith.constant 2 : i32
    %get3A_250 = arith.index_cast %get3A_249 : i32 to index
    %get3A_251 = arith.constant 96 : index
    %get3A_252 = tpu.vector_load %arg5[%get3A_250, %get3A_251] {strides = array<i32>} : memref<200x128xi32, #tpu.memory_space<vmem>>, vector<16xi32>,
    %dma_start3A_253 = arith.constant 96 : i32
    %dma_start3A_254 = arith.constant 0 : i32
    %dma_start3A_255 = tpu.memref_slice %arg8[%dma_start3A_253, %dma_start3A_254] : memref<128x64xf32, #tpu.memory_space<vmem>> -> memref<16x64xf32, #tpu.memory_space<vmem>>
    %dma_start3A_256 = arith.constant 0 : i32
    %dma_start3A_257 = arith.constant 0 : i32
    %dma_start3A_258 = tpu.memref_slice %arg3[%dma_start3A_256, %dma_start3A_257] : memref<2000000x64xf32, #tpu.memory_space<hbm>> -> memref<2000000x64xf32, #tpu.memory_space<hbm>>
    tpu.enqueue_indirect_dma source(%dma_start3A_258 : memref<2000000x64xf32, #tpu.memory_space<hbm>>) target(%dma_start3A_255 : memref<16x64xf32, #tpu.memory_space<vmem>>) offsets(%get3A_252 : vector<16xi32>) semaphore(%arg14 : memref<!tpu.dma_semaphore, #tpu.memory_space<semaphore_mem>>)
    %get3A_259 = arith.constant 2 : i32
    %get3A_260 = arith.index_cast %get3A_259 : i32 to index
    %get3A_261 = arith.constant 112 : index
    %get3A_262 = tpu.vector_load %arg5[%get3A_260, %get3A_261] {strides = array<i32>} : memref<200x128xi32, #tpu.memory_space<vmem>>, vector<16xi32>,
    %dma_start3A_263 = arith.constant 112 : i32
    %dma_start3A_264 = arith.constant 0 : i32
    %dma_start3A_265 = tpu.memref_slice %arg8[%dma_start3A_263, %dma_start3A_264] : memref<128x64xf32, #tpu.memory_space<vmem>> -> memref<16x64xf32, #tpu.memory_space<vmem>>
    %dma_start3A_266 = arith.constant 0 : i32
    %dma_start3A_267 = arith.constant 0 : i32
    %dma_start3A_268 = tpu.memref_slice %arg3[%dma_start3A_266, %dma_start3A_267] : memref<2000000x64xf32, #tpu.memory_space<hbm>> -> memref<2000000x64xf32, #tpu.memory_space<hbm>>
    tpu.enqueue_indirect_dma source(%dma_start3A_268 : memref<2000000x64xf32, #tpu.memory_space<hbm>>) target(%dma_start3A_265 : memref<16x64xf32, #tpu.memory_space<vmem>>) offsets(%get3A_262 : vector<16xi32>) semaphore(%arg14 : memref<!tpu.dma_semaphore, #tpu.memory_space<semaphore_mem>>)
    %get3A_269 = arith.constant 3 : i32
    %get3A_270 = arith.index_cast %get3A_269 : i32 to index
    %get3A_271 = arith.constant 0 : index
    %get3A_272 = tpu.vector_load %arg5[%get3A_270, %get3A_271] {strides = array<i32>} : memref<200x128xi32, #tpu.memory_space<vmem>>, vector<16xi32>,
    %dma_start3A_273 = arith.constant 0 : i32
    %dma_start3A_274 = arith.constant 0 : i32
    %dma_start3A_275 = tpu.memref_slice %arg9[%dma_start3A_273, %dma_start3A_274] : memref<128x64xf32, #tpu.memory_space<vmem>> -> memref<16x64xf32, #tpu.memory_space<vmem>>
    %dma_start3A_276 = arith.constant 0 : i32
    %dma_start3A_277 = arith.constant 0 : i32
    %dma_start3A_278 = tpu.memref_slice %arg3[%dma_start3A_276, %dma_start3A_277] : memref<2000000x64xf32, #tpu.memory_space<hbm>> -> memref<2000000x64xf32, #tpu.memory_space<hbm>>
    tpu.enqueue_indirect_dma source(%dma_start3A_278 : memref<2000000x64xf32, #tpu.memory_space<hbm>>) target(%dma_start3A_275 : memref<16x64xf32, #tpu.memory_space<vmem>>) offsets(%get3A_272 : vector<16xi32>) semaphore(%arg15 : memref<!tpu.dma_semaphore, #tpu.memory_space<semaphore_mem>>)
    %get3A_279 = arith.constant 3 : i32
    %get3A_280 = arith.index_cast %get3A_279 : i32 to index
    %get3A_281 = arith.constant 16 : index
    %get3A_282 = tpu.vector_load %arg5[%get3A_280, %get3A_281] {strides = array<i32>} : memref<200x128xi32, #tpu.memory_space<vmem>>, vector<16xi32>,
    %dma_start3A_283 = arith.constant 16 : i32
    %dma_start3A_284 = arith.constant 0 : i32
    %dma_start3A_285 = tpu.memref_slice %arg9[%dma_start3A_283, %dma_start3A_284] : memref<128x64xf32, #tpu.memory_space<vmem>> -> memref<16x64xf32, #tpu.memory_space<vmem>>
    %dma_start3A_286 = arith.constant 0 : i32
    %dma_start3A_287 = arith.constant 0 : i32
    %dma_start3A_288 = tpu.memref_slice %arg3[%dma_start3A_286, %dma_start3A_287] : memref<2000000x64xf32, #tpu.memory_space<hbm>> -> memref<2000000x64xf32, #tpu.memory_space<hbm>>
    tpu.enqueue_indirect_dma source(%dma_start3A_288 : memref<2000000x64xf32, #tpu.memory_space<hbm>>) target(%dma_start3A_285 : memref<16x64xf32, #tpu.memory_space<vmem>>) offsets(%get3A_282 : vector<16xi32>) semaphore(%arg15 : memref<!tpu.dma_semaphore, #tpu.memory_space<semaphore_mem>>)
    %get3A_289 = arith.constant 3 : i32
    %get3A_290 = arith.index_cast %get3A_289 : i32 to index
    %get3A_291 = arith.constant 32 : index
    %get3A_292 = tpu.vector_load %arg5[%get3A_290, %get3A_291] {strides = array<i32>} : memref<200x128xi32, #tpu.memory_space<vmem>>, vector<16xi32>,
    %dma_start3A_293 = arith.constant 32 : i32
    %dma_start3A_294 = arith.constant 0 : i32
    %dma_start3A_295 = tpu.memref_slice %arg9[%dma_start3A_293, %dma_start3A_294] : memref<128x64xf32, #tpu.memory_space<vmem>> -> memref<16x64xf32, #tpu.memory_space<vmem>>
    %dma_start3A_296 = arith.constant 0 : i32
    %dma_start3A_297 = arith.constant 0 : i32
    %dma_start3A_298 = tpu.memref_slice %arg3[%dma_start3A_296, %dma_start3A_297] : memref<2000000x64xf32, #tpu.memory_space<hbm>> -> memref<2000000x64xf32, #tpu.memory_space<hbm>>
    tpu.enqueue_indirect_dma source(%dma_start3A_298 : memref<2000000x64xf32, #tpu.memory_space<hbm>>) target(%dma_start3A_295 : memref<16x64xf32, #tpu.memory_space<vmem>>) offsets(%get3A_292 : vector<16xi32>) semaphore(%arg15 : memref<!tpu.dma_semaphore, #tpu.memory_space<semaphore_mem>>)
    %get3A_299 = arith.constant 3 : i32
    %get3A_300 = arith.index_cast %get3A_299 : i32 to index
    %get3A_301 = arith.constant 48 : index
    %get3A_302 = tpu.vector_load %arg5[%get3A_300, %get3A_301] {strides = array<i32>} : memref<200x128xi32, #tpu.memory_space<vmem>>, vector<16xi32>,
    %dma_start3A_303 = arith.constant 48 : i32
    %dma_start3A_304 = arith.constant 0 : i32
    %dma_start3A_305 = tpu.memref_slice %arg9[%dma_start3A_303, %dma_start3A_304] : memref<128x64xf32, #tpu.memory_space<vmem>> -> memref<16x64xf32, #tpu.memory_space<vmem>>
    %dma_start3A_306 = arith.constant 0 : i32
    %dma_start3A_307 = arith.constant 0 : i32
    %dma_start3A_308 = tpu.memref_slice %arg3[%dma_start3A_306, %dma_start3A_307] : memref<2000000x64xf32, #tpu.memory_space<hbm>> -> memref<2000000x64xf32, #tpu.memory_space<hbm>>
    tpu.enqueue_indirect_dma source(%dma_start3A_308 : memref<2000000x64xf32, #tpu.memory_space<hbm>>) target(%dma_start3A_305 : memref<16x64xf32, #tpu.memory_space<vmem>>) offsets(%get3A_302 : vector<16xi32>) semaphore(%arg15 : memref<!tpu.dma_semaphore, #tpu.memory_space<semaphore_mem>>)
    %get3A_309 = arith.constant 3 : i32
    %get3A_310 = arith.index_cast %get3A_309 : i32 to index
    %get3A_311 = arith.constant 64 : index
    %get3A_312 = tpu.vector_load %arg5[%get3A_310, %get3A_311] {strides = array<i32>} : memref<200x128xi32, #tpu.memory_space<vmem>>, vector<16xi32>,
    %dma_start3A_313 = arith.constant 64 : i32
    %dma_start3A_314 = arith.constant 0 : i32
    %dma_start3A_315 = tpu.memref_slice %arg9[%dma_start3A_313, %dma_start3A_314] : memref<128x64xf32, #tpu.memory_space<vmem>> -> memref<16x64xf32, #tpu.memory_space<vmem>>
    %dma_start3A_316 = arith.constant 0 : i32
    %dma_start3A_317 = arith.constant 0 : i32
    %dma_start3A_318 = tpu.memref_slice %arg3[%dma_start3A_316, %dma_start3A_317] : memref<2000000x64xf32, #tpu.memory_space<hbm>> -> memref<2000000x64xf32, #tpu.memory_space<hbm>>
    tpu.enqueue_indirect_dma source(%dma_start3A_318 : memref<2000000x64xf32, #tpu.memory_space<hbm>>) target(%dma_start3A_315 : memref<16x64xf32, #tpu.memory_space<vmem>>) offsets(%get3A_312 : vector<16xi32>) semaphore(%arg15 : memref<!tpu.dma_semaphore, #tpu.memory_space<semaphore_mem>>)
    %get3A_319 = arith.constant 3 : i32
    %get3A_320 = arith.index_cast %get3A_319 : i32 to index
    %get3A_321 = arith.constant 80 : index
    %get3A_322 = tpu.vector_load %arg5[%get3A_320, %get3A_321] {strides = array<i32>} : memref<200x128xi32, #tpu.memory_space<vmem>>, vector<16xi32>,
    %dma_start3A_323 = arith.constant 80 : i32
    %dma_start3A_324 = arith.constant 0 : i32
    %dma_start3A_325 = tpu.memref_slice %arg9[%dma_start3A_323, %dma_start3A_324] : memref<128x64xf32, #tpu.memory_space<vmem>> -> memref<16x64xf32, #tpu.memory_space<vmem>>
    %dma_start3A_326 = arith.constant 0 : i32
    %dma_start3A_327 = arith.constant 0 : i32
    %dma_start3A_328 = tpu.memref_slice %arg3[%dma_start3A_326, %dma_start3A_327] : memref<2000000x64xf32, #tpu.memory_space<hbm>> -> memref<2000000x64xf32, #tpu.memory_space<hbm>>
    tpu.enqueue_indirect_dma source(%dma_start3A_328 : memref<2000000x64xf32, #tpu.memory_space<hbm>>) target(%dma_start3A_325 : memref<16x64xf32, #tpu.memory_space<vmem>>) offsets(%get3A_322 : vector<16xi32>) semaphore(%arg15 : memref<!tpu.dma_semaphore, #tpu.memory_space<semaphore_mem>>)
    %get3A_329 = arith.constant 3 : i32
    %get3A_330 = arith.index_cast %get3A_329 : i32 to index
    %get3A_331 = arith.constant 96 : index
    %get3A_332 = tpu.vector_load %arg5[%get3A_330, %get3A_331] {strides = array<i32>} : memref<200x128xi32, #tpu.memory_space<vmem>>, vector<16xi32>,
    %dma_start3A_333 = arith.constant 96 : i32
    %dma_start3A_334 = arith.constant 0 : i32
    %dma_start3A_335 = tpu.memref_slice %arg9[%dma_start3A_333, %dma_start3A_334] : memref<128x64xf32, #tpu.memory_space<vmem>> -> memref<16x64xf32, #tpu.memory_space<vmem>>
    %dma_start3A_336 = arith.constant 0 : i32
    %dma_start3A_337 = arith.constant 0 : i32
    %dma_start3A_338 = tpu.memref_slice %arg3[%dma_start3A_336, %dma_start3A_337] : memref<2000000x64xf32, #tpu.memory_space<hbm>> -> memref<2000000x64xf32, #tpu.memory_space<hbm>>
    tpu.enqueue_indirect_dma source(%dma_start3A_338 : memref<2000000x64xf32, #tpu.memory_space<hbm>>) target(%dma_start3A_335 : memref<16x64xf32, #tpu.memory_space<vmem>>) offsets(%get3A_332 : vector<16xi32>) semaphore(%arg15 : memref<!tpu.dma_semaphore, #tpu.memory_space<semaphore_mem>>)
    %get3A_339 = arith.constant 3 : i32
    %get3A_340 = arith.index_cast %get3A_339 : i32 to index
    %get3A_341 = arith.constant 112 : index
    %get3A_342 = tpu.vector_load %arg5[%get3A_340, %get3A_341] {strides = array<i32>} : memref<200x128xi32, #tpu.memory_space<vmem>>, vector<16xi32>,
    %dma_start3A_343 = arith.constant 112 : i32
    %dma_start3A_344 = arith.constant 0 : i32
    %dma_start3A_345 = tpu.memref_slice %arg9[%dma_start3A_343, %dma_start3A_344] : memref<128x64xf32, #tpu.memory_space<vmem>> -> memref<16x64xf32, #tpu.memory_space<vmem>>
    %dma_start3A_346 = arith.constant 0 : i32
    %dma_start3A_347 = arith.constant 0 : i32
    %dma_start3A_348 = tpu.memref_slice %arg3[%dma_start3A_346, %dma_start3A_347] : memref<2000000x64xf32, #tpu.memory_space<hbm>> -> memref<2000000x64xf32, #tpu.memory_space<hbm>>
    tpu.enqueue_indirect_dma source(%dma_start3A_348 : memref<2000000x64xf32, #tpu.memory_space<hbm>>) target(%dma_start3A_345 : memref<16x64xf32, #tpu.memory_space<vmem>>) offsets(%get3A_342 : vector<16xi32>) semaphore(%arg15 : memref<!tpu.dma_semaphore, #tpu.memory_space<semaphore_mem>>)
    %scan3A = arith.constant 0 : i32
    %scan3A_349 = arith.constant 0 : i32
    %scan3A_350 = arith.constant 50 : i32
    %scan3A_351 = arith.addi %scan3A_349, %scan3A_350 : i32
    %scan3A_352 = arith.constant 1 : i32
    scf.for %scan3A_375 = %scan3A_349 to %scan3A_351 step %scan3A_352  : i32 {
      %mul3A_376 = arith.constant 4 : i32
      %mul3A_377 = arith.muli %mul3A_376, %scan3A_375 : i32
      %add3A_378 = arith.constant 0 : i32
      %add3A_379 = arith.addi %mul3A_377, %add3A_378 : i32
      %dma_wait3A_380 = arith.constant 0 : i32
      %dma_wait3A_381 = arith.constant 0 : i32
      %dma_wait3A_382 = tpu.memref_slice %arg3[%dma_wait3A_380, %dma_wait3A_381] : memref<2000000x64xf32, #tpu.memory_space<hbm>> -> memref<128x64xf32, #tpu.memory_space<hbm>>
      %dma_wait3A_383 = arith.constant 0 : i32
      %dma_wait3A_384 = arith.constant 0 : i32
      %dma_wait3A_385 = tpu.memref_slice %arg3[%dma_wait3A_383, %dma_wait3A_384] : memref<2000000x64xf32, #tpu.memory_space<hbm>> -> memref<128x64xf32, #tpu.memory_space<hbm>>
      tpu.wait_dma2 semaphore(%arg12 : memref<!tpu.dma_semaphore, #tpu.memory_space<semaphore_mem>>) src(%dma_wait3A_385 : memref<128x64xf32, #tpu.memory_space<hbm>>) dst(%arg6 : memref<128x64xf32, #tpu.memory_space<vmem>>)
      %ge3A = arith.constant 2 : i32
      %ge3A_386 = arith.cmpi sge, %add3A_379, %ge3A : i32
      %convert_element_type3A = arith.extui %ge3A_386 : i1 to i32
      %cond3A = arith.constant 0 : i32
      %cond3A_387 = arith.cmpi ne, %convert_element_type3A, %cond3A : i32
      scf.if %cond3A_387 {
        %dma_wait3A_511 = arith.constant 0 : i32
        %dma_wait3A_512 = arith.constant 0 : i32
        %dma_wait3A_513 = arith.constant 0 : i32
        %dma_wait3A_514 = arith.constant 0 : i32
        %dma_wait3A_515 = tpu.memref_slice %arg4[%dma_wait3A_511, %dma_wait3A_512, %add3A, %dma_wait3A_513, %dma_wait3A_514] : memref<200x8x32x8x128xf32, #tpu.memory_space<hbm>> -> memref<1x8x1x8x128xf32, #tpu.memory_space<hbm>>
        %dma_wait3A_516 = tpu.memref_squeeze %dma_wait3A_515 : memref<1x8x1x8x128xf32, #tpu.memory_space<hbm>> -> memref<8x8x128xf32, #tpu.memory_space<hbm>>
        %dma_wait3A_517 = arith.constant 0 : i32
        %dma_wait3A_518 = arith.constant 0 : i32
        %dma_wait3A_519 = arith.constant 0 : i32
        %dma_wait3A_520 = tpu.memref_slice %arg4[%dma_wait3A_511, %dma_wait3A_517, %add3A, %dma_wait3A_518, %dma_wait3A_519] : memref<200x8x32x8x128xf32, #tpu.memory_space<hbm>> -> memref<1x8x1x8x128xf32, #tpu.memory_space<hbm>>
        %dma_wait3A_521 = tpu.memref_squeeze %dma_wait3A_520 : memref<1x8x1x8x128xf32, #tpu.memory_space<hbm>> -> memref<8x8x128xf32, #tpu.memory_space<hbm>>
        tpu.wait_dma2 semaphore(%arg16 : memref<!tpu.dma_semaphore, #tpu.memory_space<semaphore_mem>>) src(%dma_wait3A_521 : memref<8x8x128xf32, #tpu.memory_space<hbm>>) dst(%arg10 : memref<8x8x128xf32, #tpu.memory_space<vmem>>)
      } else {
      }
      %parallel_loop3A = arith.constant 0 : i32
      %parallel_loop3A_388 = arith.constant 128 : i32
      %parallel_loop3A_389 = arith.constant 1 : i32
      scf.for %parallel_loop3A_511 = %parallel_loop3A to %parallel_loop3A_388 step %parallel_loop3A_389  : i32 {
        %parallel_loop3A_512 = vector.broadcast %parallel_loop3A_511 : i32 to vector<16xi32>
        %parallel_loop3A_513 = arith.addi %mul3A_5, %parallel_loop3A_512 : vector<16xi32>
        %parallel_loop3A_514 = arith.index_cast %parallel_loop3A_511 : i32 to index
        %parallel_loop3A_515 = arith.constant 0 : index
        %parallel_loop3A_516 = tpu.vector_load %arg6[%parallel_loop3A_514, %parallel_loop3A_515] {strides = array<i32>} : memref<128x64xf32, #tpu.memory_space<vmem>>, vector<16xf32>,
        tpu.vector_store_idx %arg10[%add3A_10, %and3A_30, %parallel_loop3A_513], %parallel_loop3A_516 : memref<8x8x128xf32, #tpu.memory_space<vmem>>[vector<16xi32>, vector<16xi32>, vector<16xi32>], vector<16xf32>,
        %parallel_loop3A_517 = arith.index_cast %parallel_loop3A_511 : i32 to index
        %parallel_loop3A_518 = arith.constant 16 : index
        %parallel_loop3A_519 = tpu.vector_load %arg6[%parallel_loop3A_517, %parallel_loop3A_518] {strides = array<i32>} : memref<128x64xf32, #tpu.memory_space<vmem>>, vector<16xf32>,
        tpu.vector_store_idx %arg10[%add3A_16, %and3A_30, %parallel_loop3A_513], %parallel_loop3A_519 : memref<8x8x128xf32, #tpu.memory_space<vmem>>[vector<16xi32>, vector<16xi32>, vector<16xi32>], vector<16xf32>,
        %parallel_loop3A_520 = arith.index_cast %parallel_loop3A_511 : i32 to index
        %parallel_loop3A_521 = arith.constant 32 : index
        %parallel_loop3A_522 = tpu.vector_load %arg6[%parallel_loop3A_520, %parallel_loop3A_521] {strides = array<i32>} : memref<128x64xf32, #tpu.memory_space<vmem>>, vector<16xf32>,
        tpu.vector_store_idx %arg10[%add3A_22, %and3A_30, %parallel_loop3A_513], %parallel_loop3A_522 : memref<8x8x128xf32, #tpu.memory_space<vmem>>[vector<16xi32>, vector<16xi32>, vector<16xi32>], vector<16xf32>,
        %parallel_loop3A_523 = arith.index_cast %parallel_loop3A_511 : i32 to index
        %parallel_loop3A_524 = arith.constant 48 : index
        %parallel_loop3A_525 = tpu.vector_load %arg6[%parallel_loop3A_523, %parallel_loop3A_524] {strides = array<i32>} : memref<128x64xf32, #tpu.memory_space<vmem>>, vector<16xf32>,
        tpu.vector_store_idx %arg10[%add3A_28, %and3A_30, %parallel_loop3A_513], %parallel_loop3A_525 : memref<8x8x128xf32, #tpu.memory_space<vmem>>[vector<16xi32>, vector<16xi32>, vector<16xi32>], vector<16xf32>,
      } {sc.loop_unroll_factor = 8 : i64, sc.parallel_access}
      %add3A_390 = arith.constant 4 : i32
      %add3A_391 = arith.addi %add3A_379, %add3A_390 : i32
      %lt3A = arith.constant 200 : i32
      %lt3A_392 = arith.cmpi slt, %add3A_391, %lt3A : i32
      %convert_element_type3A_393 = arith.extui %lt3A_392 : i1 to i32
      %cond3A_394 = arith.constant 0 : i32
      %cond3A_395 = arith.cmpi ne, %convert_element_type3A_393, %cond3A_394 : i32
      scf.if %cond3A_395 {
        %add3A_511 = arith.constant 4 : i32
        %add3A_512 = arith.addi %add3A_379, %add3A_511 : i32
        %get3A_513 = arith.index_cast %add3A_512 : i32 to index
        %get3A_514 = arith.constant 0 : index
        %get3A_515 = tpu.vector_load %arg5[%get3A_513, %get3A_514] {strides = array<i32>} : memref<200x128xi32, #tpu.memory_space<vmem>>, vector<16xi32>,
        %dma_start3A_516 = arith.constant 0 : i32
        %dma_start3A_517 = arith.constant 0 : i32
        %dma_start3A_518 = tpu.memref_slice %arg6[%dma_start3A_516, %dma_start3A_517] : memref<128x64xf32, #tpu.memory_space<vmem>> -> memref<16x64xf32, #tpu.memory_space<vmem>>
        %dma_start3A_519 = arith.constant 0 : i32
        %dma_start3A_520 = arith.constant 0 : i32
        %dma_start3A_521 = tpu.memref_slice %arg3[%dma_start3A_519, %dma_start3A_520] : memref<2000000x64xf32, #tpu.memory_space<hbm>> -> memref<2000000x64xf32, #tpu.memory_space<hbm>>
        tpu.enqueue_indirect_dma source(%dma_start3A_521 : memref<2000000x64xf32, #tpu.memory_space<hbm>>) target(%dma_start3A_518 : memref<16x64xf32, #tpu.memory_space<vmem>>) offsets(%get3A_515 : vector<16xi32>) semaphore(%arg12 : memref<!tpu.dma_semaphore, #tpu.memory_space<semaphore_mem>>)
        %get3A_522 = arith.index_cast %add3A_512 : i32 to index
        %get3A_523 = arith.constant 16 : index
        %get3A_524 = tpu.vector_load %arg5[%get3A_522, %get3A_523] {strides = array<i32>} : memref<200x128xi32, #tpu.memory_space<vmem>>, vector<16xi32>,
        %dma_start3A_525 = arith.constant 16 : i32
        %dma_start3A_526 = arith.constant 0 : i32
        %dma_start3A_527 = tpu.memref_slice %arg6[%dma_start3A_525, %dma_start3A_526] : memref<128x64xf32, #tpu.memory_space<vmem>> -> memref<16x64xf32, #tpu.memory_space<vmem>>
        %dma_start3A_528 = arith.constant 0 : i32
        %dma_start3A_529 = arith.constant 0 : i32
        %dma_start3A_530 = tpu.memref_slice %arg3[%dma_start3A_528, %dma_start3A_529] : memref<2000000x64xf32, #tpu.memory_space<hbm>> -> memref<2000000x64xf32, #tpu.memory_space<hbm>>
        tpu.enqueue_indirect_dma source(%dma_start3A_530 : memref<2000000x64xf32, #tpu.memory_space<hbm>>) target(%dma_start3A_527 : memref<16x64xf32, #tpu.memory_space<vmem>>) offsets(%get3A_524 : vector<16xi32>) semaphore(%arg12 : memref<!tpu.dma_semaphore, #tpu.memory_space<semaphore_mem>>)
        %get3A_531 = arith.index_cast %add3A_512 : i32 to index
        %get3A_532 = arith.constant 32 : index
        %get3A_533 = tpu.vector_load %arg5[%get3A_531, %get3A_532] {strides = array<i32>} : memref<200x128xi32, #tpu.memory_space<vmem>>, vector<16xi32>,
        %dma_start3A_534 = arith.constant 32 : i32
        %dma_start3A_535 = arith.constant 0 : i32
        %dma_start3A_536 = tpu.memref_slice %arg6[%dma_start3A_534, %dma_start3A_535] : memref<128x64xf32, #tpu.memory_space<vmem>> -> memref<16x64xf32, #tpu.memory_space<vmem>>
        %dma_start3A_537 = arith.constant 0 : i32
        %dma_start3A_538 = arith.constant 0 : i32
        %dma_start3A_539 = tpu.memref_slice %arg3[%dma_start3A_537, %dma_start3A_538] : memref<2000000x64xf32, #tpu.memory_space<hbm>> -> memref<2000000x64xf32, #tpu.memory_space<hbm>>
        tpu.enqueue_indirect_dma source(%dma_start3A_539 : memref<2000000x64xf32, #tpu.memory_space<hbm>>) target(%dma_start3A_536 : memref<16x64xf32, #tpu.memory_space<vmem>>) offsets(%get3A_533 : vector<16xi32>) semaphore(%arg12 : memref<!tpu.dma_semaphore, #tpu.memory_space<semaphore_mem>>)
        %get3A_540 = arith.index_cast %add3A_512 : i32 to index
        %get3A_541 = arith.constant 48 : index
        %get3A_542 = tpu.vector_load %arg5[%get3A_540, %get3A_541] {strides = array<i32>} : memref<200x128xi32, #tpu.memory_space<vmem>>, vector<16xi32>,
        %dma_start3A_543 = arith.constant 48 : i32
        %dma_start3A_544 = arith.constant 0 : i32
        %dma_start3A_545 = tpu.memref_slice %arg6[%dma_start3A_543, %dma_start3A_544] : memref<128x64xf32, #tpu.memory_space<vmem>> -> memref<16x64xf32, #tpu.memory_space<vmem>>
        %dma_start3A_546 = arith.constant 0 : i32
        %dma_start3A_547 = arith.constant 0 : i32
        %dma_start3A_548 = tpu.memref_slice %arg3[%dma_start3A_546, %dma_start3A_547] : memref<2000000x64xf32, #tpu.memory_space<hbm>> -> memref<2000000x64xf32, #tpu.memory_space<hbm>>
        tpu.enqueue_indirect_dma source(%dma_start3A_548 : memref<2000000x64xf32, #tpu.memory_space<hbm>>) target(%dma_start3A_545 : memref<16x64xf32, #tpu.memory_space<vmem>>) offsets(%get3A_542 : vector<16xi32>) semaphore(%arg12 : memref<!tpu.dma_semaphore, #tpu.memory_space<semaphore_mem>>)
        %get3A_549 = arith.index_cast %add3A_512 : i32 to index
        %get3A_550 = arith.constant 64 : index
        %get3A_551 = tpu.vector_load %arg5[%get3A_549, %get3A_550] {strides = array<i32>} : memref<200x128xi32, #tpu.memory_space<vmem>>, vector<16xi32>,
        %dma_start3A_552 = arith.constant 64 : i32
        %dma_start3A_553 = arith.constant 0 : i32
        %dma_start3A_554 = tpu.memref_slice %arg6[%dma_start3A_552, %dma_start3A_553] : memref<128x64xf32, #tpu.memory_space<vmem>> -> memref<16x64xf32, #tpu.memory_space<vmem>>
        %dma_start3A_555 = arith.constant 0 : i32
        %dma_start3A_556 = arith.constant 0 : i32
        %dma_start3A_557 = tpu.memref_slice %arg3[%dma_start3A_555, %dma_start3A_556] : memref<2000000x64xf32, #tpu.memory_space<hbm>> -> memref<2000000x64xf32, #tpu.memory_space<hbm>>
        tpu.enqueue_indirect_dma source(%dma_start3A_557 : memref<2000000x64xf32, #tpu.memory_space<hbm>>) target(%dma_start3A_554 : memref<16x64xf32, #tpu.memory_space<vmem>>) offsets(%get3A_551 : vector<16xi32>) semaphore(%arg12 : memref<!tpu.dma_semaphore, #tpu.memory_space<semaphore_mem>>)
        %get3A_558 = arith.index_cast %add3A_512 : i32 to index
        %get3A_559 = arith.constant 80 : index
        %get3A_560 = tpu.vector_load %arg5[%get3A_558, %get3A_559] {strides = array<i32>} : memref<200x128xi32, #tpu.memory_space<vmem>>, vector<16xi32>,
        %dma_start3A_561 = arith.constant 80 : i32
        %dma_start3A_562 = arith.constant 0 : i32
        %dma_start3A_563 = tpu.memref_slice %arg6[%dma_start3A_561, %dma_start3A_562] : memref<128x64xf32, #tpu.memory_space<vmem>> -> memref<16x64xf32, #tpu.memory_space<vmem>>
        %dma_start3A_564 = arith.constant 0 : i32
        %dma_start3A_565 = arith.constant 0 : i32
        %dma_start3A_566 = tpu.memref_slice %arg3[%dma_start3A_564, %dma_start3A_565] : memref<2000000x64xf32, #tpu.memory_space<hbm>> -> memref<2000000x64xf32, #tpu.memory_space<hbm>>
        tpu.enqueue_indirect_dma source(%dma_start3A_566 : memref<2000000x64xf32, #tpu.memory_space<hbm>>) target(%dma_start3A_563 : memref<16x64xf32, #tpu.memory_space<vmem>>) offsets(%get3A_560 : vector<16xi32>) semaphore(%arg12 : memref<!tpu.dma_semaphore, #tpu.memory_space<semaphore_mem>>)
        %get3A_567 = arith.index_cast %add3A_512 : i32 to index
        %get3A_568 = arith.constant 96 : index
        %get3A_569 = tpu.vector_load %arg5[%get3A_567, %get3A_568] {strides = array<i32>} : memref<200x128xi32, #tpu.memory_space<vmem>>, vector<16xi32>,
        %dma_start3A_570 = arith.constant 96 : i32
        %dma_start3A_571 = arith.constant 0 : i32
        %dma_start3A_572 = tpu.memref_slice %arg6[%dma_start3A_570, %dma_start3A_571] : memref<128x64xf32, #tpu.memory_space<vmem>> -> memref<16x64xf32, #tpu.memory_space<vmem>>
        %dma_start3A_573 = arith.constant 0 : i32
        %dma_start3A_574 = arith.constant 0 : i32
        %dma_start3A_575 = tpu.memref_slice %arg3[%dma_start3A_573, %dma_start3A_574] : memref<2000000x64xf32, #tpu.memory_space<hbm>> -> memref<2000000x64xf32, #tpu.memory_space<hbm>>
        tpu.enqueue_indirect_dma source(%dma_start3A_575 : memref<2000000x64xf32, #tpu.memory_space<hbm>>) target(%dma_start3A_572 : memref<16x64xf32, #tpu.memory_space<vmem>>) offsets(%get3A_569 : vector<16xi32>) semaphore(%arg12 : memref<!tpu.dma_semaphore, #tpu.memory_space<semaphore_mem>>)
        %get3A_576 = arith.index_cast %add3A_512 : i32 to index
        %get3A_577 = arith.constant 112 : index
        %get3A_578 = tpu.vector_load %arg5[%get3A_576, %get3A_577] {strides = array<i32>} : memref<200x128xi32, #tpu.memory_space<vmem>>, vector<16xi32>,
        %dma_start3A_579 = arith.constant 112 : i32
        %dma_start3A_580 = arith.constant 0 : i32
        %dma_start3A_581 = tpu.memref_slice %arg6[%dma_start3A_579, %dma_start3A_580] : memref<128x64xf32, #tpu.memory_space<vmem>> -> memref<16x64xf32, #tpu.memory_space<vmem>>
        %dma_start3A_582 = arith.constant 0 : i32
        %dma_start3A_583 = arith.constant 0 : i32
        %dma_start3A_584 = tpu.memref_slice %arg3[%dma_start3A_582, %dma_start3A_583] : memref<2000000x64xf32, #tpu.memory_space<hbm>> -> memref<2000000x64xf32, #tpu.memory_space<hbm>>
        tpu.enqueue_indirect_dma source(%dma_start3A_584 : memref<2000000x64xf32, #tpu.memory_space<hbm>>) target(%dma_start3A_581 : memref<16x64xf32, #tpu.memory_space<vmem>>) offsets(%get3A_578 : vector<16xi32>) semaphore(%arg12 : memref<!tpu.dma_semaphore, #tpu.memory_space<semaphore_mem>>)
      } else {
      }
      %dma_start3A_396 = arith.constant 0 : i32
      %dma_start3A_397 = arith.constant 0 : i32
      %dma_start3A_398 = arith.constant 0 : i32
      %dma_start3A_399 = tpu.memref_slice %arg4[%add3A_379, %dma_start3A_396, %add3A, %dma_start3A_397, %dma_start3A_398] : memref<200x8x32x8x128xf32, #tpu.memory_space<hbm>> -> memref<1x8x1x8x128xf32, #tpu.memory_space<hbm>>
      %dma_start3A_400 = tpu.memref_squeeze %dma_start3A_399 : memref<1x8x1x8x128xf32, #tpu.memory_space<hbm>> -> memref<8x8x128xf32, #tpu.memory_space<hbm>>
      %dma_start3A_401 = arith.constant 0 : i32
      %dma_start3A_402 = arith.constant 0 : i32
      %dma_start3A_403 = arith.constant 0 : i32
      %dma_start3A_404 = tpu.memref_slice %arg4[%add3A_379, %dma_start3A_401, %add3A, %dma_start3A_402, %dma_start3A_403] : memref<200x8x32x8x128xf32, #tpu.memory_space<hbm>> -> memref<1x8x1x8x128xf32, #tpu.memory_space<hbm>>
      %dma_start3A_405 = tpu.memref_squeeze %dma_start3A_404 : memref<1x8x1x8x128xf32, #tpu.memory_space<hbm>> -> memref<8x8x128xf32, #tpu.memory_space<hbm>>
      tpu.enqueue_dma source(%arg10 : memref<8x8x128xf32, #tpu.memory_space<vmem>>) target(%dma_start3A_405 : memref<8x8x128xf32, #tpu.memory_space<hbm>>) target_semaphore(%arg16 : memref<!tpu.dma_semaphore, #tpu.memory_space<semaphore_mem>>)
      %mul3A_406 = arith.constant 4 : i32
      %mul3A_407 = arith.muli %mul3A_406, %scan3A_375 : i32
      %add3A_408 = arith.constant 1 : i32
      %add3A_409 = arith.addi %mul3A_407, %add3A_408 : i32
      %dma_wait3A_410 = arith.constant 0 : i32
      %dma_wait3A_411 = arith.constant 0 : i32
      %dma_wait3A_412 = tpu.memref_slice %arg3[%dma_wait3A_410, %dma_wait3A_411] : memref<2000000x64xf32, #tpu.memory_space<hbm>> -> memref<128x64xf32, #tpu.memory_space<hbm>>
      %dma_wait3A_413 = arith.constant 0 : i32
      %dma_wait3A_414 = arith.constant 0 : i32
      %dma_wait3A_415 = tpu.memref_slice %arg3[%dma_wait3A_413, %dma_wait3A_414] : memref<2000000x64xf32, #tpu.memory_space<hbm>> -> memref<128x64xf32, #tpu.memory_space<hbm>>
      tpu.wait_dma2 semaphore(%arg13 : memref<!tpu.dma_semaphore, #tpu.memory_space<semaphore_mem>>) src(%dma_wait3A_415 : memref<128x64xf32, #tpu.memory_space<hbm>>) dst(%arg7 : memref<128x64xf32, #tpu.memory_space<vmem>>)
      %ge3A_416 = arith.constant 2 : i32
      %ge3A_417 = arith.cmpi sge, %add3A_409, %ge3A_416 : i32
      %convert_element_type3A_418 = arith.extui %ge3A_417 : i1 to i32
      %cond3A_419 = arith.constant 0 : i32
      %cond3A_420 = arith.cmpi ne, %convert_element_type3A_418, %cond3A_419 : i32
      scf.if %cond3A_420 {
        %dma_wait3A_511 = arith.constant 0 : i32
        %dma_wait3A_512 = arith.constant 0 : i32
        %dma_wait3A_513 = arith.constant 0 : i32
        %dma_wait3A_514 = arith.constant 0 : i32
        %dma_wait3A_515 = tpu.memref_slice %arg4[%dma_wait3A_511, %dma_wait3A_512, %add3A, %dma_wait3A_513, %dma_wait3A_514] : memref<200x8x32x8x128xf32, #tpu.memory_space<hbm>> -> memref<1x8x1x8x128xf32, #tpu.memory_space<hbm>>
        %dma_wait3A_516 = tpu.memref_squeeze %dma_wait3A_515 : memref<1x8x1x8x128xf32, #tpu.memory_space<hbm>> -> memref<8x8x128xf32, #tpu.memory_space<hbm>>
        %dma_wait3A_517 = arith.constant 0 : i32
        %dma_wait3A_518 = arith.constant 0 : i32
        %dma_wait3A_519 = arith.constant 0 : i32
        %dma_wait3A_520 = tpu.memref_slice %arg4[%dma_wait3A_511, %dma_wait3A_517, %add3A, %dma_wait3A_518, %dma_wait3A_519] : memref<200x8x32x8x128xf32, #tpu.memory_space<hbm>> -> memref<1x8x1x8x128xf32, #tpu.memory_space<hbm>>
        %dma_wait3A_521 = tpu.memref_squeeze %dma_wait3A_520 : memref<1x8x1x8x128xf32, #tpu.memory_space<hbm>> -> memref<8x8x128xf32, #tpu.memory_space<hbm>>
        tpu.wait_dma2 semaphore(%arg17 : memref<!tpu.dma_semaphore, #tpu.memory_space<semaphore_mem>>) src(%dma_wait3A_521 : memref<8x8x128xf32, #tpu.memory_space<hbm>>) dst(%arg11 : memref<8x8x128xf32, #tpu.memory_space<vmem>>)
      } else {
      }
      %parallel_loop3A_421 = arith.constant 0 : i32
      %parallel_loop3A_422 = arith.constant 128 : i32
      %parallel_loop3A_423 = arith.constant 1 : i32
      scf.for %parallel_loop3A_511 = %parallel_loop3A_421 to %parallel_loop3A_422 step %parallel_loop3A_423  : i32 {
        %parallel_loop3A_512 = vector.broadcast %parallel_loop3A_511 : i32 to vector<16xi32>
        %parallel_loop3A_513 = arith.addi %mul3A_5, %parallel_loop3A_512 : vector<16xi32>
        %parallel_loop3A_514 = arith.index_cast %parallel_loop3A_511 : i32 to index
        %parallel_loop3A_515 = arith.constant 0 : index
        %parallel_loop3A_516 = tpu.vector_load %arg7[%parallel_loop3A_514, %parallel_loop3A_515] {strides = array<i32>} : memref<128x64xf32, #tpu.memory_space<vmem>>, vector<16xf32>,
        tpu.vector_store_idx %arg11[%add3A_10, %and3A_30, %parallel_loop3A_513], %parallel_loop3A_516 : memref<8x8x128xf32, #tpu.memory_space<vmem>>[vector<16xi32>, vector<16xi32>, vector<16xi32>], vector<16xf32>,
        %parallel_loop3A_517 = arith.index_cast %parallel_loop3A_511 : i32 to index
        %parallel_loop3A_518 = arith.constant 16 : index
        %parallel_loop3A_519 = tpu.vector_load %arg7[%parallel_loop3A_517, %parallel_loop3A_518] {strides = array<i32>} : memref<128x64xf32, #tpu.memory_space<vmem>>, vector<16xf32>,
        tpu.vector_store_idx %arg11[%add3A_16, %and3A_30, %parallel_loop3A_513], %parallel_loop3A_519 : memref<8x8x128xf32, #tpu.memory_space<vmem>>[vector<16xi32>, vector<16xi32>, vector<16xi32>], vector<16xf32>,
        %parallel_loop3A_520 = arith.index_cast %parallel_loop3A_511 : i32 to index
        %parallel_loop3A_521 = arith.constant 32 : index
        %parallel_loop3A_522 = tpu.vector_load %arg7[%parallel_loop3A_520, %parallel_loop3A_521] {strides = array<i32>} : memref<128x64xf32, #tpu.memory_space<vmem>>, vector<16xf32>,
        tpu.vector_store_idx %arg11[%add3A_22, %and3A_30, %parallel_loop3A_513], %parallel_loop3A_522 : memref<8x8x128xf32, #tpu.memory_space<vmem>>[vector<16xi32>, vector<16xi32>, vector<16xi32>], vector<16xf32>,
        %parallel_loop3A_523 = arith.index_cast %parallel_loop3A_511 : i32 to index
        %parallel_loop3A_524 = arith.constant 48 : index
        %parallel_loop3A_525 = tpu.vector_load %arg7[%parallel_loop3A_523, %parallel_loop3A_524] {strides = array<i32>} : memref<128x64xf32, #tpu.memory_space<vmem>>, vector<16xf32>,
        tpu.vector_store_idx %arg11[%add3A_28, %and3A_30, %parallel_loop3A_513], %parallel_loop3A_525 : memref<8x8x128xf32, #tpu.memory_space<vmem>>[vector<16xi32>, vector<16xi32>, vector<16xi32>], vector<16xf32>,
      } {sc.loop_unroll_factor = 8 : i64, sc.parallel_access}
      %add3A_424 = arith.constant 4 : i32
      %add3A_425 = arith.addi %add3A_409, %add3A_424 : i32
      %lt3A_426 = arith.constant 200 : i32
      %lt3A_427 = arith.cmpi slt, %add3A_425, %lt3A_426 : i32
      %convert_element_type3A_428 = arith.extui %lt3A_427 : i1 to i32
      %cond3A_429 = arith.constant 0 : i32
      %cond3A_430 = arith.cmpi ne, %convert_element_type3A_428, %cond3A_429 : i32
      scf.if %cond3A_430 {
        %add3A_511 = arith.constant 4 : i32
        %add3A_512 = arith.addi %add3A_409, %add3A_511 : i32
        %get3A_513 = arith.index_cast %add3A_512 : i32 to index
        %get3A_514 = arith.constant 0 : index
        %get3A_515 = tpu.vector_load %arg5[%get3A_513, %get3A_514] {strides = array<i32>} : memref<200x128xi32, #tpu.memory_space<vmem>>, vector<16xi32>,
        %dma_start3A_516 = arith.constant 0 : i32
        %dma_start3A_517 = arith.constant 0 : i32
        %dma_start3A_518 = tpu.memref_slice %arg7[%dma_start3A_516, %dma_start3A_517] : memref<128x64xf32, #tpu.memory_space<vmem>> -> memref<16x64xf32, #tpu.memory_space<vmem>>
        %dma_start3A_519 = arith.constant 0 : i32
        %dma_start3A_520 = arith.constant 0 : i32
        %dma_start3A_521 = tpu.memref_slice %arg3[%dma_start3A_519, %dma_start3A_520] : memref<2000000x64xf32, #tpu.memory_space<hbm>> -> memref<2000000x64xf32, #tpu.memory_space<hbm>>
        tpu.enqueue_indirect_dma source(%dma_start3A_521 : memref<2000000x64xf32, #tpu.memory_space<hbm>>) target(%dma_start3A_518 : memref<16x64xf32, #tpu.memory_space<vmem>>) offsets(%get3A_515 : vector<16xi32>) semaphore(%arg13 : memref<!tpu.dma_semaphore, #tpu.memory_space<semaphore_mem>>)
        %get3A_522 = arith.index_cast %add3A_512 : i32 to index
        %get3A_523 = arith.constant 16 : index
        %get3A_524 = tpu.vector_load %arg5[%get3A_522, %get3A_523] {strides = array<i32>} : memref<200x128xi32, #tpu.memory_space<vmem>>, vector<16xi32>,
        %dma_start3A_525 = arith.constant 16 : i32
        %dma_start3A_526 = arith.constant 0 : i32
        %dma_start3A_527 = tpu.memref_slice %arg7[%dma_start3A_525, %dma_start3A_526] : memref<128x64xf32, #tpu.memory_space<vmem>> -> memref<16x64xf32, #tpu.memory_space<vmem>>
        %dma_start3A_528 = arith.constant 0 : i32
        %dma_start3A_529 = arith.constant 0 : i32
        %dma_start3A_530 = tpu.memref_slice %arg3[%dma_start3A_528, %dma_start3A_529] : memref<2000000x64xf32, #tpu.memory_space<hbm>> -> memref<2000000x64xf32, #tpu.memory_space<hbm>>
        tpu.enqueue_indirect_dma source(%dma_start3A_530 : memref<2000000x64xf32, #tpu.memory_space<hbm>>) target(%dma_start3A_527 : memref<16x64xf32, #tpu.memory_space<vmem>>) offsets(%get3A_524 : vector<16xi32>) semaphore(%arg13 : memref<!tpu.dma_semaphore, #tpu.memory_space<semaphore_mem>>)
        %get3A_531 = arith.index_cast %add3A_512 : i32 to index
        %get3A_532 = arith.constant 32 : index
        %get3A_533 = tpu.vector_load %arg5[%get3A_531, %get3A_532] {strides = array<i32>} : memref<200x128xi32, #tpu.memory_space<vmem>>, vector<16xi32>,
        %dma_start3A_534 = arith.constant 32 : i32
        %dma_start3A_535 = arith.constant 0 : i32
        %dma_start3A_536 = tpu.memref_slice %arg7[%dma_start3A_534, %dma_start3A_535] : memref<128x64xf32, #tpu.memory_space<vmem>> -> memref<16x64xf32, #tpu.memory_space<vmem>>
        %dma_start3A_537 = arith.constant 0 : i32
        %dma_start3A_538 = arith.constant 0 : i32
        %dma_start3A_539 = tpu.memref_slice %arg3[%dma_start3A_537, %dma_start3A_538] : memref<2000000x64xf32, #tpu.memory_space<hbm>> -> memref<2000000x64xf32, #tpu.memory_space<hbm>>
        tpu.enqueue_indirect_dma source(%dma_start3A_539 : memref<2000000x64xf32, #tpu.memory_space<hbm>>) target(%dma_start3A_536 : memref<16x64xf32, #tpu.memory_space<vmem>>) offsets(%get3A_533 : vector<16xi32>) semaphore(%arg13 : memref<!tpu.dma_semaphore, #tpu.memory_space<semaphore_mem>>)
        %get3A_540 = arith.index_cast %add3A_512 : i32 to index
        %get3A_541 = arith.constant 48 : index
        %get3A_542 = tpu.vector_load %arg5[%get3A_540, %get3A_541] {strides = array<i32>} : memref<200x128xi32, #tpu.memory_space<vmem>>, vector<16xi32>,
        %dma_start3A_543 = arith.constant 48 : i32
        %dma_start3A_544 = arith.constant 0 : i32
        %dma_start3A_545 = tpu.memref_slice %arg7[%dma_start3A_543, %dma_start3A_544] : memref<128x64xf32, #tpu.memory_space<vmem>> -> memref<16x64xf32, #tpu.memory_space<vmem>>
        %dma_start3A_546 = arith.constant 0 : i32
        %dma_start3A_547 = arith.constant 0 : i32
        %dma_start3A_548 = tpu.memref_slice %arg3[%dma_start3A_546, %dma_start3A_547] : memref<2000000x64xf32, #tpu.memory_space<hbm>> -> memref<2000000x64xf32, #tpu.memory_space<hbm>>
        tpu.enqueue_indirect_dma source(%dma_start3A_548 : memref<2000000x64xf32, #tpu.memory_space<hbm>>) target(%dma_start3A_545 : memref<16x64xf32, #tpu.memory_space<vmem>>) offsets(%get3A_542 : vector<16xi32>) semaphore(%arg13 : memref<!tpu.dma_semaphore, #tpu.memory_space<semaphore_mem>>)
        %get3A_549 = arith.index_cast %add3A_512 : i32 to index
        %get3A_550 = arith.constant 64 : index
        %get3A_551 = tpu.vector_load %arg5[%get3A_549, %get3A_550] {strides = array<i32>} : memref<200x128xi32, #tpu.memory_space<vmem>>, vector<16xi32>,
        %dma_start3A_552 = arith.constant 64 : i32
        %dma_start3A_553 = arith.constant 0 : i32
        %dma_start3A_554 = tpu.memref_slice %arg7[%dma_start3A_552, %dma_start3A_553] : memref<128x64xf32, #tpu.memory_space<vmem>> -> memref<16x64xf32, #tpu.memory_space<vmem>>
        %dma_start3A_555 = arith.constant 0 : i32
        %dma_start3A_556 = arith.constant 0 : i32
        %dma_start3A_557 = tpu.memref_slice %arg3[%dma_start3A_555, %dma_start3A_556] : memref<2000000x64xf32, #tpu.memory_space<hbm>> -> memref<2000000x64xf32, #tpu.memory_space<hbm>>
        tpu.enqueue_indirect_dma source(%dma_start3A_557 : memref<2000000x64xf32, #tpu.memory_space<hbm>>) target(%dma_start3A_554 : memref<16x64xf32, #tpu.memory_space<vmem>>) offsets(%get3A_551 : vector<16xi32>) semaphore(%arg13 : memref<!tpu.dma_semaphore, #tpu.memory_space<semaphore_mem>>)
        %get3A_558 = arith.index_cast %add3A_512 : i32 to index
        %get3A_559 = arith.constant 80 : index
        %get3A_560 = tpu.vector_load %arg5[%get3A_558, %get3A_559] {strides = array<i32>} : memref<200x128xi32, #tpu.memory_space<vmem>>, vector<16xi32>,
        %dma_start3A_561 = arith.constant 80 : i32
        %dma_start3A_562 = arith.constant 0 : i32
        %dma_start3A_563 = tpu.memref_slice %arg7[%dma_start3A_561, %dma_start3A_562] : memref<128x64xf32, #tpu.memory_space<vmem>> -> memref<16x64xf32, #tpu.memory_space<vmem>>
        %dma_start3A_564 = arith.constant 0 : i32
        %dma_start3A_565 = arith.constant 0 : i32
        %dma_start3A_566 = tpu.memref_slice %arg3[%dma_start3A_564, %dma_start3A_565] : memref<2000000x64xf32, #tpu.memory_space<hbm>> -> memref<2000000x64xf32, #tpu.memory_space<hbm>>
        tpu.enqueue_indirect_dma source(%dma_start3A_566 : memref<2000000x64xf32, #tpu.memory_space<hbm>>) target(%dma_start3A_563 : memref<16x64xf32, #tpu.memory_space<vmem>>) offsets(%get3A_560 : vector<16xi32>) semaphore(%arg13 : memref<!tpu.dma_semaphore, #tpu.memory_space<semaphore_mem>>)
        %get3A_567 = arith.index_cast %add3A_512 : i32 to index
        %get3A_568 = arith.constant 96 : index
        %get3A_569 = tpu.vector_load %arg5[%get3A_567, %get3A_568] {strides = array<i32>} : memref<200x128xi32, #tpu.memory_space<vmem>>, vector<16xi32>,
        %dma_start3A_570 = arith.constant 96 : i32
        %dma_start3A_571 = arith.constant 0 : i32
        %dma_start3A_572 = tpu.memref_slice %arg7[%dma_start3A_570, %dma_start3A_571] : memref<128x64xf32, #tpu.memory_space<vmem>> -> memref<16x64xf32, #tpu.memory_space<vmem>>
        %dma_start3A_573 = arith.constant 0 : i32
        %dma_start3A_574 = arith.constant 0 : i32
        %dma_start3A_575 = tpu.memref_slice %arg3[%dma_start3A_573, %dma_start3A_574] : memref<2000000x64xf32, #tpu.memory_space<hbm>> -> memref<2000000x64xf32, #tpu.memory_space<hbm>>
        tpu.enqueue_indirect_dma source(%dma_start3A_575 : memref<2000000x64xf32, #tpu.memory_space<hbm>>) target(%dma_start3A_572 : memref<16x64xf32, #tpu.memory_space<vmem>>) offsets(%get3A_569 : vector<16xi32>) semaphore(%arg13 : memref<!tpu.dma_semaphore, #tpu.memory_space<semaphore_mem>>)
        %get3A_576 = arith.index_cast %add3A_512 : i32 to index
        %get3A_577 = arith.constant 112 : index
        %get3A_578 = tpu.vector_load %arg5[%get3A_576, %get3A_577] {strides = array<i32>} : memref<200x128xi32, #tpu.memory_space<vmem>>, vector<16xi32>,
        %dma_start3A_579 = arith.constant 112 : i32
        %dma_start3A_580 = arith.constant 0 : i32
        %dma_start3A_581 = tpu.memref_slice %arg7[%dma_start3A_579, %dma_start3A_580] : memref<128x64xf32, #tpu.memory_space<vmem>> -> memref<16x64xf32, #tpu.memory_space<vmem>>
        %dma_start3A_582 = arith.constant 0 : i32
        %dma_start3A_583 = arith.constant 0 : i32
        %dma_start3A_584 = tpu.memref_slice %arg3[%dma_start3A_582, %dma_start3A_583] : memref<2000000x64xf32, #tpu.memory_space<hbm>> -> memref<2000000x64xf32, #tpu.memory_space<hbm>>
        tpu.enqueue_indirect_dma source(%dma_start3A_584 : memref<2000000x64xf32, #tpu.memory_space<hbm>>) target(%dma_start3A_581 : memref<16x64xf32, #tpu.memory_space<vmem>>) offsets(%get3A_578 : vector<16xi32>) semaphore(%arg13 : memref<!tpu.dma_semaphore, #tpu.memory_space<semaphore_mem>>)
      } else {
      }
      %dma_start3A_431 = arith.constant 0 : i32
      %dma_start3A_432 = arith.constant 0 : i32
      %dma_start3A_433 = arith.constant 0 : i32
      %dma_start3A_434 = tpu.memref_slice %arg4[%add3A_409, %dma_start3A_431, %add3A, %dma_start3A_432, %dma_start3A_433] : memref<200x8x32x8x128xf32, #tpu.memory_space<hbm>> -> memref<1x8x1x8x128xf32, #tpu.memory_space<hbm>>
      %dma_start3A_435 = tpu.memref_squeeze %dma_start3A_434 : memref<1x8x1x8x128xf32, #tpu.memory_space<hbm>> -> memref<8x8x128xf32, #tpu.memory_space<hbm>>
      %dma_start3A_436 = arith.constant 0 : i32
      %dma_start3A_437 = arith.constant 0 : i32
      %dma_start3A_438 = arith.constant 0 : i32
      %dma_start3A_439 = tpu.memref_slice %arg4[%add3A_409, %dma_start3A_436, %add3A, %dma_start3A_437, %dma_start3A_438] : memref<200x8x32x8x128xf32, #tpu.memory_space<hbm>> -> memref<1x8x1x8x128xf32, #tpu.memory_space<hbm>>
      %dma_start3A_440 = tpu.memref_squeeze %dma_start3A_439 : memref<1x8x1x8x128xf32, #tpu.memory_space<hbm>> -> memref<8x8x128xf32, #tpu.memory_space<hbm>>
      tpu.enqueue_dma source(%arg11 : memref<8x8x128xf32, #tpu.memory_space<vmem>>) target(%dma_start3A_440 : memref<8x8x128xf32, #tpu.memory_space<hbm>>) target_semaphore(%arg17 : memref<!tpu.dma_semaphore, #tpu.memory_space<semaphore_mem>>)
      %mul3A_441 = arith.constant 4 : i32
      %mul3A_442 = arith.muli %mul3A_441, %scan3A_375 : i32
      %add3A_443 = arith.constant 2 : i32
      %add3A_444 = arith.addi %mul3A_442, %add3A_443 : i32
      %dma_wait3A_445 = arith.constant 0 : i32
      %dma_wait3A_446 = arith.constant 0 : i32
      %dma_wait3A_447 = tpu.memref_slice %arg3[%dma_wait3A_445, %dma_wait3A_446] : memref<2000000x64xf32, #tpu.memory_space<hbm>> -> memref<128x64xf32, #tpu.memory_space<hbm>>
      %dma_wait3A_448 = arith.constant 0 : i32
      %dma_wait3A_449 = arith.constant 0 : i32
      %dma_wait3A_450 = tpu.memref_slice %arg3[%dma_wait3A_448, %dma_wait3A_449] : memref<2000000x64xf32, #tpu.memory_space<hbm>> -> memref<128x64xf32, #tpu.memory_space<hbm>>
      tpu.wait_dma2 semaphore(%arg14 : memref<!tpu.dma_semaphore, #tpu.memory_space<semaphore_mem>>) src(%dma_wait3A_450 : memref<128x64xf32, #tpu.memory_space<hbm>>) dst(%arg8 : memref<128x64xf32, #tpu.memory_space<vmem>>)
      %ge3A_451 = arith.constant 2 : i32
      %ge3A_452 = arith.cmpi sge, %add3A_444, %ge3A_451 : i32
      %convert_element_type3A_453 = arith.extui %ge3A_452 : i1 to i32
      %cond3A_454 = arith.constant 0 : i32
      %cond3A_455 = arith.cmpi ne, %convert_element_type3A_453, %cond3A_454 : i32
      scf.if %cond3A_455 {
        %dma_wait3A_511 = arith.constant 0 : i32
        %dma_wait3A_512 = arith.constant 0 : i32
        %dma_wait3A_513 = arith.constant 0 : i32
        %dma_wait3A_514 = arith.constant 0 : i32
        %dma_wait3A_515 = tpu.memref_slice %arg4[%dma_wait3A_511, %dma_wait3A_512, %add3A, %dma_wait3A_513, %dma_wait3A_514] : memref<200x8x32x8x128xf32, #tpu.memory_space<hbm>> -> memref<1x8x1x8x128xf32, #tpu.memory_space<hbm>>
        %dma_wait3A_516 = tpu.memref_squeeze %dma_wait3A_515 : memref<1x8x1x8x128xf32, #tpu.memory_space<hbm>> -> memref<8x8x128xf32, #tpu.memory_space<hbm>>
        %dma_wait3A_517 = arith.constant 0 : i32
        %dma_wait3A_518 = arith.constant 0 : i32
        %dma_wait3A_519 = arith.constant 0 : i32
        %dma_wait3A_520 = tpu.memref_slice %arg4[%dma_wait3A_511, %dma_wait3A_517, %add3A, %dma_wait3A_518, %dma_wait3A_519] : memref<200x8x32x8x128xf32, #tpu.memory_space<hbm>> -> memref<1x8x1x8x128xf32, #tpu.memory_space<hbm>>
        %dma_wait3A_521 = tpu.memref_squeeze %dma_wait3A_520 : memref<1x8x1x8x128xf32, #tpu.memory_space<hbm>> -> memref<8x8x128xf32, #tpu.memory_space<hbm>>
        tpu.wait_dma2 semaphore(%arg16 : memref<!tpu.dma_semaphore, #tpu.memory_space<semaphore_mem>>) src(%dma_wait3A_521 : memref<8x8x128xf32, #tpu.memory_space<hbm>>) dst(%arg10 : memref<8x8x128xf32, #tpu.memory_space<vmem>>)
      } else {
      }
      %parallel_loop3A_456 = arith.constant 0 : i32
      %parallel_loop3A_457 = arith.constant 128 : i32
      %parallel_loop3A_458 = arith.constant 1 : i32
      scf.for %parallel_loop3A_511 = %parallel_loop3A_456 to %parallel_loop3A_457 step %parallel_loop3A_458  : i32 {
        %parallel_loop3A_512 = vector.broadcast %parallel_loop3A_511 : i32 to vector<16xi32>
        %parallel_loop3A_513 = arith.addi %mul3A_5, %parallel_loop3A_512 : vector<16xi32>
        %parallel_loop3A_514 = arith.index_cast %parallel_loop3A_511 : i32 to index
        %parallel_loop3A_515 = arith.constant 0 : index
        %parallel_loop3A_516 = tpu.vector_load %arg8[%parallel_loop3A_514, %parallel_loop3A_515] {strides = array<i32>} : memref<128x64xf32, #tpu.memory_space<vmem>>, vector<16xf32>,
        tpu.vector_store_idx %arg10[%add3A_10, %and3A_30, %parallel_loop3A_513], %parallel_loop3A_516 : memref<8x8x128xf32, #tpu.memory_space<vmem>>[vector<16xi32>, vector<16xi32>, vector<16xi32>], vector<16xf32>,
        %parallel_loop3A_517 = arith.index_cast %parallel_loop3A_511 : i32 to index
        %parallel_loop3A_518 = arith.constant 16 : index
        %parallel_loop3A_519 = tpu.vector_load %arg8[%parallel_loop3A_517, %parallel_loop3A_518] {strides = array<i32>} : memref<128x64xf32, #tpu.memory_space<vmem>>, vector<16xf32>,
        tpu.vector_store_idx %arg10[%add3A_16, %and3A_30, %parallel_loop3A_513], %parallel_loop3A_519 : memref<8x8x128xf32, #tpu.memory_space<vmem>>[vector<16xi32>, vector<16xi32>, vector<16xi32>], vector<16xf32>,
        %parallel_loop3A_520 = arith.index_cast %parallel_loop3A_511 : i32 to index
        %parallel_loop3A_521 = arith.constant 32 : index
        %parallel_loop3A_522 = tpu.vector_load %arg8[%parallel_loop3A_520, %parallel_loop3A_521] {strides = array<i32>} : memref<128x64xf32, #tpu.memory_space<vmem>>, vector<16xf32>,
        tpu.vector_store_idx %arg10[%add3A_22, %and3A_30, %parallel_loop3A_513], %parallel_loop3A_522 : memref<8x8x128xf32, #tpu.memory_space<vmem>>[vector<16xi32>, vector<16xi32>, vector<16xi32>], vector<16xf32>,
        %parallel_loop3A_523 = arith.index_cast %parallel_loop3A_511 : i32 to index
        %parallel_loop3A_524 = arith.constant 48 : index
        %parallel_loop3A_525 = tpu.vector_load %arg8[%parallel_loop3A_523, %parallel_loop3A_524] {strides = array<i32>} : memref<128x64xf32, #tpu.memory_space<vmem>>, vector<16xf32>,
        tpu.vector_store_idx %arg10[%add3A_28, %and3A_30, %parallel_loop3A_513], %parallel_loop3A_525 : memref<8x8x128xf32, #tpu.memory_space<vmem>>[vector<16xi32>, vector<16xi32>, vector<16xi32>], vector<16xf32>,
      } {sc.loop_unroll_factor = 8 : i64, sc.parallel_access}
      %add3A_459 = arith.constant 4 : i32
      %add3A_460 = arith.addi %add3A_444, %add3A_459 : i32
      %lt3A_461 = arith.constant 200 : i32
      %lt3A_462 = arith.cmpi slt, %add3A_460, %lt3A_461 : i32
      %convert_element_type3A_463 = arith.extui %lt3A_462 : i1 to i32
      %cond3A_464 = arith.constant 0 : i32
      %cond3A_465 = arith.cmpi ne, %convert_element_type3A_463, %cond3A_464 : i32
      scf.if %cond3A_465 {
        %add3A_511 = arith.constant 4 : i32
        %add3A_512 = arith.addi %add3A_444, %add3A_511 : i32
        %get3A_513 = arith.index_cast %add3A_512 : i32 to index
        %get3A_514 = arith.constant 0 : index
        %get3A_515 = tpu.vector_load %arg5[%get3A_513, %get3A_514] {strides = array<i32>} : memref<200x128xi32, #tpu.memory_space<vmem>>, vector<16xi32>,
        %dma_start3A_516 = arith.constant 0 : i32
        %dma_start3A_517 = arith.constant 0 : i32
        %dma_start3A_518 = tpu.memref_slice %arg8[%dma_start3A_516, %dma_start3A_517] : memref<128x64xf32, #tpu.memory_space<vmem>> -> memref<16x64xf32, #tpu.memory_space<vmem>>
        %dma_start3A_519 = arith.constant 0 : i32
        %dma_start3A_520 = arith.constant 0 : i32
        %dma_start3A_521 = tpu.memref_slice %arg3[%dma_start3A_519, %dma_start3A_520] : memref<2000000x64xf32, #tpu.memory_space<hbm>> -> memref<2000000x64xf32, #tpu.memory_space<hbm>>
        tpu.enqueue_indirect_dma source(%dma_start3A_521 : memref<2000000x64xf32, #tpu.memory_space<hbm>>) target(%dma_start3A_518 : memref<16x64xf32, #tpu.memory_space<vmem>>) offsets(%get3A_515 : vector<16xi32>) semaphore(%arg14 : memref<!tpu.dma_semaphore, #tpu.memory_space<semaphore_mem>>)
        %get3A_522 = arith.index_cast %add3A_512 : i32 to index
        %get3A_523 = arith.constant 16 : index
        %get3A_524 = tpu.vector_load %arg5[%get3A_522, %get3A_523] {strides = array<i32>} : memref<200x128xi32, #tpu.memory_space<vmem>>, vector<16xi32>,
        %dma_start3A_525 = arith.constant 16 : i32
        %dma_start3A_526 = arith.constant 0 : i32
        %dma_start3A_527 = tpu.memref_slice %arg8[%dma_start3A_525, %dma_start3A_526] : memref<128x64xf32, #tpu.memory_space<vmem>> -> memref<16x64xf32, #tpu.memory_space<vmem>>
        %dma_start3A_528 = arith.constant 0 : i32
        %dma_start3A_529 = arith.constant 0 : i32
        %dma_start3A_530 = tpu.memref_slice %arg3[%dma_start3A_528, %dma_start3A_529] : memref<2000000x64xf32, #tpu.memory_space<hbm>> -> memref<2000000x64xf32, #tpu.memory_space<hbm>>
        tpu.enqueue_indirect_dma source(%dma_start3A_530 : memref<2000000x64xf32, #tpu.memory_space<hbm>>) target(%dma_start3A_527 : memref<16x64xf32, #tpu.memory_space<vmem>>) offsets(%get3A_524 : vector<16xi32>) semaphore(%arg14 : memref<!tpu.dma_semaphore, #tpu.memory_space<semaphore_mem>>)
        %get3A_531 = arith.index_cast %add3A_512 : i32 to index
        %get3A_532 = arith.constant 32 : index
        %get3A_533 = tpu.vector_load %arg5[%get3A_531, %get3A_532] {strides = array<i32>} : memref<200x128xi32, #tpu.memory_space<vmem>>, vector<16xi32>,
        %dma_start3A_534 = arith.constant 32 : i32
        %dma_start3A_535 = arith.constant 0 : i32
        %dma_start3A_536 = tpu.memref_slice %arg8[%dma_start3A_534, %dma_start3A_535] : memref<128x64xf32, #tpu.memory_space<vmem>> -> memref<16x64xf32, #tpu.memory_space<vmem>>
        %dma_start3A_537 = arith.constant 0 : i32
        %dma_start3A_538 = arith.constant 0 : i32
        %dma_start3A_539 = tpu.memref_slice %arg3[%dma_start3A_537, %dma_start3A_538] : memref<2000000x64xf32, #tpu.memory_space<hbm>> -> memref<2000000x64xf32, #tpu.memory_space<hbm>>
        tpu.enqueue_indirect_dma source(%dma_start3A_539 : memref<2000000x64xf32, #tpu.memory_space<hbm>>) target(%dma_start3A_536 : memref<16x64xf32, #tpu.memory_space<vmem>>) offsets(%get3A_533 : vector<16xi32>) semaphore(%arg14 : memref<!tpu.dma_semaphore, #tpu.memory_space<semaphore_mem>>)
        %get3A_540 = arith.index_cast %add3A_512 : i32 to index
        %get3A_541 = arith.constant 48 : index
        %get3A_542 = tpu.vector_load %arg5[%get3A_540, %get3A_541] {strides = array<i32>} : memref<200x128xi32, #tpu.memory_space<vmem>>, vector<16xi32>,
        %dma_start3A_543 = arith.constant 48 : i32
        %dma_start3A_544 = arith.constant 0 : i32
        %dma_start3A_545 = tpu.memref_slice %arg8[%dma_start3A_543, %dma_start3A_544] : memref<128x64xf32, #tpu.memory_space<vmem>> -> memref<16x64xf32, #tpu.memory_space<vmem>>
        %dma_start3A_546 = arith.constant 0 : i32
        %dma_start3A_547 = arith.constant 0 : i32
        %dma_start3A_548 = tpu.memref_slice %arg3[%dma_start3A_546, %dma_start3A_547] : memref<2000000x64xf32, #tpu.memory_space<hbm>> -> memref<2000000x64xf32, #tpu.memory_space<hbm>>
        tpu.enqueue_indirect_dma source(%dma_start3A_548 : memref<2000000x64xf32, #tpu.memory_space<hbm>>) target(%dma_start3A_545 : memref<16x64xf32, #tpu.memory_space<vmem>>) offsets(%get3A_542 : vector<16xi32>) semaphore(%arg14 : memref<!tpu.dma_semaphore, #tpu.memory_space<semaphore_mem>>)
        %get3A_549 = arith.index_cast %add3A_512 : i32 to index
        %get3A_550 = arith.constant 64 : index
        %get3A_551 = tpu.vector_load %arg5[%get3A_549, %get3A_550] {strides = array<i32>} : memref<200x128xi32, #tpu.memory_space<vmem>>, vector<16xi32>,
        %dma_start3A_552 = arith.constant 64 : i32
        %dma_start3A_553 = arith.constant 0 : i32
        %dma_start3A_554 = tpu.memref_slice %arg8[%dma_start3A_552, %dma_start3A_553] : memref<128x64xf32, #tpu.memory_space<vmem>> -> memref<16x64xf32, #tpu.memory_space<vmem>>
        %dma_start3A_555 = arith.constant 0 : i32
        %dma_start3A_556 = arith.constant 0 : i32
        %dma_start3A_557 = tpu.memref_slice %arg3[%dma_start3A_555, %dma_start3A_556] : memref<2000000x64xf32, #tpu.memory_space<hbm>> -> memref<2000000x64xf32, #tpu.memory_space<hbm>>
        tpu.enqueue_indirect_dma source(%dma_start3A_557 : memref<2000000x64xf32, #tpu.memory_space<hbm>>) target(%dma_start3A_554 : memref<16x64xf32, #tpu.memory_space<vmem>>) offsets(%get3A_551 : vector<16xi32>) semaphore(%arg14 : memref<!tpu.dma_semaphore, #tpu.memory_space<semaphore_mem>>)
        %get3A_558 = arith.index_cast %add3A_512 : i32 to index
        %get3A_559 = arith.constant 80 : index
        %get3A_560 = tpu.vector_load %arg5[%get3A_558, %get3A_559] {strides = array<i32>} : memref<200x128xi32, #tpu.memory_space<vmem>>, vector<16xi32>,
        %dma_start3A_561 = arith.constant 80 : i32
        %dma_start3A_562 = arith.constant 0 : i32
        %dma_start3A_563 = tpu.memref_slice %arg8[%dma_start3A_561, %dma_start3A_562] : memref<128x64xf32, #tpu.memory_space<vmem>> -> memref<16x64xf32, #tpu.memory_space<vmem>>
        %dma_start3A_564 = arith.constant 0 : i32
        %dma_start3A_565 = arith.constant 0 : i32
        %dma_start3A_566 = tpu.memref_slice %arg3[%dma_start3A_564, %dma_start3A_565] : memref<2000000x64xf32, #tpu.memory_space<hbm>> -> memref<2000000x64xf32, #tpu.memory_space<hbm>>
        tpu.enqueue_indirect_dma source(%dma_start3A_566 : memref<2000000x64xf32, #tpu.memory_space<hbm>>) target(%dma_start3A_563 : memref<16x64xf32, #tpu.memory_space<vmem>>) offsets(%get3A_560 : vector<16xi32>) semaphore(%arg14 : memref<!tpu.dma_semaphore, #tpu.memory_space<semaphore_mem>>)
        %get3A_567 = arith.index_cast %add3A_512 : i32 to index
        %get3A_568 = arith.constant 96 : index
        %get3A_569 = tpu.vector_load %arg5[%get3A_567, %get3A_568] {strides = array<i32>} : memref<200x128xi32, #tpu.memory_space<vmem>>, vector<16xi32>,
        %dma_start3A_570 = arith.constant 96 : i32
        %dma_start3A_571 = arith.constant 0 : i32
        %dma_start3A_572 = tpu.memref_slice %arg8[%dma_start3A_570, %dma_start3A_571] : memref<128x64xf32, #tpu.memory_space<vmem>> -> memref<16x64xf32, #tpu.memory_space<vmem>>
        %dma_start3A_573 = arith.constant 0 : i32
        %dma_start3A_574 = arith.constant 0 : i32
        %dma_start3A_575 = tpu.memref_slice %arg3[%dma_start3A_573, %dma_start3A_574] : memref<2000000x64xf32, #tpu.memory_space<hbm>> -> memref<2000000x64xf32, #tpu.memory_space<hbm>>
        tpu.enqueue_indirect_dma source(%dma_start3A_575 : memref<2000000x64xf32, #tpu.memory_space<hbm>>) target(%dma_start3A_572 : memref<16x64xf32, #tpu.memory_space<vmem>>) offsets(%get3A_569 : vector<16xi32>) semaphore(%arg14 : memref<!tpu.dma_semaphore, #tpu.memory_space<semaphore_mem>>)
        %get3A_576 = arith.index_cast %add3A_512 : i32 to index
        %get3A_577 = arith.constant 112 : index
        %get3A_578 = tpu.vector_load %arg5[%get3A_576, %get3A_577] {strides = array<i32>} : memref<200x128xi32, #tpu.memory_space<vmem>>, vector<16xi32>,
        %dma_start3A_579 = arith.constant 112 : i32
        %dma_start3A_580 = arith.constant 0 : i32
        %dma_start3A_581 = tpu.memref_slice %arg8[%dma_start3A_579, %dma_start3A_580] : memref<128x64xf32, #tpu.memory_space<vmem>> -> memref<16x64xf32, #tpu.memory_space<vmem>>
        %dma_start3A_582 = arith.constant 0 : i32
        %dma_start3A_583 = arith.constant 0 : i32
        %dma_start3A_584 = tpu.memref_slice %arg3[%dma_start3A_582, %dma_start3A_583] : memref<2000000x64xf32, #tpu.memory_space<hbm>> -> memref<2000000x64xf32, #tpu.memory_space<hbm>>
        tpu.enqueue_indirect_dma source(%dma_start3A_584 : memref<2000000x64xf32, #tpu.memory_space<hbm>>) target(%dma_start3A_581 : memref<16x64xf32, #tpu.memory_space<vmem>>) offsets(%get3A_578 : vector<16xi32>) semaphore(%arg14 : memref<!tpu.dma_semaphore, #tpu.memory_space<semaphore_mem>>)
      } else {
      }
      %dma_start3A_466 = arith.constant 0 : i32
      %dma_start3A_467 = arith.constant 0 : i32
      %dma_start3A_468 = arith.constant 0 : i32
      %dma_start3A_469 = tpu.memref_slice %arg4[%add3A_444, %dma_start3A_466, %add3A, %dma_start3A_467, %dma_start3A_468] : memref<200x8x32x8x128xf32, #tpu.memory_space<hbm>> -> memref<1x8x1x8x128xf32, #tpu.memory_space<hbm>>
      %dma_start3A_470 = tpu.memref_squeeze %dma_start3A_469 : memref<1x8x1x8x128xf32, #tpu.memory_space<hbm>> -> memref<8x8x128xf32, #tpu.memory_space<hbm>>
      %dma_start3A_471 = arith.constant 0 : i32
      %dma_start3A_472 = arith.constant 0 : i32
      %dma_start3A_473 = arith.constant 0 : i32
      %dma_start3A_474 = tpu.memref_slice %arg4[%add3A_444, %dma_start3A_471, %add3A, %dma_start3A_472, %dma_start3A_473] : memref<200x8x32x8x128xf32, #tpu.memory_space<hbm>> -> memref<1x8x1x8x128xf32, #tpu.memory_space<hbm>>
      %dma_start3A_475 = tpu.memref_squeeze %dma_start3A_474 : memref<1x8x1x8x128xf32, #tpu.memory_space<hbm>> -> memref<8x8x128xf32, #tpu.memory_space<hbm>>
      tpu.enqueue_dma source(%arg10 : memref<8x8x128xf32, #tpu.memory_space<vmem>>) target(%dma_start3A_475 : memref<8x8x128xf32, #tpu.memory_space<hbm>>) target_semaphore(%arg16 : memref<!tpu.dma_semaphore, #tpu.memory_space<semaphore_mem>>)
      %mul3A_476 = arith.constant 4 : i32
      %mul3A_477 = arith.muli %mul3A_476, %scan3A_375 : i32
      %add3A_478 = arith.constant 3 : i32
      %add3A_479 = arith.addi %mul3A_477, %add3A_478 : i32
      %dma_wait3A_480 = arith.constant 0 : i32
      %dma_wait3A_481 = arith.constant 0 : i32
      %dma_wait3A_482 = tpu.memref_slice %arg3[%dma_wait3A_480, %dma_wait3A_481] : memref<2000000x64xf32, #tpu.memory_space<hbm>> -> memref<128x64xf32, #tpu.memory_space<hbm>>
      %dma_wait3A_483 = arith.constant 0 : i32
      %dma_wait3A_484 = arith.constant 0 : i32
      %dma_wait3A_485 = tpu.memref_slice %arg3[%dma_wait3A_483, %dma_wait3A_484] : memref<2000000x64xf32, #tpu.memory_space<hbm>> -> memref<128x64xf32, #tpu.memory_space<hbm>>
      tpu.wait_dma2 semaphore(%arg15 : memref<!tpu.dma_semaphore, #tpu.memory_space<semaphore_mem>>) src(%dma_wait3A_485 : memref<128x64xf32, #tpu.memory_space<hbm>>) dst(%arg9 : memref<128x64xf32, #tpu.memory_space<vmem>>)
      %ge3A_486 = arith.constant 2 : i32
      %ge3A_487 = arith.cmpi sge, %add3A_479, %ge3A_486 : i32
      %convert_element_type3A_488 = arith.extui %ge3A_487 : i1 to i32
      %cond3A_489 = arith.constant 0 : i32
      %cond3A_490 = arith.cmpi ne, %convert_element_type3A_488, %cond3A_489 : i32
      scf.if %cond3A_490 {
        %dma_wait3A_511 = arith.constant 0 : i32
        %dma_wait3A_512 = arith.constant 0 : i32
        %dma_wait3A_513 = arith.constant 0 : i32
        %dma_wait3A_514 = arith.constant 0 : i32
        %dma_wait3A_515 = tpu.memref_slice %arg4[%dma_wait3A_511, %dma_wait3A_512, %add3A, %dma_wait3A_513, %dma_wait3A_514] : memref<200x8x32x8x128xf32, #tpu.memory_space<hbm>> -> memref<1x8x1x8x128xf32, #tpu.memory_space<hbm>>
        %dma_wait3A_516 = tpu.memref_squeeze %dma_wait3A_515 : memref<1x8x1x8x128xf32, #tpu.memory_space<hbm>> -> memref<8x8x128xf32, #tpu.memory_space<hbm>>
        %dma_wait3A_517 = arith.constant 0 : i32
        %dma_wait3A_518 = arith.constant 0 : i32
        %dma_wait3A_519 = arith.constant 0 : i32
        %dma_wait3A_520 = tpu.memref_slice %arg4[%dma_wait3A_511, %dma_wait3A_517, %add3A, %dma_wait3A_518, %dma_wait3A_519] : memref<200x8x32x8x128xf32, #tpu.memory_space<hbm>> -> memref<1x8x1x8x128xf32, #tpu.memory_space<hbm>>
        %dma_wait3A_521 = tpu.memref_squeeze %dma_wait3A_520 : memref<1x8x1x8x128xf32, #tpu.memory_space<hbm>> -> memref<8x8x128xf32, #tpu.memory_space<hbm>>
        tpu.wait_dma2 semaphore(%arg17 : memref<!tpu.dma_semaphore, #tpu.memory_space<semaphore_mem>>) src(%dma_wait3A_521 : memref<8x8x128xf32, #tpu.memory_space<hbm>>) dst(%arg11 : memref<8x8x128xf32, #tpu.memory_space<vmem>>)
      } else {
      }
      %parallel_loop3A_491 = arith.constant 0 : i32
      %parallel_loop3A_492 = arith.constant 128 : i32
      %parallel_loop3A_493 = arith.constant 1 : i32
      scf.for %parallel_loop3A_511 = %parallel_loop3A_491 to %parallel_loop3A_492 step %parallel_loop3A_493  : i32 {
        %parallel_loop3A_512 = vector.broadcast %parallel_loop3A_511 : i32 to vector<16xi32>
        %parallel_loop3A_513 = arith.addi %mul3A_5, %parallel_loop3A_512 : vector<16xi32>
        %parallel_loop3A_514 = arith.index_cast %parallel_loop3A_511 : i32 to index
        %parallel_loop3A_515 = arith.constant 0 : index
        %parallel_loop3A_516 = tpu.vector_load %arg9[%parallel_loop3A_514, %parallel_loop3A_515] {strides = array<i32>} : memref<128x64xf32, #tpu.memory_space<vmem>>, vector<16xf32>,
        tpu.vector_store_idx %arg11[%add3A_10, %and3A_30, %parallel_loop3A_513], %parallel_loop3A_516 : memref<8x8x128xf32, #tpu.memory_space<vmem>>[vector<16xi32>, vector<16xi32>, vector<16xi32>], vector<16xf32>,
        %parallel_loop3A_517 = arith.index_cast %parallel_loop3A_511 : i32 to index
        %parallel_loop3A_518 = arith.constant 16 : index
        %parallel_loop3A_519 = tpu.vector_load %arg9[%parallel_loop3A_517, %parallel_loop3A_518] {strides = array<i32>} : memref<128x64xf32, #tpu.memory_space<vmem>>, vector<16xf32>,
        tpu.vector_store_idx %arg11[%add3A_16, %and3A_30, %parallel_loop3A_513], %parallel_loop3A_519 : memref<8x8x128xf32, #tpu.memory_space<vmem>>[vector<16xi32>, vector<16xi32>, vector<16xi32>], vector<16xf32>,
        %parallel_loop3A_520 = arith.index_cast %parallel_loop3A_511 : i32 to index
        %parallel_loop3A_521 = arith.constant 32 : index
        %parallel_loop3A_522 = tpu.vector_load %arg9[%parallel_loop3A_520, %parallel_loop3A_521] {strides = array<i32>} : memref<128x64xf32, #tpu.memory_space<vmem>>, vector<16xf32>,
        tpu.vector_store_idx %arg11[%add3A_22, %and3A_30, %parallel_loop3A_513], %parallel_loop3A_522 : memref<8x8x128xf32, #tpu.memory_space<vmem>>[vector<16xi32>, vector<16xi32>, vector<16xi32>], vector<16xf32>,
        %parallel_loop3A_523 = arith.index_cast %parallel_loop3A_511 : i32 to index
        %parallel_loop3A_524 = arith.constant 48 : index
        %parallel_loop3A_525 = tpu.vector_load %arg9[%parallel_loop3A_523, %parallel_loop3A_524] {strides = array<i32>} : memref<128x64xf32, #tpu.memory_space<vmem>>, vector<16xf32>,
        tpu.vector_store_idx %arg11[%add3A_28, %and3A_30, %parallel_loop3A_513], %parallel_loop3A_525 : memref<8x8x128xf32, #tpu.memory_space<vmem>>[vector<16xi32>, vector<16xi32>, vector<16xi32>], vector<16xf32>,
      } {sc.loop_unroll_factor = 8 : i64, sc.parallel_access}
      %add3A_494 = arith.constant 4 : i32
      %add3A_495 = arith.addi %add3A_479, %add3A_494 : i32
      %lt3A_496 = arith.constant 200 : i32
      %lt3A_497 = arith.cmpi slt, %add3A_495, %lt3A_496 : i32
      %convert_element_type3A_498 = arith.extui %lt3A_497 : i1 to i32
      %cond3A_499 = arith.constant 0 : i32
      %cond3A_500 = arith.cmpi ne, %convert_element_type3A_498, %cond3A_499 : i32
      scf.if %cond3A_500 {
        %add3A_511 = arith.constant 4 : i32
        %add3A_512 = arith.addi %add3A_479, %add3A_511 : i32
        %get3A_513 = arith.index_cast %add3A_512 : i32 to index
        %get3A_514 = arith.constant 0 : index
        %get3A_515 = tpu.vector_load %arg5[%get3A_513, %get3A_514] {strides = array<i32>} : memref<200x128xi32, #tpu.memory_space<vmem>>, vector<16xi32>,
        %dma_start3A_516 = arith.constant 0 : i32
        %dma_start3A_517 = arith.constant 0 : i32
        %dma_start3A_518 = tpu.memref_slice %arg9[%dma_start3A_516, %dma_start3A_517] : memref<128x64xf32, #tpu.memory_space<vmem>> -> memref<16x64xf32, #tpu.memory_space<vmem>>
        %dma_start3A_519 = arith.constant 0 : i32
        %dma_start3A_520 = arith.constant 0 : i32
        %dma_start3A_521 = tpu.memref_slice %arg3[%dma_start3A_519, %dma_start3A_520] : memref<2000000x64xf32, #tpu.memory_space<hbm>> -> memref<2000000x64xf32, #tpu.memory_space<hbm>>
        tpu.enqueue_indirect_dma source(%dma_start3A_521 : memref<2000000x64xf32, #tpu.memory_space<hbm>>) target(%dma_start3A_518 : memref<16x64xf32, #tpu.memory_space<vmem>>) offsets(%get3A_515 : vector<16xi32>) semaphore(%arg15 : memref<!tpu.dma_semaphore, #tpu.memory_space<semaphore_mem>>)
        %get3A_522 = arith.index_cast %add3A_512 : i32 to index
        %get3A_523 = arith.constant 16 : index
        %get3A_524 = tpu.vector_load %arg5[%get3A_522, %get3A_523] {strides = array<i32>} : memref<200x128xi32, #tpu.memory_space<vmem>>, vector<16xi32>,
        %dma_start3A_525 = arith.constant 16 : i32
        %dma_start3A_526 = arith.constant 0 : i32
        %dma_start3A_527 = tpu.memref_slice %arg9[%dma_start3A_525, %dma_start3A_526] : memref<128x64xf32, #tpu.memory_space<vmem>> -> memref<16x64xf32, #tpu.memory_space<vmem>>
        %dma_start3A_528 = arith.constant 0 : i32
        %dma_start3A_529 = arith.constant 0 : i32
        %dma_start3A_530 = tpu.memref_slice %arg3[%dma_start3A_528, %dma_start3A_529] : memref<2000000x64xf32, #tpu.memory_space<hbm>> -> memref<2000000x64xf32, #tpu.memory_space<hbm>>
        tpu.enqueue_indirect_dma source(%dma_start3A_530 : memref<2000000x64xf32, #tpu.memory_space<hbm>>) target(%dma_start3A_527 : memref<16x64xf32, #tpu.memory_space<vmem>>) offsets(%get3A_524 : vector<16xi32>) semaphore(%arg15 : memref<!tpu.dma_semaphore, #tpu.memory_space<semaphore_mem>>)
        %get3A_531 = arith.index_cast %add3A_512 : i32 to index
        %get3A_532 = arith.constant 32 : index
        %get3A_533 = tpu.vector_load %arg5[%get3A_531, %get3A_532] {strides = array<i32>} : memref<200x128xi32, #tpu.memory_space<vmem>>, vector<16xi32>,
        %dma_start3A_534 = arith.constant 32 : i32
        %dma_start3A_535 = arith.constant 0 : i32
        %dma_start3A_536 = tpu.memref_slice %arg9[%dma_start3A_534, %dma_start3A_535] : memref<128x64xf32, #tpu.memory_space<vmem>> -> memref<16x64xf32, #tpu.memory_space<vmem>>
        %dma_start3A_537 = arith.constant 0 : i32
        %dma_start3A_538 = arith.constant 0 : i32
        %dma_start3A_539 = tpu.memref_slice %arg3[%dma_start3A_537, %dma_start3A_538] : memref<2000000x64xf32, #tpu.memory_space<hbm>> -> memref<2000000x64xf32, #tpu.memory_space<hbm>>
        tpu.enqueue_indirect_dma source(%dma_start3A_539 : memref<2000000x64xf32, #tpu.memory_space<hbm>>) target(%dma_start3A_536 : memref<16x64xf32, #tpu.memory_space<vmem>>) offsets(%get3A_533 : vector<16xi32>) semaphore(%arg15 : memref<!tpu.dma_semaphore, #tpu.memory_space<semaphore_mem>>)
        %get3A_540 = arith.index_cast %add3A_512 : i32 to index
        %get3A_541 = arith.constant 48 : index
        %get3A_542 = tpu.vector_load %arg5[%get3A_540, %get3A_541] {strides = array<i32>} : memref<200x128xi32, #tpu.memory_space<vmem>>, vector<16xi32>,
        %dma_start3A_543 = arith.constant 48 : i32
        %dma_start3A_544 = arith.constant 0 : i32
        %dma_start3A_545 = tpu.memref_slice %arg9[%dma_start3A_543, %dma_start3A_544] : memref<128x64xf32, #tpu.memory_space<vmem>> -> memref<16x64xf32, #tpu.memory_space<vmem>>
        %dma_start3A_546 = arith.constant 0 : i32
        %dma_start3A_547 = arith.constant 0 : i32
        %dma_start3A_548 = tpu.memref_slice %arg3[%dma_start3A_546, %dma_start3A_547] : memref<2000000x64xf32, #tpu.memory_space<hbm>> -> memref<2000000x64xf32, #tpu.memory_space<hbm>>
        tpu.enqueue_indirect_dma source(%dma_start3A_548 : memref<2000000x64xf32, #tpu.memory_space<hbm>>) target(%dma_start3A_545 : memref<16x64xf32, #tpu.memory_space<vmem>>) offsets(%get3A_542 : vector<16xi32>) semaphore(%arg15 : memref<!tpu.dma_semaphore, #tpu.memory_space<semaphore_mem>>)
        %get3A_549 = arith.index_cast %add3A_512 : i32 to index
        %get3A_550 = arith.constant 64 : index
        %get3A_551 = tpu.vector_load %arg5[%get3A_549, %get3A_550] {strides = array<i32>} : memref<200x128xi32, #tpu.memory_space<vmem>>, vector<16xi32>,
        %dma_start3A_552 = arith.constant 64 : i32
        %dma_start3A_553 = arith.constant 0 : i32
        %dma_start3A_554 = tpu.memref_slice %arg9[%dma_start3A_552, %dma_start3A_553] : memref<128x64xf32, #tpu.memory_space<vmem>> -> memref<16x64xf32, #tpu.memory_space<vmem>>
        %dma_start3A_555 = arith.constant 0 : i32
        %dma_start3A_556 = arith.constant 0 : i32
        %dma_start3A_557 = tpu.memref_slice %arg3[%dma_start3A_555, %dma_start3A_556] : memref<2000000x64xf32, #tpu.memory_space<hbm>> -> memref<2000000x64xf32, #tpu.memory_space<hbm>>
        tpu.enqueue_indirect_dma source(%dma_start3A_557 : memref<2000000x64xf32, #tpu.memory_space<hbm>>) target(%dma_start3A_554 : memref<16x64xf32, #tpu.memory_space<vmem>>) offsets(%get3A_551 : vector<16xi32>) semaphore(%arg15 : memref<!tpu.dma_semaphore, #tpu.memory_space<semaphore_mem>>)
        %get3A_558 = arith.index_cast %add3A_512 : i32 to index
        %get3A_559 = arith.constant 80 : index
        %get3A_560 = tpu.vector_load %arg5[%get3A_558, %get3A_559] {strides = array<i32>} : memref<200x128xi32, #tpu.memory_space<vmem>>, vector<16xi32>,
        %dma_start3A_561 = arith.constant 80 : i32
        %dma_start3A_562 = arith.constant 0 : i32
        %dma_start3A_563 = tpu.memref_slice %arg9[%dma_start3A_561, %dma_start3A_562] : memref<128x64xf32, #tpu.memory_space<vmem>> -> memref<16x64xf32, #tpu.memory_space<vmem>>
        %dma_start3A_564 = arith.constant 0 : i32
        %dma_start3A_565 = arith.constant 0 : i32
        %dma_start3A_566 = tpu.memref_slice %arg3[%dma_start3A_564, %dma_start3A_565] : memref<2000000x64xf32, #tpu.memory_space<hbm>> -> memref<2000000x64xf32, #tpu.memory_space<hbm>>
        tpu.enqueue_indirect_dma source(%dma_start3A_566 : memref<2000000x64xf32, #tpu.memory_space<hbm>>) target(%dma_start3A_563 : memref<16x64xf32, #tpu.memory_space<vmem>>) offsets(%get3A_560 : vector<16xi32>) semaphore(%arg15 : memref<!tpu.dma_semaphore, #tpu.memory_space<semaphore_mem>>)
        %get3A_567 = arith.index_cast %add3A_512 : i32 to index
        %get3A_568 = arith.constant 96 : index
        %get3A_569 = tpu.vector_load %arg5[%get3A_567, %get3A_568] {strides = array<i32>} : memref<200x128xi32, #tpu.memory_space<vmem>>, vector<16xi32>,
        %dma_start3A_570 = arith.constant 96 : i32
        %dma_start3A_571 = arith.constant 0 : i32
        %dma_start3A_572 = tpu.memref_slice %arg9[%dma_start3A_570, %dma_start3A_571] : memref<128x64xf32, #tpu.memory_space<vmem>> -> memref<16x64xf32, #tpu.memory_space<vmem>>
        %dma_start3A_573 = arith.constant 0 : i32
        %dma_start3A_574 = arith.constant 0 : i32
        %dma_start3A_575 = tpu.memref_slice %arg3[%dma_start3A_573, %dma_start3A_574] : memref<2000000x64xf32, #tpu.memory_space<hbm>> -> memref<2000000x64xf32, #tpu.memory_space<hbm>>
        tpu.enqueue_indirect_dma source(%dma_start3A_575 : memref<2000000x64xf32, #tpu.memory_space<hbm>>) target(%dma_start3A_572 : memref<16x64xf32, #tpu.memory_space<vmem>>) offsets(%get3A_569 : vector<16xi32>) semaphore(%arg15 : memref<!tpu.dma_semaphore, #tpu.memory_space<semaphore_mem>>)
        %get3A_576 = arith.index_cast %add3A_512 : i32 to index
        %get3A_577 = arith.constant 112 : index
        %get3A_578 = tpu.vector_load %arg5[%get3A_576, %get3A_577] {strides = array<i32>} : memref<200x128xi32, #tpu.memory_space<vmem>>, vector<16xi32>,
        %dma_start3A_579 = arith.constant 112 : i32
        %dma_start3A_580 = arith.constant 0 : i32
        %dma_start3A_581 = tpu.memref_slice %arg9[%dma_start3A_579, %dma_start3A_580] : memref<128x64xf32, #tpu.memory_space<vmem>> -> memref<16x64xf32, #tpu.memory_space<vmem>>
        %dma_start3A_582 = arith.constant 0 : i32
        %dma_start3A_583 = arith.constant 0 : i32
        %dma_start3A_584 = tpu.memref_slice %arg3[%dma_start3A_582, %dma_start3A_583] : memref<2000000x64xf32, #tpu.memory_space<hbm>> -> memref<2000000x64xf32, #tpu.memory_space<hbm>>
        tpu.enqueue_indirect_dma source(%dma_start3A_584 : memref<2000000x64xf32, #tpu.memory_space<hbm>>) target(%dma_start3A_581 : memref<16x64xf32, #tpu.memory_space<vmem>>) offsets(%get3A_578 : vector<16xi32>) semaphore(%arg15 : memref<!tpu.dma_semaphore, #tpu.memory_space<semaphore_mem>>)
      } else {
      }
      %dma_start3A_501 = arith.constant 0 : i32
      %dma_start3A_502 = arith.constant 0 : i32
      %dma_start3A_503 = arith.constant 0 : i32
      %dma_start3A_504 = tpu.memref_slice %arg4[%add3A_479, %dma_start3A_501, %add3A, %dma_start3A_502, %dma_start3A_503] : memref<200x8x32x8x128xf32, #tpu.memory_space<hbm>> -> memref<1x8x1x8x128xf32, #tpu.memory_space<hbm>>
      %dma_start3A_505 = tpu.memref_squeeze %dma_start3A_504 : memref<1x8x1x8x128xf32, #tpu.memory_space<hbm>> -> memref<8x8x128xf32, #tpu.memory_space<hbm>>
      %dma_start3A_506 = arith.constant 0 : i32
      %dma_start3A_507 = arith.constant 0 : i32
      %dma_start3A_508 = arith.constant 0 : i32
      %dma_start3A_509 = tpu.memref_slice %arg4[%add3A_479, %dma_start3A_506, %add3A, %dma_start3A_507, %dma_start3A_508] : memref<200x8x32x8x128xf32, #tpu.memory_space<hbm>> -> memref<1x8x1x8x128xf32, #tpu.memory_space<hbm>>
      %dma_start3A_510 = tpu.memref_squeeze %dma_start3A_509 : memref<1x8x1x8x128xf32, #tpu.memory_space<hbm>> -> memref<8x8x128xf32, #tpu.memory_space<hbm>>
      tpu.enqueue_dma source(%arg11 : memref<8x8x128xf32, #tpu.memory_space<vmem>>) target(%dma_start3A_510 : memref<8x8x128xf32, #tpu.memory_space<hbm>>) target_semaphore(%arg17 : memref<!tpu.dma_semaphore, #tpu.memory_space<semaphore_mem>>)
    }
    %scan3A_353 = arith.constant 50 : i32
    %dma_wait3A = arith.constant 0 : i32
    %dma_wait3A_354 = arith.constant 0 : i32
    %dma_wait3A_355 = arith.constant 0 : i32
    %dma_wait3A_356 = arith.constant 0 : i32
    %dma_wait3A_357 = tpu.memref_slice %arg4[%dma_wait3A, %dma_wait3A_354, %add3A, %dma_wait3A_355, %dma_wait3A_356] : memref<200x8x32x8x128xf32, #tpu.memory_space<hbm>> -> memref<1x8x1x8x128xf32, #tpu.memory_space<hbm>>
    %dma_wait3A_358 = tpu.memref_squeeze %dma_wait3A_357 : memref<1x8x1x8x128xf32, #tpu.memory_space<hbm>> -> memref<8x8x128xf32, #tpu.memory_space<hbm>>
    %dma_wait3A_359 = arith.constant 0 : i32
    %dma_wait3A_360 = arith.constant 0 : i32
    %dma_wait3A_361 = arith.constant 0 : i32
    %dma_wait3A_362 = tpu.memref_slice %arg4[%dma_wait3A, %dma_wait3A_359, %add3A, %dma_wait3A_360, %dma_wait3A_361] : memref<200x8x32x8x128xf32, #tpu.memory_space<hbm>> -> memref<1x8x1x8x128xf32, #tpu.memory_space<hbm>>
    %dma_wait3A_363 = tpu.memref_squeeze %dma_wait3A_362 : memref<1x8x1x8x128xf32, #tpu.memory_space<hbm>> -> memref<8x8x128xf32, #tpu.memory_space<hbm>>
    tpu.wait_dma2 semaphore(%arg16 : memref<!tpu.dma_semaphore, #tpu.memory_space<semaphore_mem>>) src(%dma_wait3A_363 : memref<8x8x128xf32, #tpu.memory_space<hbm>>) dst(%arg10 : memref<8x8x128xf32, #tpu.memory_space<vmem>>)
    %dma_wait3A_364 = arith.constant 0 : i32
    %dma_wait3A_365 = arith.constant 0 : i32
    %dma_wait3A_366 = arith.constant 0 : i32
    %dma_wait3A_367 = arith.constant 0 : i32
    %dma_wait3A_368 = tpu.memref_slice %arg4[%dma_wait3A_364, %dma_wait3A_365, %add3A, %dma_wait3A_366, %dma_wait3A_367] : memref<200x8x32x8x128xf32, #tpu.memory_space<hbm>> -> memref<1x8x1x8x128xf32, #tpu.memory_space<hbm>>
    %dma_wait3A_369 = tpu.memref_squeeze %dma_wait3A_368 : memref<1x8x1x8x128xf32, #tpu.memory_space<hbm>> -> memref<8x8x128xf32, #tpu.memory_space<hbm>>
    %dma_wait3A_370 = arith.constant 0 : i32
    %dma_wait3A_371 = arith.constant 0 : i32
    %dma_wait3A_372 = arith.constant 0 : i32
    %dma_wait3A_373 = tpu.memref_slice %arg4[%dma_wait3A_364, %dma_wait3A_370, %add3A, %dma_wait3A_371, %dma_wait3A_372] : memref<200x8x32x8x128xf32, #tpu.memory_space<hbm>> -> memref<1x8x1x8x128xf32, #tpu.memory_space<hbm>>
    %dma_wait3A_374 = tpu.memref_squeeze %dma_wait3A_373 : memref<1x8x1x8x128xf32, #tpu.memory_space<hbm>> -> memref<8x8x128xf32, #tpu.memory_space<hbm>>
    tpu.wait_dma2 semaphore(%arg17 : memref<!tpu.dma_semaphore, #tpu.memory_space<semaphore_mem>>) src(%dma_wait3A_374 : memref<8x8x128xf32, #tpu.memory_space<hbm>>) dst(%arg11 : memref<8x8x128xf32, #tpu.memory_space<vmem>>)
    return
  }
}

</mosaic_0001>

<sc_bundles>
// kernel: kernel.3.cloned.1.call-start
scs
__scs_entry_jumppad:
0x0: {  	(pc) =	sbr.rel $0x88, $3  }
0x1: {  	(tag) =	ssettag $0x0;
	lr =	simm.s32 $0x1  }
0x2: {  	[smem:$0x3F9F] =	sst lr;
	_ =	strace $0xD0000000  }
0x3: {  	_ = 	snop  }
0x4: {  	_ = 	snop  }
0x5: {  	_ = 	snop  }
0x6: {  	_ = 	snop  }
0x7: {  	_ = 	snop  }
__scs_overlays_trampoline_lowered:
0x8: {  	[smem:$0x3FAE] =	sst s0  }
0x9: {  	[smem:$0x3FAF] =	sst s1  }
0xa: {  	[smem:$0x3FB0] =	sst s2  }
0xb: {  	[smem:$0x3FB1] =	sst s3  }
0xc: {  	[smem:$0x3FB2] =	sst s4  }
0xd: {  	[smem:$0x3FB3] =	sst s5  }
0xe: {  	[smem:$0x3FB4] =	sst s6  }
0xf: {  	[smem:$0x3FB5] =	sst s7  }
0x10: {  	[smem:$0x3FB6] =	sst s8  }
0x11: {  	[smem:$0x3FB7] =	sst s9;
	s0 =	simm.s32 @!p0 $0x0  }
0x12: {  	s1 =	sld [smem:$0x3F9D];
	s0 =	simm.s32 @p0 $0x1  }
0x13: {  	[smem:$0x3FB8] =	sst s0;
	s0 =	simm.s32 @!p1 $0x0  }
0x14: {  	s2 =	sld [smem:$0x3F9C];
	s0 =	simm.s32 @p1 $0x1  }
0x15: {  	[smem:$0x3FB9] =	sst s0;
	s0 =	simm.s32 @!p2 $0x0  }
0x16: {  	s3 =	sld [smem:$0x3FDB];
	s0 =	simm.s32 @p2 $0x1  }
0x17: {  	s4 =	simm.s32 $0x1BF5;
	[smem:$0x3FBB] =	sst s0  }
0x18: {  	s0 =	sld [smem:$0x3F9E];
	_ =	swait.ge [sflag:s4], $0x0  }
0x19: {  	s7 =	sld [smem:$0x3F9F]  }
0x1a: {  	s8 =	sadd.s32 $0xFFFFE003, lr  }
0x1b: {  	s9 =	sadd.s32 $0xFFFFFEF7, lr;
	s5 =	simm.s32 $0xFFFFFFFF;
	p2 =	slt.u32 s8, $0xFFFFF086  }
0x1c: {  	p1 =	slt.u32 s9, $0xF7A;
	s5 =	simm.s32 @!p2 $0x0  }
0x1d: {  	s5 =	simm.s32 @p1 $0x1;
	p0 =	seq.s32 s7, s2  }
0x1e: {  	s7 =	smul.u32 @!p0 $0xF7A, s2;
	p2 =	seq.s32 @!p0 s5, $0x0  }
0x1f: {  	s9 =	smul.u32 $0xF7A, s1;
	s8 =	simm.s32 @!p0 $0x1BF5;
	p2 =	por !p2, p0  }
0x20: {  	[sflag:s8] =	ssyncset.s32 @!p0 $0xFFFFF086;
	s6 =	sadd.s32 @!p0 s3, s7;
	s7 =	simm.s32 @!p0 $0x108  }
0x21: {  	s3 =	sadd.s32 s3, s9;
	s6 =	sadd.s32 @!p0 $0x88, s6;
	s7 =	simm.s32 @p2 $0x1082  }
0x22: {  	[simem:s7], [sflag:s8] =	dma.local @!p0 [hbm:s6], $0xF7A  }
0x23: {  	s9 =	sor.u32 $0xD0000000, s2;
	s6 =	simm.s32 $0x108;
	_ =	swait.ge @!p0 [sflag:s8], $0x0  }
0x24: {  	s3 =	sadd.s32 $0x88, s3;
	s6 =	simm.s32 @!p1 $0x1082;
	[sflag:s4] =	ssyncset.s32 $0xFFFFF086  }
0x25: {  	[simem:s6], [sflag:s4] =	dma.local [hbm:s3], $0xF7A  }
0x26: {  	[smem:$0x3F9F] =	sst s1;
	(tag) =	ssettag s2;
	_ =	strace s9  }
0x27: {  	s1 =	sld [smem:$0x3FAF]  }
0x28: {  	s2 =	sld [smem:$0x3FB0]  }
0x29: {  	s4 =	sld [smem:$0x3FB2]  }
0x2a: {  	p0 =	seq.s32 s5, $0x0;
	s5 =	sld [smem:$0x3FB3]  }
0x2b: {  	s6 =	sld [smem:$0x3FB4]  }
0x2c: {  	s7 =	sld [smem:$0x3FB5]  }
0x2d: {  	s3 =	simm.s32 $0x108;
	s8 =	sld [smem:$0x3FB6]  }
0x2e: {  	s3 =	simm.s32 @!p0 $0x1082;
	s9 =	sld [smem:$0x3FB7]  }
0x2f: {  	lr =	sadd.s32 s0, s3;
	s0 =	sld [smem:$0x3FAE]  }
0x30: {  	s3 =	sld [smem:$0x3FB1]  }
0x31: {  	[smem:$0x3FBA] =	sst s10  }
0x32: {  	s10 =	sld [smem:$0x3FB8];
	_ =	sdelay $0x3  }
0x33: {  	p0 =	seq.s32 s10, $0x1;
	s10 =	sld [smem:$0x3FBA];
	_ =	sdelay $0x3  }
0x34: {  	[smem:$0x3FBA] =	sst s10  }
0x35: {  	s10 =	sld [smem:$0x3FB9];
	_ =	sdelay $0x3  }
0x36: {  	p1 =	seq.s32 s10, $0x1;
	s10 =	sld [smem:$0x3FBA];
	_ =	sdelay $0x3  }
0x37: {  	[smem:$0x3FBA] =	sst s10  }
0x38: {  	s10 =	sld [smem:$0x3FBB]  }
0x39: {  	_ = 	snop;
	(pc) =	sbr.ind lr, $3  }
0x3a: {  	_ = 	snop  }
0x3b: {  	_ = 	snop  }
0x3c: {  	p2 =	seq.s32 s10, $0x1;
	s10 =	sld [smem:$0x3FBA]  }
0x3d: {  	_ =	shalt  }
0x3e: {  	_ =	shalt  }
0x3f: {  	_ =	shalt  }
0x40: {  	_ =	shalt  }
0x41: {  	_ =	shalt  }
0x42: {  	_ =	shalt  }
0x43: {  	_ =	shalt  }
0x44: {  	_ =	shalt  }
0x45: {  	_ =	shalt  }
0x46: {  	_ =	shalt  }
0x47: {  	_ =	shalt  }
0x48: {  	_ =	shalt  }
0x49: {  	_ =	shalt  }
0x4a: {  	_ =	shalt  }
0x4b: {  	_ =	shalt  }
0x4c: {  	_ =	shalt  }
0x4d: {  	_ =	shalt  }
0x4e: {  	_ =	shalt  }
0x4f: {  	_ =	shalt  }
0x50: {  	_ =	shalt  }
0x51: {  	_ =	shalt  }
0x52: {  	_ =	shalt  }
0x53: {  	_ =	shalt  }
0x54: {  	_ =	shalt  }
0x55: {  	_ =	shalt  }
0x56: {  	_ =	shalt  }
0x57: {  	_ =	shalt  }
0x58: {  	_ =	shalt  }
0x59: {  	_ =	shalt  }
0x5a: {  	_ =	shalt  }
0x5b: {  	_ =	shalt  }
0x5c: {  	_ =	shalt  }
0x5d: {  	_ =	shalt  }
0x5e: {  	_ =	shalt  }
0x5f: {  	_ =	shalt  }
0x60: {  	_ =	shalt  }
0x61: {  	_ =	shalt  }
0x62: {  	_ =	shalt  }
0x63: {  	_ =	shalt  }
0x64: {  	_ =	shalt  }
0x65: {  	_ =	shalt  }
0x66: {  	_ =	shalt  }
0x67: {  	_ =	shalt  }
0x68: {  	_ =	shalt  }
0x69: {  	_ =	shalt  }
0x6a: {  	_ =	shalt  }
0x6b: {  	_ =	shalt  }
0x6c: {  	_ =	shalt  }
0x6d: {  	_ =	shalt  }
0x6e: {  	_ =	shalt  }
0x6f: {  	_ =	shalt  }
0x70: {  	_ =	shalt  }
0x71: {  	_ =	shalt  }
0x72: {  	_ =	shalt  }
0x73: {  	_ =	shalt  }
0x74: {  	_ =	shalt  }
0x75: {  	_ =	shalt  }
0x76: {  	_ =	shalt  }
0x77: {  	_ =	shalt  }
0x78: {  	_ =	shalt  }
0x79: {  	_ =	shalt  }
0x7a: {  	_ =	shalt  }
0x7b: {  	_ =	shalt  }
0x7c: {  	_ =	shalt  }
0x7d: {  	_ =	shalt  }
0x7e: {  	_ =	shalt  }
0x7f: {  	_ =	shalt  }
0x80: {  	_ =	shalt  }
0x81: {  	_ =	shalt  }
0x82: {  	_ =	shalt  }
0x83: {  	_ =	shalt  }
0x84: {  	_ =	shalt  }
0x85: {  	_ =	shalt  }
0x86: {  	_ =	shalt  }
0x87: {  	_ =	shalt  }
.Lfunc_end0:
.L_simem_size_0:
called_computation_lowered:
.L_overlay_start_0:
0x88: {  	s2 =	sld [smem:$0x3FD9]  }
0x89: {  	s3 =	sld [smem:$0x3FFE];
	_ =	sdelay $0x1  }
0x8a: {  	s1 =	srdreg.scid  }
0x8b: {  	s0 =	sand.u32 $0x1, s1  }
0x8c: {  	s17 =	sshll.u32 s0, $0xA;
	s2 =	sadd.s32 s3, s2  }
0x8d: {  	s2 =	sadd.s32 s2, s17  }
0x8e: {  	[smem:$0x3FC6] =	sst s2  }
0x8f: {  	_ = 	snop  }
0x90: {  	s2 =	sld [smem:$0x3FD0];
	(tm) =	ssettm $0x1  }
0x91: {  	s18 =	sld [smem:$0x3FFB];
	_ =	sdelay $0x3  }
0x92: {  	_ =	strace s18  }
0x93: {  	s3 =	sld [smem:$0x3FFC];
	_ =	sdelay $0x3  }
0x94: {  	_ =	strace s3  }
0x95: {  	s3 =	sld [smem:$0x3FFD];
	_ =	sdelay $0x3  }
0x96: {  	_ =	strace s3  }
0x97: {  	_ =	strace $0x8FFFFFFF  }
0x98: {  	s19 =	sld [smem:$0x3FDB];
	_ =	sdelay $0x1  }
0x99: {  	s4 =	simm.s32 $_scs_section_size  }
0x9a: {  	s5 =	simm.s32 $_size__tile_overlayer_lowered;
	s6 =	simm.s32 $_tile_overlayer_lowered  }
0x9b: {  	s22 =	simm.s32 $0x1BFF;
	s21 =	sshll.u32 s6, $0x1;
	s3 =	sadd.s32 s4, s19  }
0x9c: {  	s7 =	simm.s32 $0x0;
	s20 =	sshll.u32 s5, $0x1;
	s5 =	sadd.s32 s21, s3  }
0x9d: {  	[timem:s7], [sflag:s22] =	dma.local [hbm:s5], s20  }
0x9e: {  	_ =	swait.ge [sflag:s22], s20  }
0x9f: {  	s4 =	ssub.s32 $0x0, s20;
	[sflag:s22] =	ssyncset.done $0x0  }
0xa0: {  	[sflag:s22] =	ssyncadd.s32 s4;
	_ =	sdelay $0x1  }
0xa1: {  	s23 =	simm.s32 $0x1B8B  }
0xa2: {  	_ =	swait.ge [sflag:s23], $0x1  }
0xa3: {  	[sflag:s23] =	ssyncset.done $0x0  }
0xa4: {  	s25 =	simm.s32 $0x1B8E;
	s24 =	sld [smem:$0x3FFE];
	[sflag:s23] =	ssyncadd.s32 $0xFFFFFFFF  }
0xa5: {  	s26 =	simm.s32 $execute0_lowered;
	[smem:$0x3FD2] =	sst s25  }
0xa6: {  	s5 =	sshll.u32 s26, $0x1;
	_ =	strace $0x80000046;
	[dreg:$0x1] =	wrdreg $0xFFFFFFFF  }
0xa7: {  	s28 =	simm.s32 $_size_execute0_lowered;
	s3 =	sadd.s32 s3, s5;
	[dreg:$0x0] =	wrdreg $0x0  }
0xa8: {  	s5 =	sshll.u32 s28, $0x1;
	[dreg:$0x2] =	wrdreg s3  }
0xa9: {  	[dreg:$0x3] =	wrdreg s5  }
0xaa: {  	[dreg:$0x4] =	wrdreg $0xC0  }
0xab: {  	_ =	task [dreg:s7], $0x5FFFF  }
0xac: {  	[dreg:$0x1] =	wrdreg $0xFFFFFFFF  }
0xad: {  	[dreg:$0x0] =	wrdreg $0x60  }
0xae: {  	[dreg:$0x2] =	wrdreg s24  }
0xaf: {  	[dreg:$0x3] =	wrdreg s2  }
0xb0: {  	[dreg:$0x4] =	wrdreg $0x9  }
0xb1: {  	_ =	task.clear_ibuf [dreg:s7], $0x5FFFF;
	_ =	strace $0x90000046  }
0xb2: {  	s29 =	simm.s32 $0x9;
	_ =	strace $0x80000048  }
0xb3: {  	_ =	swait.ge [sflag:s29], $0x1  }
0xb4: {  	[sflag:s29] =	ssyncadd.s32 $0xFFFFFFFF  }
0xb5: {  	_ =	strace $0x90000048  }
0xb6: {  	_ =	sfence  }
0xb7: {  	s30 =	sld [smem:$0x0];
	_ =	sdelay $0x2  }
0xb8: {  	s31 =	sshll.u32 s1, $0xD;
	s1 =	sshrl.u32 s1, $0x2  }
0xb9: {  	s3 =	sand.u32 $0x4000, s31;
	s1 =	sadd.s32 s1, s30  }
0xba: {  	s0 =	sor.u32 s3, s0;
	s1 =	sshll.u32 s1, $0x11  }
0xbb: {  	s0 =	sor.u32 s1, s0  }
0xbc: {  	s0 =	sadd.s32 $0x8F2B, s0  }
0xbd: {  	[sflag:s0] =	ssyncadd.remote.s32 $0x1  }
0xbe: {  	_ =	sfence.sel $0xFFFF  }
0xbf: {  	[dreg:$0x0] =	wrdreg $0xFFFFFFFF;
	(pc) =	sbr.abs _section_cstart, $3  }
0xc0: {  	[dreg:$0x1] =	wrdreg $0xFFFFFFFF  }
0xc1: {  	_ =	task.clear_ibuf [dreg:s7], $0x2FFFF;
	_ =	strace $0x9FFFFFFF  }
0xc2: {  	(tm) =	ssettm $0x7FFFFFFF  }
0xc3: {  	_ =	shalt  }
tec
execute0_lowered:
.L_overlay_start_1:
0x0: {  	(tag) =	ssettag $0x1  }
0x1: {  	s0 =	rddreg [dreg:$0x0];
	v0 =	vlaneseq.u32  }
0x2: {  	s2 =	rddreg [dreg:$0x1];
	v0 =	vmul.u32 $0x80, v0  }
0x3: {  	s1 =	srdreg.scid;
	s4 =	stileid.u32;
	v1 =	vimm.s32 $0x0;
	vm1 =	vcmask $0x300  }
0x4: {  	s3 =	simm.s32 $0x0;
	s13 =	simm.s32 $0x7;
	s21 =	simm.s32 $0x8000;
	vm0 =	vmmov $0xffff;
	v1 =	vsel vm1, $0x3, v1;
	v2 =	vor.u32 $0x800, v0  }
0x5: {  	s23 =	simm.s32 $0xD800;
	s24 =	simm.s32 $0xDC00;
	s25 =	simm.s32 $0xE000;
	v3 =	vor.u32 $0x1000, v0;
	v4 =	vor.u32 $0x1800, v0;
	v5 =	vor.u32 $0x1, v0  }
0x6: {  	s28 =	simm.s32 $0xE400;
	s29 =	simm.s32 $0x400;
	s30 =	simm.s32 $0x2;
	v6 =	vor.u32 $0x801, v0;
	v7 =	vor.u32 $0x1001, v0;
	v8 =	vor.u32 $0x1801, v0  }
0x7: {  	s31 =	simm.s32 $0x10400;
	s11 =	simm.s32 $0x4;
	s12 =	simm.s32 $0x6;
	v9 =	vor.u32 $0x2, v0;
	v10 =	vor.u32 $0x802, v0;
	v11 =	vor.u32 $0x1002, v0  }
0x8: {  	s14 =	simm.s32 $0x0;
	s1 =	sand.u32 $0x1, s1;
	s4 =	sshll.u32 s4, $0x1;
	v12 =	vor.u32 $0x1802, v0;
	v13 =	vor.u32 $0x3, v0;
	v14 =	vor.u32 $0x803, v0  }
0x9: {  	[smem:$0x7FF] =	sst s3;
	s8 =	sadd.s32 $0x10000, s2;
	s9 =	sadd.s32 $0x18000, s2;
	v15 =	vor.u32 $0x1003, v0;
	v16 =	vor.u32 $0x1803, v0;
	v17 =	vor.u32 $0x4, v0  }
0xa: {  	s6 =	sor.u32 s1, s4;
	s1 =	ssub.s32 $0x2, s1;
	_ =	strace $0x80000047;
	v18 =	vor.u32 $0x804, v0;
	v19 =	vor.u32 $0x1004, v0;
	v20 =	vor.u32 $0x1804, v0  }
0xb: {  	s4 =	sshll.u32 s6, $0x4;
	s5 =	sshrl.u32 s1, $0x1;
	s6 =	sshll.u32 s6, $0x7;
	v21 =	vor.u32 $0x5, v0;
	v22 =	vor.u32 $0x805, v0;
	v23 =	vor.u32 $0x1005, v0  }
0xc: {  	v24 =	vor.u32 $0x1805, v0;
	v25 =	vor.u32 $0x6, v0;
	v26 =	vor.u32 $0x806, v0;
	s7 =	sadd.s32 s4, s0;
	s4 =	sadd.s32 $0xF42A00, s0;
	s26 =	ssub.s32 s1, s5  }
0xd: {  	v27 =	vor.u32 $0x1006, v0;
	v28 =	vor.u32 $0x1806, v0;
	v29 =	vor.u32 $0x7, v0;
	s0 =	simm.s32 $0x3;
	s1 =	simm.s32 $0x5;
	s5 =	sadd.s32 $0x600, s7  }
0xe: {  	v30 =	vor.u32 $0x807, v0;
	v31 =	vor.u32 $0x1007, v0;
	v32 =	vor.u32 $0x1807, v0;
	s7 =	sadd.s32 $0x8000, s2;
	s10 =	smax.u32 s26, $0x1;
	s26 =	simm.s32 $0x1  }
.LBB2_1:
0xf: {  	s15 =	simm.s32 $0x80;
	s16 =	simm.s32 $0x1000  }
0x10: {  	[tilespmem:s3], [sflag:$0x7] =	stream.strided.gather [hbm4b:s5+s15], $0x6400, s16, s15, $0x38;
	[tilespmem:$0x12400] =	vst v63  }
0x11: {  	_ =	swait.ge [sflag:s13], $0x6400  }
0x12: {  	[sflag:s13] =	ssyncset.done $0x0  }
0x13: {  	[sflag:s13] =	ssyncadd.s32 $0xFFFF9C00  }
0x14: {  	v33 =	vld [tilespmem:$0x0];
	_ =	sdelay $0x6  }
0x15: {  	s18 =	simm.s32 $0x6400  }
0x16: {  	[tilespmem:s18], [sflag:$0x1] =	stream.indirect_vreg.gather [hbm4b:s4+s3], $0x40, v33, vm0, $0xb8;
	[tilespmem:$0x12400] =	vst v63  }
0x17: {  	v33 =	vld [tilespmem:$0x10];
	_ =	sdelay $0x6  }
0x18: {  	s19 =	simm.s32 $0x6800  }
0x19: {  	[tilespmem:s19], [sflag:$0x1] =	stream.indirect_vreg.gather [hbm4b:s4+s3], $0x40, v33, vm0, $0xb8;
	[tilespmem:$0x12400] =	vst v63  }
0x1a: {  	v33 =	vld [tilespmem:$0x20];
	_ =	sdelay $0x6  }
0x1b: {  	s20 =	simm.s32 $0x6C00  }
0x1c: {  	[tilespmem:s20], [sflag:$0x1] =	stream.indirect_vreg.gather [hbm4b:s4+s3], $0x40, v33, vm0, $0xb8;
	[tilespmem:$0x12400] =	vst v63  }
0x1d: {  	v33 =	vld [tilespmem:$0x30];
	_ =	sdelay $0x6  }
0x1e: {  	s22 =	simm.s32 $0x7000  }
0x1f: {  	[tilespmem:s22], [sflag:$0x1] =	stream.indirect_vreg.gather [hbm4b:s4+s3], $0x40, v33, vm0, $0xb8;
	[tilespmem:$0x12400] =	vst v63  }
0x20: {  	v33 =	vld [tilespmem:$0x40];
	_ =	sdelay $0x6  }
0x21: {  	s16 =	simm.s32 $0x7400  }
0x22: {  	[tilespmem:s16], [sflag:$0x1] =	stream.indirect_vreg.gather [hbm4b:s4+s3], $0x40, v33, vm0, $0xb8;
	[tilespmem:$0x12400] =	vst v63  }
0x23: {  	v33 =	vld [tilespmem:$0x50];
	_ =	sdelay $0x6  }
0x24: {  	s17 =	simm.s32 $0x7800  }
0x25: {  	[tilespmem:s17], [sflag:$0x1] =	stream.indirect_vreg.gather [hbm4b:s4+s3], $0x40, v33, vm0, $0xb8;
	[tilespmem:$0x12400] =	vst v63  }
0x26: {  	v33 =	vld [tilespmem:$0x60];
	_ =	sdelay $0x6  }
0x27: {  	s18 =	simm.s32 $0x7C00  }
0x28: {  	[tilespmem:s18], [sflag:$0x1] =	stream.indirect_vreg.gather [hbm4b:s4+s3], $0x40, v33, vm0, $0xb8;
	[tilespmem:$0x12400] =	vst v63  }
0x29: {  	v33 =	vld [tilespmem:$0x70];
	_ =	sdelay $0x7  }
0x2a: {  	[tilespmem:s21], [sflag:$0x1] =	stream.indirect_vreg.gather [hbm4b:s4+s3], $0x40, v33, vm0, $0xb8;
	[tilespmem:$0x12400] =	vst v63  }
0x2b: {  	v33 =	vld [tilespmem:$0x80];
	_ =	sdelay $0x6  }
0x2c: {  	s19 =	simm.s32 $0x8400  }
0x2d: {  	[tilespmem:s19], [sflag:$0x2] =	stream.indirect_vreg.gather [hbm4b:s4+s3], $0x40, v33, vm0, $0xb8;
	[tilespmem:$0x12400] =	vst v63  }
0x2e: {  	v33 =	vld [tilespmem:$0x90];
	_ =	sdelay $0x6  }
0x2f: {  	s20 =	simm.s32 $0x8800  }
0x30: {  	[tilespmem:s20], [sflag:$0x2] =	stream.indirect_vreg.gather [hbm4b:s4+s3], $0x40, v33, vm0, $0xb8;
	[tilespmem:$0x12400] =	vst v63  }
0x31: {  	v33 =	vld [tilespmem:$0xA0];
	_ =	sdelay $0x6  }
0x32: {  	s22 =	simm.s32 $0x8C00  }
0x33: {  	[tilespmem:s22], [sflag:$0x2] =	stream.indirect_vreg.gather [hbm4b:s4+s3], $0x40, v33, vm0, $0xb8;
	[tilespmem:$0x12400] =	vst v63  }
0x34: {  	v33 =	vld [tilespmem:$0xB0];
	_ =	sdelay $0x6  }
0x35: {  	s16 =	simm.s32 $0x9000  }
0x36: {  	[tilespmem:s16], [sflag:$0x2] =	stream.indirect_vreg.gather [hbm4b:s4+s3], $0x40, v33, vm0, $0xb8;
	[tilespmem:$0x12400] =	vst v63  }
0x37: {  	v33 =	vld [tilespmem:$0xC0];
	_ =	sdelay $0x6  }
0x38: {  	s17 =	simm.s32 $0x9400  }
0x39: {  	[tilespmem:s17], [sflag:$0x2] =	stream.indirect_vreg.gather [hbm4b:s4+s3], $0x40, v33, vm0, $0xb8;
	[tilespmem:$0x12400] =	vst v63  }
0x3a: {  	v33 =	vld [tilespmem:$0xD0];
	_ =	sdelay $0x6  }
0x3b: {  	s18 =	simm.s32 $0x9800  }
0x3c: {  	[tilespmem:s18], [sflag:$0x2] =	stream.indirect_vreg.gather [hbm4b:s4+s3], $0x40, v33, vm0, $0xb8;
	[tilespmem:$0x12400] =	vst v63  }
0x3d: {  	v33 =	vld [tilespmem:$0xE0];
	_ =	sdelay $0x6  }
0x3e: {  	s19 =	simm.s32 $0x9C00  }
0x3f: {  	[tilespmem:s19], [sflag:$0x2] =	stream.indirect_vreg.gather [hbm4b:s4+s3], $0x40, v33, vm0, $0xb8;
	[tilespmem:$0x12400] =	vst v63  }
0x40: {  	v33 =	vld [tilespmem:$0xF0];
	_ =	sdelay $0x6  }
0x41: {  	s20 =	simm.s32 $0xA000  }
0x42: {  	[tilespmem:s20], [sflag:$0x2] =	stream.indirect_vreg.gather [hbm4b:s4+s3], $0x40, v33, vm0, $0xb8;
	[tilespmem:$0x12400] =	vst v63  }
0x43: {  	v33 =	vld [tilespmem:$0x100];
	_ =	sdelay $0x6  }
0x44: {  	s22 =	simm.s32 $0xA400  }
0x45: {  	[tilespmem:s22], [sflag:$0x3] =	stream.indirect_vreg.gather [hbm4b:s4+s3], $0x40, v33, vm0, $0xb8;
	[tilespmem:$0x12400] =	vst v63  }
0x46: {  	v33 =	vld [tilespmem:$0x110];
	_ =	sdelay $0x6  }
0x47: {  	s16 =	simm.s32 $0xA800  }
0x48: {  	[tilespmem:s16], [sflag:$0x3] =	stream.indirect_vreg.gather [hbm4b:s4+s3], $0x40, v33, vm0, $0xb8;
	[tilespmem:$0x12400] =	vst v63  }
0x49: {  	v33 =	vld [tilespmem:$0x120];
	_ =	sdelay $0x6  }
0x4a: {  	s17 =	simm.s32 $0xAC00  }
0x4b: {  	[tilespmem:s17], [sflag:$0x3] =	stream.indirect_vreg.gather [hbm4b:s4+s3], $0x40, v33, vm0, $0xb8;
	[tilespmem:$0x12400] =	vst v63  }
0x4c: {  	v33 =	vld [tilespmem:$0x130];
	_ =	sdelay $0x6  }
0x4d: {  	s18 =	simm.s32 $0xB000  }
0x4e: {  	[tilespmem:s18], [sflag:$0x3] =	stream.indirect_vreg.gather [hbm4b:s4+s3], $0x40, v33, vm0, $0xb8;
	[tilespmem:$0x12400] =	vst v63  }
0x4f: {  	v33 =	vld [tilespmem:$0x140];
	_ =	sdelay $0x6  }
0x50: {  	s19 =	simm.s32 $0xB400  }
0x51: {  	[tilespmem:s19], [sflag:$0x3] =	stream.indirect_vreg.gather [hbm4b:s4+s3], $0x40, v33, vm0, $0xb8;
	[tilespmem:$0x12400] =	vst v63  }
0x52: {  	v33 =	vld [tilespmem:$0x150];
	_ =	sdelay $0x6  }
0x53: {  	s20 =	simm.s32 $0xB800  }
0x54: {  	[tilespmem:s20], [sflag:$0x3] =	stream.indirect_vreg.gather [hbm4b:s4+s3], $0x40, v33, vm0, $0xb8;
	[tilespmem:$0x12400] =	vst v63  }
0x55: {  	v33 =	vld [tilespmem:$0x160];
	_ =	sdelay $0x6  }
0x56: {  	s22 =	simm.s32 $0xBC00  }
0x57: {  	[tilespmem:s22], [sflag:$0x3] =	stream.indirect_vreg.gather [hbm4b:s4+s3], $0x40, v33, vm0, $0xb8;
	[tilespmem:$0x12400] =	vst v63  }
0x58: {  	v33 =	vld [tilespmem:$0x170];
	_ =	sdelay $0x6  }
0x59: {  	s16 =	simm.s32 $0xC000  }
0x5a: {  	[tilespmem:s16], [sflag:$0x3] =	stream.indirect_vreg.gather [hbm4b:s4+s3], $0x40, v33, vm0, $0xb8;
	[tilespmem:$0x12400] =	vst v63  }
0x5b: {  	v33 =	vld [tilespmem:$0x180];
	_ =	sdelay $0x6  }
0x5c: {  	s17 =	simm.s32 $0xC400  }
0x5d: {  	[tilespmem:s17], [sflag:$0x4] =	stream.indirect_vreg.gather [hbm4b:s4+s3], $0x40, v33, vm0, $0xb8;
	[tilespmem:$0x12400] =	vst v63  }
0x5e: {  	v33 =	vld [tilespmem:$0x190];
	_ =	sdelay $0x6  }
0x5f: {  	s18 =	simm.s32 $0xC800  }
0x60: {  	[tilespmem:s18], [sflag:$0x4] =	stream.indirect_vreg.gather [hbm4b:s4+s3], $0x40, v33, vm0, $0xb8;
	[tilespmem:$0x12400] =	vst v63  }
0x61: {  	v33 =	vld [tilespmem:$0x1A0];
	_ =	sdelay $0x6  }
0x62: {  	s19 =	simm.s32 $0xCC00  }
0x63: {  	[tilespmem:s19], [sflag:$0x4] =	stream.indirect_vreg.gather [hbm4b:s4+s3], $0x40, v33, vm0, $0xb8;
	[tilespmem:$0x12400] =	vst v63  }
0x64: {  	v33 =	vld [tilespmem:$0x1B0];
	_ =	sdelay $0x6  }
0x65: {  	s20 =	simm.s32 $0xD000  }
0x66: {  	[tilespmem:s20], [sflag:$0x4] =	stream.indirect_vreg.gather [hbm4b:s4+s3], $0x40, v33, vm0, $0xb8;
	[tilespmem:$0x12400] =	vst v63  }
0x67: {  	v33 =	vld [tilespmem:$0x1C0];
	_ =	sdelay $0x6  }
0x68: {  	s22 =	simm.s32 $0xD400  }
0x69: {  	[tilespmem:s22], [sflag:$0x4] =	stream.indirect_vreg.gather [hbm4b:s4+s3], $0x40, v33, vm0, $0xb8;
	[tilespmem:$0x12400] =	vst v63  }
0x6a: {  	v33 =	vld [tilespmem:$0x1D0];
	_ =	sdelay $0x7  }
0x6b: {  	[tilespmem:s23], [sflag:$0x4] =	stream.indirect_vreg.gather [hbm4b:s4+s3], $0x40, v33, vm0, $0xb8;
	[tilespmem:$0x12400] =	vst v63  }
0x6c: {  	v33 =	vld [tilespmem:$0x1E0];
	_ =	sdelay $0x7  }
0x6d: {  	[tilespmem:s24], [sflag:$0x4] =	stream.indirect_vreg.gather [hbm4b:s4+s3], $0x40, v33, vm0, $0xb8;
	[tilespmem:$0x12400] =	vst v63  }
0x6e: {  	v33 =	vld [tilespmem:$0x1F0];
	_ =	sdelay $0x6  }
0x6f: {  	s15 =	simm.s32 $0x0  }
0x70: {  	[tilespmem:s25], [sflag:$0x4] =	stream.indirect_vreg.gather [hbm4b:s4+s3], $0x40, v33, vm0, $0xb8;
	[tilespmem:$0x12400] =	vst v63  }
.LBB2_2:
0x71: {  	s16 =	simm.s32 $0x0;
	s20 =	simm.s32 $0x1;
	s17 =	simm.s32 $0x2  }
0x72: {  	s22 =	simm.s32 $0x3;
	s19 =	simm.s32 $0x4;
	s18 =	simm.s32 $0x7;
	v33 =	vmov s16;
	v34 =	vmov s20;
	v35 =	vmov s17  }
0x73: {  	_ =	swait.ge [sflag:s26], $0x2000;
	v36 =	vmov s22;
	s20 =	simm.s32 $0x5;
	v37 =	vmov s19;
	v38 =	vmov s18  }
0x74: {  	p1 =	seq.s32 s15, $0x0;
	[sflag:s26] =	ssyncset.done $0x0;
	s22 =	simm.s32 $0x6;
	v33 =	vshrl.u32 v33, $0x3;
	v39 =	vmov s20;
	v38 =	vshrl.u32 v38, $0x3  }
0x75: {  	s17 =	simm.s32 @!p1 $0x5;
	[sflag:s26] =	ssyncadd.s32 $0xFFFFE000;
	v40 =	vmov s22;
	v34 =	vshrl.u32 v34, $0x3;
	v35 =	vshrl.u32 v35, $0x3  }
0x76: {  	v36 =	vshrl.u32 v36, $0x3;
	v37 =	vshrl.u32 v37, $0x3;
	_ =	swait.ge @!p1 [sflag:s17], $0x2000;
	v38 =	vshll.u32 v38, v1  }
0x77: {  	v33 =	vshll.u32 v33, v1;
	v34 =	vshll.u32 v34, v1;
	[sflag:s17] =	ssyncset.done @!p1 $0x0;
	v38 =	vbroadcast v38, $0x0  }
0x78: {  	v51 =	vshll.u32 v35, v1;
	v52 =	vshll.u32 v36, v1;
	v33 =	vbroadcast v33, $0x0;
	[sflag:s17] =	ssyncadd.s32 @!p1 $0xFFFFE000;
	s17 =	simm.s32 $0x6500  }
0x79: {  	v54 =	vshll.u32 v37, v1;
	v47 =	vbroadcast v34, $0x0;
	v41 =	vld [tilespmem:s17+$0xC0];
	v42 =	vor.u32 v29, v38  }
0x7a: {  	v55 =	vshrl.u32 v39, $0x3;
	v53 =	vbroadcast v51, $0x0;
	v43 =	vld [tilespmem:s17+$0xFFFFFF00];
	v44 =	vor.u32 v0, v33  }
0x7b: {  	v40 =	vshrl.u32 v40, $0x3;
	v35 =	vbroadcast v52, $0x0;
	v45 =	vld [tilespmem:s17+$0xFFFFFF40];
	v46 =	vor.u32 v5, v47  }
0x7c: {  	v34 =	vbroadcast v54, $0x0;
	v36 =	vshll.u32 v55, v1;
	v48 =	vld [tilespmem:s17+$0xFFFFFF80];
	v49 =	vor.u32 v9, v53  }
0x7d: {  	v56 =	vshll.u32 v40, v1;
	v37 =	vbroadcast v36, $0x0;
	v39 =	vld [tilespmem:s17+$0xFFFFFFC0];
	v50 =	vor.u32 v13, v35  }
0x7e: {  	v36 =	vbroadcast v56, $0x0;
	v51 =	vld [tilespmem:s17+$0x0];
	v52 =	vor.u32 v17, v34;
	[tilespmem:v42+s28+$0x0] =	vst.idx.msk $0xffff, v41  }
0x7f: {  	v59 =	vld [tilespmem:s17+$0x40];
	v60 =	vor.u32 v21, v37;
	[tilespmem:v44+s28+$0x0] =	vst.idx.msk $0xffff, v43  }
0x80: {  	v61 =	vld [tilespmem:s17+$0x80];
	v62 =	vor.u32 v25, v36;
	[tilespmem:v46+s28+$0x0] =	vst.idx.msk $0xffff, v45  }
0x81: {  	v58 =	vor.u32 v30, v38;
	[tilespmem:v49+s28+$0x0] =	vst.idx.msk $0xffff, v48;
	v57 =	vld [tilespmem:s17+$0xD0]  }
0x82: {  	v63 =	vor.u32 v6, v47;
	[tilespmem:v50+s28+$0x0] =	vst.idx.msk $0xffff, v39;
	v46 =	vld [tilespmem:s17+$0xFFFFFF50]  }
0x83: {  	v55 =	vor.u32 v10, v53;
	[tilespmem:v52+s28+$0x0] =	vst.idx.msk $0xffff, v51;
	v54 =	vld [tilespmem:s17+$0xFFFFFF90]  }
0x84: {  	v56 =	vor.u32 v14, v35;
	v50 =	vld [tilespmem:s17+$0xFFFFFFD0];
	[tilespmem:v60+s28+$0x0] =	vst.idx.msk $0xffff, v59  }
0x85: {  	[tilespmem:v62+s28+$0x0] =	vst.idx.msk $0xffff, v61;
	v61 =	vld [tilespmem:s17+$0xFFFFFF10];
	v62 =	vor.u32 v2, v33  }
0x86: {  	v59 =	vor.u32 v18, v34;
	[tilespmem:v58+s28+$0x0] =	vst.idx.msk $0xffff, v57;
	v58 =	vld [tilespmem:s17+$0x10]  }
0x87: {  	v57 =	vor.u32 v31, v38;
	[tilespmem:v63+s28+$0x0] =	vst.idx.msk $0xffff, v46;
	v40 =	vld [tilespmem:s17+$0xE0]  }
0x88: {  	v45 =	vor.u32 v22, v37;
	v44 =	vld [tilespmem:s17+$0x50];
	[tilespmem:v55+s28+$0x0] =	vst.idx.msk $0xffff, v54  }
0x89: {  	v60 =	vor.u32 v26, v36;
	v63 =	vld [tilespmem:s17+$0x90];
	[tilespmem:v56+s28+$0x0] =	vst.idx.msk $0xffff, v50  }
0x8a: {  	v51 =	vor.u32 v7, v47;
	[tilespmem:v62+s28+$0x0] =	vst.idx.msk $0xffff, v61;
	v50 =	vld [tilespmem:s17+$0xFFFFFF60]  }
0x8b: {  	v56 =	vor.u32 v11, v53;
	v55 =	vld [tilespmem:s17+$0xFFFFFFA0];
	[tilespmem:v59+s28+$0x0] =	vst.idx.msk $0xffff, v58  }
0x8c: {  	v58 =	vor.u32 v15, v35;
	[tilespmem:v57+s28+$0x0] =	vst.idx.msk $0xffff, v40;
	v57 =	vld [tilespmem:s17+$0xFFFFFFE0]  }
0x8d: {  	v38 =	vor.u32 v32, v38;
	[tilespmem:v45+s28+$0x0] =	vst.idx.msk $0xffff, v44;
	v54 =	vld [tilespmem:s17+$0xF0]  }
0x8e: {  	s19 =	simm.s32 $0x9;
	[tilespmem:v60+s28+$0x0] =	vst.idx.msk $0xffff, v63;
	v60 =	vor.u32 v19, v34;
	v59 =	vld [tilespmem:s17+$0x20]  }
0x8f: {  	v41 =	vor.u32 v23, v37;
	v52 =	vmov s19;
	s19 =	simm.s32 $0xC;
	[tilespmem:v51+s28+$0x0] =	vst.idx.msk $0xffff, v50;
	v40 =	vld [tilespmem:s17+$0x60]  }
0x90: {  	s18 =	simm.s32 $0x8;
	s22 =	simm.s32 $0xB;
	v43 =	vor.u32 v27, v36;
	v48 =	vor.u32 v3, v33;
	v46 =	vmov s19;
	v42 =	vld [tilespmem:s17+$0xA0];
	[tilespmem:v56+s28+$0x0] =	vst.idx.msk $0xffff, v55  }
0x91: {  	s20 =	simm.s32 $0xA;
	v53 =	vor.u32 v12, v53;
	v44 =	vmov s22;
	v45 =	vld [tilespmem:s17+$0xFFFFFF20];
	v63 =	vmov s18;
	[tilespmem:v58+s28+$0x0] =	vst.idx.msk $0xffff, v57  }
0x92: {  	s22 =	simm.s32 $0xE;
	v39 =	vshrl.u32 v63, $0x3;
	v51 =	vor.u32 v8, v47;
	v49 =	vld [tilespmem:s17+$0xFFFFFF70];
	[tilespmem:v38+s28+$0x0] =	vst.idx.msk $0xffff, v54;
	v54 =	vmov s20;
	s20 =	simm.s32 $0xD  }
0x93: {  	s16 =	sshll.u32 s15, $0x9;
	s19 =	simm.s32 $0xF;
	s18 =	simm.s32 $0x10;
	v47 =	vshll.u32 v39, v1;
	v39 =	vmov s22;
	v50 =	vld [tilespmem:s17+$0xFFFFFFB0];
	[tilespmem:v60+s28+$0x0] =	vst.idx.msk $0xffff, v59;
	v38 =	vmov s20  }
.LBB2_3:
0x94: {  	p0 =	slt.u32 s18, $0x78;
	v52 =	vshrl.u32 v52, $0x3;
	v55 =	vmov s19;
	v56 =	vld [tilespmem:s17+$0xFFFFFFF0];
	v35 =	vor.u32 v16, v35;
	[tilespmem:v41+s28+$0x0] =	vst.idx.msk $0xffff, v40  }
0x95: {  	v40 =	vshrl.u32 v54, $0x3;
	v34 =	vor.u32 v20, v34;
	v41 =	vshrl.u32 v55, $0x3;
	v54 =	vld [tilespmem:s17+$0x30];
	[tilespmem:v43+s28+$0x0] =	vst.idx.msk $0xffff, v42  }
0x96: {  	v37 =	vor.u32 v24, v37;
	v42 =	vshrl.u32 v44, $0x3;
	v41 =	vshll.u32 v41, v1;
	[tilespmem:v48+s28+$0x0] =	vst.idx.msk $0xffff, v45;
	v43 =	vld [tilespmem:s17+$0x70]  }
0x97: {  	v36 =	vor.u32 v28, v36;
	v44 =	vshrl.u32 v46, $0x3;
	v41 =	vbroadcast v41, $0x0;
	[tilespmem:v51+s28+$0x0] =	vst.idx.msk $0xffff, v49;
	v45 =	vld [tilespmem:s17+$0xB0]  }
0x98: {  	v46 =	vshll.u32 v52, v1;
	v49 =	vor.u32 v4, v33;
	v33 =	vbroadcast v47, $0x0;
	v48 =	vld [tilespmem:s17+$0xFFFFFF30];
	[tilespmem:v53+s28+$0x0] =	vst.idx.msk $0xffff, v50;
	s17 =	sadd.s32 $0x200, s17  }
0x99: {  	v40 =	vshll.u32 v40, v1;
	v47 =	vbroadcast v46, $0x0;
	v46 =	vld [tilespmem:s17+$0xC0];
	v50 =	vor.u32 v29, v41;
	[tilespmem:v35+s28+$0x0] =	vst.idx.msk $0xffff, v56  }
0x9a: {  	v53 =	vbroadcast v40, $0x0;
	v52 =	vor.u32 v0, v33;
	v35 =	vshll.u32 v42, v1;
	v51 =	vld [tilespmem:s17+$0xFFFFFF00];
	[tilespmem:v34+s28+$0x0] =	vst.idx.msk $0xffff, v54  }
0x9b: {  	v42 =	vor.u32 v5, v47;
	v35 =	vbroadcast v35, $0x0;
	v34 =	vshll.u32 v44, v1;
	v40 =	vld [tilespmem:s17+$0xFFFFFF40];
	[tilespmem:v37+s28+$0x0] =	vst.idx.msk $0xffff, v43  }
0x9c: {  	v44 =	vor.u32 v9, v53;
	v34 =	vbroadcast v34, $0x0;
	v37 =	vshrl.u32 v38, $0x3;
	v43 =	vld [tilespmem:s17+$0xFFFFFF80];
	[tilespmem:v36+s28+$0x0] =	vst.idx.msk $0xffff, v45  }
0x9d: {  	v39 =	vshrl.u32 v39, $0x3;
	v45 =	vor.u32 v13, v35;
	v36 =	vshll.u32 v37, v1;
	v38 =	vld [tilespmem:s17+$0xFFFFFFC0];
	[tilespmem:v49+s28+$0x0] =	vst.idx.msk $0xffff, v48  }
0x9e: {  	v49 =	vor.u32 v17, v34;
	v37 =	vbroadcast v36, $0x0;
	v36 =	vshll.u32 v39, v1;
	v48 =	vld [tilespmem:s17+$0x0];
	[tilespmem:v50+s28+$0x0] =	vst.idx.msk $0xffff, v46  }
0x9f: {  	v36 =	vbroadcast v36, $0x0;
	v46 =	vor.u32 v30, v41;
	[tilespmem:v52+s28+$0x0] =	vst.idx.msk $0xffff, v51;
	v39 =	vld [tilespmem:s17+$0xD0]  }
0xa0: {  	[tilespmem:v42+s28+$0x0] =	vst.idx.msk $0xffff, v40;
	v40 =	vld [tilespmem:s17+$0x40];
	v42 =	vor.u32 v21, v37  }
0xa1: {  	[tilespmem:v44+s28+$0x0] =	vst.idx.msk $0xffff, v43;
	v43 =	vld [tilespmem:s17+$0x80];
	v44 =	vor.u32 v25, v36  }
0xa2: {  	v51 =	vor.u32 v6, v47;
	v50 =	vld [tilespmem:s17+$0xFFFFFF50];
	[tilespmem:v45+s28+$0x0] =	vst.idx.msk $0xffff, v38  }
0xa3: {  	v45 =	vor.u32 v10, v53;
	v38 =	vld [tilespmem:s17+$0xFFFFFF90];
	[tilespmem:v49+s28+$0x0] =	vst.idx.msk $0xffff, v48  }
0xa4: {  	v49 =	vor.u32 v14, v35;
	v48 =	vld [tilespmem:s17+$0xFFFFFFD0];
	[tilespmem:v46+s28+$0x0] =	vst.idx.msk $0xffff, v39  }
0xa5: {  	[tilespmem:v42+s28+$0x0] =	vst.idx.msk $0xffff, v40;
	v39 =	vld [tilespmem:s17+$0xE0];
	v40 =	vor.u32 v31, v41  }
0xa6: {  	v46 =	vor.u32 v18, v34;
	v42 =	vld [tilespmem:s17+$0x10];
	[tilespmem:v44+s28+$0x0] =	vst.idx.msk $0xffff, v43  }
0xa7: {  	v44 =	vor.u32 v22, v37;
	[tilespmem:v51+s28+$0x0] =	vst.idx.msk $0xffff, v50;
	v43 =	vld [tilespmem:s17+$0x50]  }
0xa8: {  	[tilespmem:v45+s28+$0x0] =	vst.idx.msk $0xffff, v38;
	v38 =	vld [tilespmem:s17+$0x90];
	v45 =	vor.u32 v26, v36  }
0xa9: {  	v51 =	vor.u32 v2, v33;
	v50 =	vld [tilespmem:s17+$0xFFFFFF10];
	[tilespmem:v49+s28+$0x0] =	vst.idx.msk $0xffff, v48  }
0xaa: {  	v49 =	vor.u32 v7, v47;
	v48 =	vld [tilespmem:s17+$0xFFFFFF60];
	[tilespmem:v40+s28+$0x0] =	vst.idx.msk $0xffff, v39  }
0xab: {  	[tilespmem:v46+s28+$0x0] =	vst.idx.msk $0xffff, v42;
	v39 =	vld [tilespmem:s17+$0xF0];
	v46 =	vor.u32 v32, v41  }
0xac: {  	v56 =	vor.u32 v11, v53;
	v55 =	vld [tilespmem:s17+$0xFFFFFFA0];
	[tilespmem:v44+s28+$0x0] =	vst.idx.msk $0xffff, v43  }
0xad: {  	v58 =	vor.u32 v15, v35;
	v57 =	vld [tilespmem:s17+$0xFFFFFFE0];
	[tilespmem:v45+s28+$0x0] =	vst.idx.msk $0xffff, v38  }
0xae: {  	v60 =	vor.u32 v19, v34;
	[tilespmem:v51+s28+$0x0] =	vst.idx.msk $0xffff, v50;
	v59 =	vld [tilespmem:s17+$0x20]  }
.Ltmp0:
0xaf: {  	s19 =	sadd.s32 $0x1, s18;
	v41 =	vor.u32 v23, v37;
	v38 =	vmov s18;
	[tilespmem:v49+s28+$0x0] =	vst.idx.msk $0xffff, v48;
	v40 =	vld [tilespmem:s17+$0x60];
	(pc) =	sbr.rel @p0 .LBB2_3-.Ltmp0, $4  }
0xb0: {  	s20 =	sadd.s32 $0x3, s18;
	v52 =	vmov s19;
	s19 =	sadd.s32 $0x2, s18;
	v43 =	vor.u32 v27, v36;
	v50 =	vshrl.u32 v38, $0x3;
	v42 =	vld [tilespmem:s17+$0xA0];
	[tilespmem:v46+s28+$0x0] =	vst.idx.msk $0xffff, v39  }
0xb1: {  	v54 =	vmov s19;
	s19 =	sadd.s32 $0x4, s18;
	v44 =	vmov s20;
	s20 =	sadd.s32 $0x5, s18;
	v48 =	vor.u32 v3, v33;
	v45 =	vld [tilespmem:s17+$0xFFFFFF20];
	[tilespmem:v56+s28+$0x0] =	vst.idx.msk $0xffff, v55  }
0xb2: {  	v38 =	vmov s20;
	v51 =	vor.u32 v8, v47;
	v46 =	vmov s19;
	s19 =	sadd.s32 $0x6, s18;
	v49 =	vld [tilespmem:s17+$0xFFFFFF70];
	[tilespmem:v58+s28+$0x0] =	vst.idx.msk $0xffff, v57  }
0xb3: {  	v53 =	vor.u32 v12, v53;
	v47 =	vshll.u32 v50, v1;
	v39 =	vmov s19;
	s19 =	sadd.s32 $0x7, s18;
	s18 =	sadd.s32 $0x8, s18;
	v50 =	vld [tilespmem:s17+$0xFFFFFFB0];
	[tilespmem:v60+s28+$0x0] =	vst.idx.msk $0xffff, v59  }
0xb4: {  	_ =	sdelay $0x2  }
0xb5: {  	v52 =	vshrl.u32 v52, $0x3  }
0xb6: {  	v55 =	vmov s19;
	v56 =	vld [tilespmem:s17+$0xFFFFFFF0];
	v35 =	vor.u32 v16, v35;
	[tilespmem:v41+s28+$0x0] =	vst.idx.msk $0xffff, v40;
	v34 =	vor.u32 v20, v34  }
0xb7: {  	v61 =	vshrl.u32 v54, $0x3;
	v63 =	vld [tilespmem:s17+$0x30];
	v37 =	vor.u32 v24, v37;
	v36 =	vor.u32 v28, v36;
	[tilespmem:v43+s28+$0x0] =	vst.idx.msk $0xffff, v42  }
0xb8: {  	v33 =	vor.u32 v4, v33;
	v62 =	vshrl.u32 v55, $0x3;
	v55 =	vshrl.u32 v44, $0x3;
	v43 =	vld [tilespmem:s17+$0x70];
	[tilespmem:v48+s28+$0x0] =	vst.idx.msk $0xffff, v45  }
0xb9: {  	v44 =	vshrl.u32 v46, $0x3;
	v46 =	vbroadcast v47, $0x0;
	v41 =	vshll.u32 v62, v1;
	v45 =	vld [tilespmem:s17+$0xB0];
	[tilespmem:v51+s28+$0x0] =	vst.idx.msk $0xffff, v49  }
0xba: {  	s18 =	sadd.s32 $0x200, s17;
	v38 =	vshrl.u32 v38, $0x3;
	v40 =	vshll.u32 v61, v1;
	v41 =	vbroadcast v41, $0x0;
	v48 =	vld [tilespmem:s17+$0xFFFFFF30];
	[tilespmem:v53+s28+$0x0] =	vst.idx.msk $0xffff, v50  }
0xbb: {  	v57 =	vshll.u32 v52, v1;
	v60 =	vld [tilespmem:s18+$0xFFFFFF00];
	v40 =	vbroadcast v40, $0x0;
	v61 =	vor.u32 v0, v46;
	[tilespmem:v35+s28+$0x0] =	vst.idx.msk $0xffff, v56  }
0xbc: {  	v58 =	vld [tilespmem:s18+$0xC0];
	v47 =	vbroadcast v57, $0x0;
	v42 =	vshll.u32 v55, v1;
	v59 =	vor.u32 v29, v41;
	[tilespmem:v34+s28+$0x0] =	vst.idx.msk $0xffff, v63  }
0xbd: {  	v54 =	vld [tilespmem:s18+$0xFFFFFF80];
	v44 =	vshll.u32 v44, v1;
	v42 =	vbroadcast v42, $0x0;
	v55 =	vor.u32 v9, v40;
	[tilespmem:v37+s28+$0x0] =	vst.idx.msk $0xffff, v43  }
0xbe: {  	v38 =	vshll.u32 v38, v1;
	v62 =	vld [tilespmem:s18+$0xFFFFFF40];
	v44 =	vbroadcast v44, $0x0;
	v63 =	vor.u32 v5, v47;
	[tilespmem:v36+s28+$0x0] =	vst.idx.msk $0xffff, v45  }
0xbf: {  	v39 =	vshrl.u32 v39, $0x3;
	v38 =	vbroadcast v38, $0x0;
	v36 =	vld [tilespmem:s18+$0xFFFFFFC0];
	v45 =	vor.u32 v13, v42;
	[tilespmem:v33+s28+$0x0] =	vst.idx.msk $0xffff, v48  }
0xc0: {  	v39 =	vshll.u32 v39, v1;
	v33 =	vld [tilespmem:s18+$0x0];
	v48 =	vor.u32 v17, v44;
	[tilespmem:v61+s28+$0x0] =	vst.idx.msk $0xffff, v60  }
0xc1: {  	v35 =	vbroadcast v39, $0x0;
	[tilespmem:v59+s28+$0x0] =	vst.idx.msk $0xffff, v58;
	v58 =	vld [tilespmem:s18+$0x40];
	v59 =	vor.u32 v21, v38  }
0xc2: {  	v57 =	vor.u32 v30, v41;
	[tilespmem:v55+s28+$0x0] =	vst.idx.msk $0xffff, v54;
	v56 =	vld [tilespmem:s18+$0xD0]  }
0xc3: {  	v60 =	vld [tilespmem:s18+$0x80];
	v61 =	vor.u32 v25, v35;
	[tilespmem:v63+s28+$0x0] =	vst.idx.msk $0xffff, v62  }
0xc4: {  	v55 =	vor.u32 v10, v40;
	v54 =	vld [tilespmem:s18+$0xFFFFFF90];
	[tilespmem:v45+s28+$0x0] =	vst.idx.msk $0xffff, v36  }
0xc5: {  	v63 =	vor.u32 v6, v47;
	v62 =	vld [tilespmem:s18+$0xFFFFFF50];
	[tilespmem:v48+s28+$0x0] =	vst.idx.msk $0xffff, v33  }
0xc6: {  	v33 =	vld [tilespmem:s18+$0xFFFFFFD0];
	v48 =	vor.u32 v14, v42;
	[tilespmem:v59+s28+$0x0] =	vst.idx.msk $0xffff, v58  }
0xc7: {  	[tilespmem:v57+s28+$0x0] =	vst.idx.msk $0xffff, v56;
	v56 =	vld [tilespmem:s18+$0x10];
	v57 =	vor.u32 v18, v44  }
0xc8: {  	[tilespmem:v61+s28+$0x0] =	vst.idx.msk $0xffff, v60;
	v59 =	vor.u32 v22, v38;
	v58 =	vld [tilespmem:s18+$0x50]  }
0xc9: {  	v39 =	vor.u32 v31, v41;
	[tilespmem:v55+s28+$0x0] =	vst.idx.msk $0xffff, v54;
	v34 =	vld [tilespmem:s18+$0xE0]  }
0xca: {  	v61 =	vor.u32 v26, v35;
	v60 =	vld [tilespmem:s18+$0x90];
	[tilespmem:v63+s28+$0x0] =	vst.idx.msk $0xffff, v62  }
0xcb: {  	v62 =	vld [tilespmem:s18+$0xFFFFFF10];
	v63 =	vor.u32 v2, v46;
	[tilespmem:v48+s28+$0x0] =	vst.idx.msk $0xffff, v33  }
0xcc: {  	v55 =	vor.u32 v7, v47;
	v54 =	vld [tilespmem:s18+$0xFFFFFF60];
	[tilespmem:v57+s28+$0x0] =	vst.idx.msk $0xffff, v56  }
0xcd: {  	v56 =	vor.u32 v32, v41;
	v41 =	vld [tilespmem:s18+$0xFFFFFFA0];
	v57 =	vor.u32 v11, v40;
	[tilespmem:v59+s28+$0x0] =	vst.idx.msk $0xffff, v58  }
0xce: {  	v37 =	vld [tilespmem:s18+$0xFFFFFFE0];
	v58 =	vor.u32 v15, v42;
	[tilespmem:v39+s28+$0x0] =	vst.idx.msk $0xffff, v34  }
0xcf: {  	[tilespmem:v61+s28+$0x0] =	vst.idx.msk $0xffff, v60;
	v34 =	vld [tilespmem:s18+$0xF0]  }
0xd0: {  	v60 =	vor.u32 v19, v44;
	[tilespmem:v63+s28+$0x0] =	vst.idx.msk $0xffff, v62;
	v59 =	vld [tilespmem:s18+$0x20]  }
0xd1: {  	v62 =	vor.u32 v23, v38;
	[tilespmem:v55+s28+$0x0] =	vst.idx.msk $0xffff, v54;
	v61 =	vld [tilespmem:s18+$0x60]  }
0xd2: {  	v63 =	vld [tilespmem:s18+$0xA0];
	v54 =	vor.u32 v27, v35;
	[tilespmem:v57+s28+$0x0] =	vst.idx.msk $0xffff, v41  }
0xd3: {  	v47 =	vor.u32 v8, v47;
	v57 =	vld [tilespmem:s18+$0xFFFFFF70];
	[tilespmem:v58+s28+$0x0] =	vst.idx.msk $0xffff, v37  }
0xd4: {  	v55 =	vld [tilespmem:s18+$0xFFFFFF20];
	[tilespmem:v56+s28+$0x0] =	vst.idx.msk $0xffff, v34;
	v56 =	vor.u32 v3, v46  }
0xd5: {  	v40 =	vor.u32 v12, v40;
	v58 =	vld [tilespmem:s18+$0xFFFFFFB0];
	[tilespmem:v60+s28+$0x0] =	vst.idx.msk $0xffff, v59  }
0xd6: {  	v42 =	vor.u32 v16, v42;
	v59 =	vld [tilespmem:s18+$0xFFFFFFF0];
	[tilespmem:v62+s28+$0x0] =	vst.idx.msk $0xffff, v61  }
0xd7: {  	v61 =	vor.u32 v20, v44;
	[tilespmem:v54+s28+$0x0] =	vst.idx.msk $0xffff, v63;
	v60 =	vld [tilespmem:s18+$0x30]  }
0xd8: {  	v38 =	vor.u32 v24, v38;
	v62 =	vld [tilespmem:s18+$0x70];
	[tilespmem:v47+s28+$0x0] =	vst.idx.msk $0xffff, v57  }
0xd9: {  	v35 =	vor.u32 v28, v35;
	v63 =	vld [tilespmem:s18+$0xB0];
	[tilespmem:v56+s28+$0x0] =	vst.idx.msk $0xffff, v55  }
0xda: {  	v49 =	vor.u32 v4, v46;
	[tilespmem:v40+s28+$0x0] =	vst.idx.msk $0xffff, v58;
	v48 =	vld [tilespmem:s18+$0xFFFFFF30]  }
0xdb: {  	[tilespmem:v42+s28+$0x0] =	vst.idx.msk $0xffff, v59  }
0xdc: {  	[tilespmem:v61+s28+$0x0] =	vst.idx.msk $0xffff, v60  }
0xdd: {  	[tilespmem:v38+s28+$0x0] =	vst.idx.msk $0xffff, v62  }
0xde: {  	[tilespmem:v35+s28+$0x0] =	vst.idx.msk $0xffff, v63  }
0xdf: {  	p0 =	seq.s32 s15, $0x31;
	[tilespmem:v49+s28+$0x0] =	vst.idx.msk $0xffff, v48  }
0xe0: {  	v33 =	vld @!p0 [tilespmem:s16+$0x200];
	_ =	sdelay $0x6  }
0xe1: {  	vm1 =	vmmov @!p0 $0xffff;
	s17 =	simm.s32 @!p0 $0x0;
	s18 =	simm.s32 @!p0 $0x6400  }
0xe2: {  	[tilespmem:s18], [sflag:$0x1] =	stream.indirect_vreg.gather @!p0 [hbm4b:s4+s17], $0x40, v33, vm1, $0xb8;
	[tilespmem:$0x12400] =	vst v63  }
0xe3: {  	v33 =	vld @!p0 [tilespmem:s16+$0x210];
	_ =	sdelay $0x6  }
0xe4: {  	s18 =	simm.s32 @!p0 $0x6800  }
0xe5: {  	[tilespmem:s18], [sflag:$0x1] =	stream.indirect_vreg.gather @!p0 [hbm4b:s4+s17], $0x40, v33, vm1, $0xb8;
	[tilespmem:$0x12400] =	vst v63  }
0xe6: {  	v33 =	vld @!p0 [tilespmem:s16+$0x220];
	_ =	sdelay $0x6  }
0xe7: {  	s18 =	simm.s32 @!p0 $0x6C00  }
0xe8: {  	[tilespmem:s18], [sflag:$0x1] =	stream.indirect_vreg.gather @!p0 [hbm4b:s4+s17], $0x40, v33, vm1, $0xb8;
	[tilespmem:$0x12400] =	vst v63  }
0xe9: {  	v33 =	vld @!p0 [tilespmem:s16+$0x230];
	_ =	sdelay $0x6  }
0xea: {  	s18 =	simm.s32 @!p0 $0x7000  }
0xeb: {  	[tilespmem:s18], [sflag:$0x1] =	stream.indirect_vreg.gather @!p0 [hbm4b:s4+s17], $0x40, v33, vm1, $0xb8;
	[tilespmem:$0x12400] =	vst v63  }
0xec: {  	v33 =	vld @!p0 [tilespmem:s16+$0x240];
	_ =	sdelay $0x6  }
0xed: {  	s18 =	simm.s32 @!p0 $0x7400  }
0xee: {  	[tilespmem:s18], [sflag:$0x1] =	stream.indirect_vreg.gather @!p0 [hbm4b:s4+s17], $0x40, v33, vm1, $0xb8;
	[tilespmem:$0x12400] =	vst v63  }
0xef: {  	v33 =	vld @!p0 [tilespmem:s16+$0x250];
	_ =	sdelay $0x6  }
0xf0: {  	s18 =	simm.s32 @!p0 $0x7800  }
0xf1: {  	[tilespmem:s18], [sflag:$0x1] =	stream.indirect_vreg.gather @!p0 [hbm4b:s4+s17], $0x40, v33, vm1, $0xb8;
	[tilespmem:$0x12400] =	vst v63  }
0xf2: {  	v33 =	vld @!p0 [tilespmem:s16+$0x260];
	_ =	sdelay $0x6  }
0xf3: {  	s18 =	simm.s32 @!p0 $0x7C00  }
0xf4: {  	[tilespmem:s18], [sflag:$0x1] =	stream.indirect_vreg.gather @!p0 [hbm4b:s4+s17], $0x40, v33, vm1, $0xb8;
	[tilespmem:$0x12400] =	vst v63  }
0xf5: {  	v33 =	vld @!p0 [tilespmem:s16+$0x270];
	_ =	sdelay $0x6  }
0xf6: {  	s19 =	sshll.u32 s15, $0x11;
	s22 =	simm.s32 $0x0;
	s18 =	simm.s32 @!p0 $0x8000  }
0xf7: {  	[tilespmem:s18], [sflag:$0x1] =	stream.indirect_vreg.gather @!p0 [hbm4b:s4+s17], $0x40, v33, vm1, $0xb8;
	[tilespmem:$0x12400] =	vst v63  }
0xf8: {  	v50 =	vmov s22;
	s22 =	simm.s32 $0x3;
	s17 =	sor.u32 s6, s19  }
0xf9: {  	v53 =	vmov s22;
	s22 =	simm.s32 $0x5;
	s20 =	sadd.s32 s2, s17  }
0xfa: {  	[hbm4b:s20+s29] =	stream.strided.scatter [tilespmem:s28], [sflag:$0x5], $0x2000, s21, s29, $0x38;
	[tilespmem:$0x12400] =	vst v63  }
0xfb: {  	v39 =	vmov s22;
	s22 =	simm.s32 $0x6;
	s20 =	simm.s32 $0x2  }
0xfc: {  	v36 =	vshrl.u32 v53, $0x3;
	v40 =	vmov s22;
	s19 =	simm.s32 $0x1;
	_ =	swait.ge [sflag:s30], $0x2000;
	v52 =	vmov s20;
	s20 =	simm.s32 $0x7  }
0xfd: {  	v58 =	vshll.u32 v36, v1;
	v51 =	vmov s19;
	s19 =	simm.s32 $0x4;
	[sflag:s30] =	ssyncset.done $0x0;
	v55 =	vmov s20  }
0xfe: {  	v40 =	vshrl.u32 v40, $0x3;
	v54 =	vmov s19;
	s19 =	simm.s32 @!p1 $0x6;
	[sflag:s30] =	ssyncadd.s32 $0xFFFFE000;
	v38 =	vshrl.u32 v55, $0x3  }
0xff: {  	v33 =	vshrl.u32 v50, $0x3;
	v34 =	vshrl.u32 v51, $0x3;
	_ =	swait.ge @!p1 [sflag:s19], $0x2000;
	v38 =	vshll.u32 v38, v1  }
0x100: {  	v34 =	vshll.u32 v34, v1;
	v35 =	vshrl.u32 v52, $0x3;
	[sflag:s19] =	ssyncset.done @!p1 $0x0;
	v38 =	vbroadcast v38, $0x0  }
0x101: {  	s18 =	simm.s32 $0x8500;
	v33 =	vshll.u32 v33, v1;
	v45 =	vbroadcast v34, $0x0;
	v56 =	vshll.u32 v35, v1;
	[sflag:s19] =	ssyncadd.s32 @!p1 $0xFFFFE000  }
0x102: {  	v37 =	vshrl.u32 v54, $0x3;
	v52 =	vbroadcast v56, $0x0;
	v41 =	vld [tilespmem:s18+$0xC0];
	v42 =	vor.u32 v29, v38  }
0x103: {  	v33 =	vbroadcast v33, $0x0;
	v61 =	vshll.u32 v37, v1;
	v60 =	vor.u32 v5, v45;
	v59 =	vld [tilespmem:s18+$0xFFFFFF40]  }
0x104: {  	v35 =	vbroadcast v58, $0x0;
	v55 =	vshrl.u32 v39, $0x3;
	v63 =	vor.u32 v9, v52;
	v62 =	vld [tilespmem:s18+$0xFFFFFF80]  }
0x105: {  	v57 =	vor.u32 v0, v33;
	v34 =	vbroadcast v61, $0x0;
	v36 =	vshll.u32 v55, v1;
	v43 =	vld [tilespmem:s18+$0xFFFFFF00]  }
0x106: {  	v56 =	vshll.u32 v40, v1;
	v50 =	vor.u32 v13, v35;
	v37 =	vbroadcast v36, $0x0;
	v39 =	vld [tilespmem:s18+$0xFFFFFFC0]  }
0x107: {  	v53 =	vor.u32 v17, v34;
	v36 =	vbroadcast v56, $0x0;
	v51 =	vld [tilespmem:s18+$0x0];
	[tilespmem:v42+s31+$0x0] =	vst.idx.msk $0xffff, v41  }
0x108: {  	[tilespmem:v60+s31+$0x0] =	vst.idx.msk $0xffff, v59;
	v59 =	vld [tilespmem:s18+$0x40];
	v60 =	vor.u32 v21, v37  }
0x109: {  	v61 =	vld [tilespmem:s18+$0x80];
	[tilespmem:v63+s31+$0x0] =	vst.idx.msk $0xffff, v62;
	v62 =	vor.u32 v25, v36  }
0x10a: {  	v58 =	vor.u32 v30, v38;
	[tilespmem:v57+s31+$0x0] =	vst.idx.msk $0xffff, v43;
	v57 =	vld [tilespmem:s18+$0xD0]  }
0x10b: {  	v63 =	vor.u32 v6, v45;
	[tilespmem:v50+s31+$0x0] =	vst.idx.msk $0xffff, v39;
	v47 =	vld [tilespmem:s18+$0xFFFFFF50]  }
0x10c: {  	v55 =	vor.u32 v10, v52;
	[tilespmem:v53+s31+$0x0] =	vst.idx.msk $0xffff, v51;
	v54 =	vld [tilespmem:s18+$0xFFFFFF90]  }
0x10d: {  	v56 =	vor.u32 v14, v35;
	v50 =	vld [tilespmem:s18+$0xFFFFFFD0];
	[tilespmem:v60+s31+$0x0] =	vst.idx.msk $0xffff, v59  }
0x10e: {  	[tilespmem:v62+s31+$0x0] =	vst.idx.msk $0xffff, v61;
	v61 =	vld [tilespmem:s18+$0xFFFFFF10];
	v62 =	vor.u32 v2, v33  }
0x10f: {  	v59 =	vor.u32 v18, v34;
	[tilespmem:v58+s31+$0x0] =	vst.idx.msk $0xffff, v57;
	v58 =	vld [tilespmem:s18+$0x10]  }
0x110: {  	v57 =	vor.u32 v31, v38;
	[tilespmem:v63+s31+$0x0] =	vst.idx.msk $0xffff, v47;
	v40 =	vld [tilespmem:s18+$0xE0]  }
0x111: {  	v46 =	vor.u32 v22, v37;
	v44 =	vld [tilespmem:s18+$0x50];
	[tilespmem:v55+s31+$0x0] =	vst.idx.msk $0xffff, v54  }
0x112: {  	v60 =	vor.u32 v26, v36;
	v63 =	vld [tilespmem:s18+$0x90];
	[tilespmem:v56+s31+$0x0] =	vst.idx.msk $0xffff, v50  }
0x113: {  	v51 =	vor.u32 v7, v45;
	v50 =	vld [tilespmem:s18+$0xFFFFFF60];
	[tilespmem:v62+s31+$0x0] =	vst.idx.msk $0xffff, v61  }
0x114: {  	v56 =	vor.u32 v11, v52;
	v55 =	vld [tilespmem:s18+$0xFFFFFFA0];
	[tilespmem:v59+s31+$0x0] =	vst.idx.msk $0xffff, v58  }
0x115: {  	v58 =	vor.u32 v15, v35;
	[tilespmem:v57+s31+$0x0] =	vst.idx.msk $0xffff, v40;
	v57 =	vld [tilespmem:s18+$0xFFFFFFE0]  }
0x116: {  	v38 =	vor.u32 v32, v38;
	[tilespmem:v46+s31+$0x0] =	vst.idx.msk $0xffff, v44;
	v54 =	vld [tilespmem:s18+$0xF0]  }
0x117: {  	[tilespmem:v60+s31+$0x0] =	vst.idx.msk $0xffff, v63;
	v60 =	vor.u32 v19, v34;
	v59 =	vld [tilespmem:s18+$0x20]  }
0x118: {  	s22 =	simm.s32 $0x9;
	s20 =	simm.s32 $0x8;
	v48 =	vor.u32 v3, v33;
	v41 =	vor.u32 v23, v37;
	[tilespmem:v51+s31+$0x0] =	vst.idx.msk $0xffff, v50;
	v40 =	vld [tilespmem:s18+$0x60]  }
0x119: {  	v53 =	vmov s22;
	s22 =	simm.s32 $0xB;
	v43 =	vor.u32 v27, v36;
	v63 =	vmov s20;
	v42 =	vld [tilespmem:s18+$0xA0];
	[tilespmem:v56+s31+$0x0] =	vst.idx.msk $0xffff, v55  }
0x11a: {  	v52 =	vor.u32 v12, v52;
	s20 =	simm.s32 $0xA;
	v44 =	vmov s22;
	s22 =	simm.s32 $0xD;
	v46 =	vld [tilespmem:s18+$0xFFFFFF20];
	v39 =	vshrl.u32 v63, $0x3;
	[tilespmem:v58+s31+$0x0] =	vst.idx.msk $0xffff, v57  }
0x11b: {  	v51 =	vor.u32 v8, v45;
	v49 =	vld [tilespmem:s18+$0xFFFFFF70];
	[tilespmem:v38+s31+$0x0] =	vst.idx.msk $0xffff, v54;
	v54 =	vmov s20;
	s20 =	simm.s32 $0xC;
	v38 =	vmov s22;
	s22 =	simm.s32 $0xE  }
0x11c: {  	s19 =	simm.s32 $0x10;
	v45 =	vshll.u32 v39, v1;
	v50 =	vld [tilespmem:s18+$0xFFFFFFB0];
	[tilespmem:v60+s31+$0x0] =	vst.idx.msk $0xffff, v59;
	v47 =	vmov s20;
	v39 =	vmov s22;
	s20 =	simm.s32 $0xF  }
.LBB2_5:
0x11d: {  	p1 =	slt.u32 s19, $0x78;
	v53 =	vshrl.u32 v53, $0x3;
	v55 =	vmov s20;
	v56 =	vld [tilespmem:s18+$0xFFFFFFF0];
	v35 =	vor.u32 v16, v35;
	[tilespmem:v41+s31+$0x0] =	vst.idx.msk $0xffff, v40  }
0x11e: {  	v40 =	vshrl.u32 v54, $0x3;
	v34 =	vor.u32 v20, v34;
	v41 =	vshrl.u32 v55, $0x3;
	v54 =	vld [tilespmem:s18+$0x30];
	[tilespmem:v43+s31+$0x0] =	vst.idx.msk $0xffff, v42  }
0x11f: {  	v37 =	vor.u32 v24, v37;
	v42 =	vshrl.u32 v44, $0x3;
	v41 =	vshll.u32 v41, v1;
	[tilespmem:v48+s31+$0x0] =	vst.idx.msk $0xffff, v46;
	v43 =	vld [tilespmem:s18+$0x70]  }
0x120: {  	v36 =	vor.u32 v28, v36;
	v44 =	vshrl.u32 v47, $0x3;
	v41 =	vbroadcast v41, $0x0;
	[tilespmem:v51+s31+$0x0] =	vst.idx.msk $0xffff, v49;
	v46 =	vld [tilespmem:s18+$0xB0]  }
0x121: {  	v47 =	vshll.u32 v53, v1;
	v49 =	vor.u32 v4, v33;
	v33 =	vbroadcast v45, $0x0;
	v48 =	vld [tilespmem:s18+$0xFFFFFF30];
	[tilespmem:v52+s31+$0x0] =	vst.idx.msk $0xffff, v50;
	s18 =	sadd.s32 $0x200, s18  }
0x122: {  	v40 =	vshll.u32 v40, v1;
	v45 =	vbroadcast v47, $0x0;
	v47 =	vld [tilespmem:s18+$0xC0];
	v50 =	vor.u32 v29, v41;
	[tilespmem:v35+s31+$0x0] =	vst.idx.msk $0xffff, v56  }
0x123: {  	v55 =	vbroadcast v40, $0x0;
	v52 =	vor.u32 v0, v33;
	v35 =	vshll.u32 v42, v1;
	v51 =	vld [tilespmem:s18+$0xFFFFFF00];
	[tilespmem:v34+s31+$0x0] =	vst.idx.msk $0xffff, v54  }
0x124: {  	v42 =	vor.u32 v5, v45;
	v35 =	vbroadcast v35, $0x0;
	v34 =	vshll.u32 v44, v1;
	v40 =	vld [tilespmem:s18+$0xFFFFFF40];
	[tilespmem:v37+s31+$0x0] =	vst.idx.msk $0xffff, v43  }
0x125: {  	v44 =	vor.u32 v9, v55;
	v34 =	vbroadcast v34, $0x0;
	v37 =	vshrl.u32 v38, $0x3;
	v43 =	vld [tilespmem:s18+$0xFFFFFF80];
	[tilespmem:v36+s31+$0x0] =	vst.idx.msk $0xffff, v46  }
0x126: {  	v39 =	vshrl.u32 v39, $0x3;
	v46 =	vor.u32 v13, v35;
	v36 =	vshll.u32 v37, v1;
	v38 =	vld [tilespmem:s18+$0xFFFFFFC0];
	[tilespmem:v49+s31+$0x0] =	vst.idx.msk $0xffff, v48  }
0x127: {  	v49 =	vor.u32 v17, v34;
	v37 =	vbroadcast v36, $0x0;
	v36 =	vshll.u32 v39, v1;
	v48 =	vld [tilespmem:s18+$0x0];
	[tilespmem:v50+s31+$0x0] =	vst.idx.msk $0xffff, v47  }
0x128: {  	v36 =	vbroadcast v36, $0x0;
	v47 =	vor.u32 v30, v41;
	[tilespmem:v52+s31+$0x0] =	vst.idx.msk $0xffff, v51;
	v39 =	vld [tilespmem:s18+$0xD0]  }
0x129: {  	[tilespmem:v42+s31+$0x0] =	vst.idx.msk $0xffff, v40;
	v40 =	vld [tilespmem:s18+$0x40];
	v42 =	vor.u32 v21, v37  }
0x12a: {  	[tilespmem:v44+s31+$0x0] =	vst.idx.msk $0xffff, v43;
	v43 =	vld [tilespmem:s18+$0x80];
	v44 =	vor.u32 v25, v36  }
0x12b: {  	v51 =	vor.u32 v6, v45;
	v50 =	vld [tilespmem:s18+$0xFFFFFF50];
	[tilespmem:v46+s31+$0x0] =	vst.idx.msk $0xffff, v38  }
0x12c: {  	v46 =	vor.u32 v10, v55;
	v38 =	vld [tilespmem:s18+$0xFFFFFF90];
	[tilespmem:v49+s31+$0x0] =	vst.idx.msk $0xffff, v48  }
0x12d: {  	v49 =	vor.u32 v14, v35;
	v48 =	vld [tilespmem:s18+$0xFFFFFFD0];
	[tilespmem:v47+s31+$0x0] =	vst.idx.msk $0xffff, v39  }
0x12e: {  	[tilespmem:v42+s31+$0x0] =	vst.idx.msk $0xffff, v40;
	v39 =	vld [tilespmem:s18+$0xE0];
	v40 =	vor.u32 v31, v41  }
0x12f: {  	v47 =	vor.u32 v18, v34;
	v42 =	vld [tilespmem:s18+$0x10];
	[tilespmem:v44+s31+$0x0] =	vst.idx.msk $0xffff, v43  }
0x130: {  	v44 =	vor.u32 v22, v37;
	[tilespmem:v51+s31+$0x0] =	vst.idx.msk $0xffff, v50;
	v43 =	vld [tilespmem:s18+$0x50]  }
0x131: {  	[tilespmem:v46+s31+$0x0] =	vst.idx.msk $0xffff, v38;
	v38 =	vld [tilespmem:s18+$0x90];
	v46 =	vor.u32 v26, v36  }
0x132: {  	v51 =	vor.u32 v2, v33;
	v50 =	vld [tilespmem:s18+$0xFFFFFF10];
	[tilespmem:v49+s31+$0x0] =	vst.idx.msk $0xffff, v48  }
0x133: {  	v49 =	vor.u32 v7, v45;
	v48 =	vld [tilespmem:s18+$0xFFFFFF60];
	[tilespmem:v40+s31+$0x0] =	vst.idx.msk $0xffff, v39  }
0x134: {  	[tilespmem:v47+s31+$0x0] =	vst.idx.msk $0xffff, v42;
	v39 =	vld [tilespmem:s18+$0xF0];
	v47 =	vor.u32 v32, v41  }
0x135: {  	v56 =	vor.u32 v11, v55;
	v52 =	vld [tilespmem:s18+$0xFFFFFFA0];
	[tilespmem:v44+s31+$0x0] =	vst.idx.msk $0xffff, v43  }
0x136: {  	v58 =	vor.u32 v15, v35;
	v57 =	vld [tilespmem:s18+$0xFFFFFFE0];
	[tilespmem:v46+s31+$0x0] =	vst.idx.msk $0xffff, v38  }
0x137: {  	v60 =	vor.u32 v19, v34;
	[tilespmem:v51+s31+$0x0] =	vst.idx.msk $0xffff, v50;
	v59 =	vld [tilespmem:s18+$0x20]  }
.Ltmp1:
0x138: {  	s20 =	sadd.s32 $0x1, s19;
	v41 =	vor.u32 v23, v37;
	v38 =	vmov s19;
	[tilespmem:v49+s31+$0x0] =	vst.idx.msk $0xffff, v48;
	v40 =	vld [tilespmem:s18+$0x60];
	(pc) =	sbr.rel @p1 .LBB2_5-.Ltmp1, $4  }
0x139: {  	s22 =	sadd.s32 $0x3, s19;
	v53 =	vmov s20;
	s20 =	sadd.s32 $0x2, s19;
	v43 =	vor.u32 v27, v36;
	v50 =	vshrl.u32 v38, $0x3;
	v42 =	vld [tilespmem:s18+$0xA0];
	[tilespmem:v47+s31+$0x0] =	vst.idx.msk $0xffff, v39  }
0x13a: {  	v54 =	vmov s20;
	s20 =	sadd.s32 $0x4, s19;
	v44 =	vmov s22;
	s22 =	sadd.s32 $0x5, s19;
	v48 =	vor.u32 v3, v33;
	v46 =	vld [tilespmem:s18+$0xFFFFFF20];
	[tilespmem:v56+s31+$0x0] =	vst.idx.msk $0xffff, v52  }
0x13b: {  	v38 =	vmov s22;
	v51 =	vor.u32 v8, v45;
	v47 =	vmov s20;
	s20 =	sadd.s32 $0x6, s19;
	v49 =	vld [tilespmem:s18+$0xFFFFFF70];
	[tilespmem:v58+s31+$0x0] =	vst.idx.msk $0xffff, v57  }
0x13c: {  	v45 =	vshll.u32 v50, v1;
	v39 =	vmov s20;
	s20 =	sadd.s32 $0x7, s19;
	s19 =	sadd.s32 $0x8, s19;
	v52 =	vor.u32 v12, v55;
	v50 =	vld [tilespmem:s18+$0xFFFFFFB0];
	[tilespmem:v60+s31+$0x0] =	vst.idx.msk $0xffff, v59  }
0x13d: {  	_ =	sdelay $0x2  }
0x13e: {  	v53 =	vshrl.u32 v53, $0x3  }
0x13f: {  	v55 =	vmov s20;
	v56 =	vld [tilespmem:s18+$0xFFFFFFF0];
	v35 =	vor.u32 v16, v35;
	[tilespmem:v41+s31+$0x0] =	vst.idx.msk $0xffff, v40;
	v34 =	vor.u32 v20, v34  }
0x140: {  	v61 =	vshrl.u32 v54, $0x3;
	v63 =	vld [tilespmem:s18+$0x30];
	v37 =	vor.u32 v24, v37;
	v36 =	vor.u32 v28, v36;
	[tilespmem:v43+s31+$0x0] =	vst.idx.msk $0xffff, v42  }
0x141: {  	v45 =	vbroadcast v45, $0x0;
	v33 =	vor.u32 v4, v33;
	v62 =	vshrl.u32 v55, $0x3;
	v43 =	vld [tilespmem:s18+$0x70];
	[tilespmem:v48+s31+$0x0] =	vst.idx.msk $0xffff, v46  }
0x142: {  	s19 =	sadd.s32 $0x200, s18;
	v38 =	vshrl.u32 v38, $0x3;
	v55 =	vshrl.u32 v44, $0x3;
	v41 =	vshll.u32 v62, v1;
	v46 =	vld [tilespmem:s18+$0xB0];
	[tilespmem:v51+s31+$0x0] =	vst.idx.msk $0xffff, v49  }
0x143: {  	v40 =	vshll.u32 v61, v1;
	v60 =	vld [tilespmem:s19+$0xFFFFFF00];
	v61 =	vor.u32 v0, v45;
	v41 =	vbroadcast v41, $0x0;
	[tilespmem:v52+s31+$0x0] =	vst.idx.msk $0xffff, v50  }
0x144: {  	v44 =	vshrl.u32 v47, $0x3;
	v57 =	vshll.u32 v53, v1;
	v40 =	vbroadcast v40, $0x0;
	v48 =	vld [tilespmem:s18+$0xFFFFFF30];
	[tilespmem:v35+s31+$0x0] =	vst.idx.msk $0xffff, v56  }
0x145: {  	v58 =	vld [tilespmem:s19+$0xC0];
	v47 =	vbroadcast v57, $0x0;
	v42 =	vshll.u32 v55, v1;
	v59 =	vor.u32 v29, v41;
	[tilespmem:v34+s31+$0x0] =	vst.idx.msk $0xffff, v63  }
0x146: {  	v54 =	vld [tilespmem:s19+$0xFFFFFF80];
	v44 =	vshll.u32 v44, v1;
	v42 =	vbroadcast v42, $0x0;
	v55 =	vor.u32 v9, v40;
	[tilespmem:v37+s31+$0x0] =	vst.idx.msk $0xffff, v43  }
0x147: {  	v38 =	vshll.u32 v38, v1;
	v62 =	vld [tilespmem:s19+$0xFFFFFF40];
	v44 =	vbroadcast v44, $0x0;
	v63 =	vor.u32 v5, v47;
	[tilespmem:v36+s31+$0x0] =	vst.idx.msk $0xffff, v46  }
0x148: {  	v39 =	vshrl.u32 v39, $0x3;
	v38 =	vbroadcast v38, $0x0;
	v36 =	vld [tilespmem:s19+$0xFFFFFFC0];
	v46 =	vor.u32 v13, v42;
	[tilespmem:v61+s31+$0x0] =	vst.idx.msk $0xffff, v60  }
0x149: {  	v39 =	vshll.u32 v39, v1;
	[tilespmem:v33+s31+$0x0] =	vst.idx.msk $0xffff, v48;
	v33 =	vld [tilespmem:s19+$0x0];
	v48 =	vor.u32 v17, v44  }
0x14a: {  	v35 =	vbroadcast v39, $0x0;
	[tilespmem:v59+s31+$0x0] =	vst.idx.msk $0xffff, v58;
	v58 =	vld [tilespmem:s19+$0x40];
	v59 =	vor.u32 v21, v38  }
0x14b: {  	v57 =	vor.u32 v30, v41;
	[tilespmem:v55+s31+$0x0] =	vst.idx.msk $0xffff, v54;
	v56 =	vld [tilespmem:s19+$0xD0]  }
0x14c: {  	v60 =	vld [tilespmem:s19+$0x80];
	v61 =	vor.u32 v25, v35;
	[tilespmem:v63+s31+$0x0] =	vst.idx.msk $0xffff, v62  }
0x14d: {  	v55 =	vor.u32 v10, v40;
	v54 =	vld [tilespmem:s19+$0xFFFFFF90];
	[tilespmem:v46+s31+$0x0] =	vst.idx.msk $0xffff, v36  }
0x14e: {  	v63 =	vor.u32 v6, v47;
	v62 =	vld [tilespmem:s19+$0xFFFFFF50];
	[tilespmem:v48+s31+$0x0] =	vst.idx.msk $0xffff, v33  }
0x14f: {  	v33 =	vld [tilespmem:s19+$0xFFFFFFD0];
	v48 =	vor.u32 v14, v42;
	[tilespmem:v59+s31+$0x0] =	vst.idx.msk $0xffff, v58  }
0x150: {  	[tilespmem:v57+s31+$0x0] =	vst.idx.msk $0xffff, v56;
	v56 =	vld [tilespmem:s19+$0x10];
	v57 =	vor.u32 v18, v44  }
0x151: {  	[tilespmem:v61+s31+$0x0] =	vst.idx.msk $0xffff, v60;
	v59 =	vor.u32 v22, v38;
	v58 =	vld [tilespmem:s19+$0x50]  }
0x152: {  	v39 =	vor.u32 v31, v41;
	[tilespmem:v55+s31+$0x0] =	vst.idx.msk $0xffff, v54;
	v34 =	vld [tilespmem:s19+$0xE0]  }
0x153: {  	v61 =	vor.u32 v26, v35;
	v60 =	vld [tilespmem:s19+$0x90];
	[tilespmem:v63+s31+$0x0] =	vst.idx.msk $0xffff, v62  }
0x154: {  	v62 =	vld [tilespmem:s19+$0xFFFFFF10];
	v63 =	vor.u32 v2, v45;
	[tilespmem:v48+s31+$0x0] =	vst.idx.msk $0xffff, v33  }
0x155: {  	v55 =	vor.u32 v7, v47;
	v54 =	vld [tilespmem:s19+$0xFFFFFF60];
	[tilespmem:v57+s31+$0x0] =	vst.idx.msk $0xffff, v56  }
0x156: {  	v56 =	vor.u32 v32, v41;
	v41 =	vld [tilespmem:s19+$0xFFFFFFA0];
	v57 =	vor.u32 v11, v40;
	[tilespmem:v59+s31+$0x0] =	vst.idx.msk $0xffff, v58  }
0x157: {  	v37 =	vld [tilespmem:s19+$0xFFFFFFE0];
	v58 =	vor.u32 v15, v42;
	[tilespmem:v39+s31+$0x0] =	vst.idx.msk $0xffff, v34  }
0x158: {  	[tilespmem:v61+s31+$0x0] =	vst.idx.msk $0xffff, v60;
	v34 =	vld [tilespmem:s19+$0xF0]  }
0x159: {  	v60 =	vor.u32 v19, v44;
	[tilespmem:v63+s31+$0x0] =	vst.idx.msk $0xffff, v62;
	v59 =	vld [tilespmem:s19+$0x20]  }
0x15a: {  	v62 =	vor.u32 v23, v38;
	[tilespmem:v55+s31+$0x0] =	vst.idx.msk $0xffff, v54;
	v61 =	vld [tilespmem:s19+$0x60]  }
0x15b: {  	v63 =	vld [tilespmem:s19+$0xA0];
	v54 =	vor.u32 v27, v35;
	[tilespmem:v57+s31+$0x0] =	vst.idx.msk $0xffff, v41  }
0x15c: {  	v47 =	vor.u32 v8, v47;
	v57 =	vld [tilespmem:s19+$0xFFFFFF70];
	[tilespmem:v58+s31+$0x0] =	vst.idx.msk $0xffff, v37  }
0x15d: {  	v55 =	vld [tilespmem:s19+$0xFFFFFF20];
	[tilespmem:v56+s31+$0x0] =	vst.idx.msk $0xffff, v34;
	v56 =	vor.u32 v3, v45  }
0x15e: {  	v40 =	vor.u32 v12, v40;
	v58 =	vld [tilespmem:s19+$0xFFFFFFB0];
	[tilespmem:v60+s31+$0x0] =	vst.idx.msk $0xffff, v59  }
0x15f: {  	v42 =	vor.u32 v16, v42;
	v59 =	vld [tilespmem:s19+$0xFFFFFFF0];
	[tilespmem:v62+s31+$0x0] =	vst.idx.msk $0xffff, v61  }
0x160: {  	v61 =	vor.u32 v20, v44;
	[tilespmem:v54+s31+$0x0] =	vst.idx.msk $0xffff, v63;
	v60 =	vld [tilespmem:s19+$0x30]  }
0x161: {  	v38 =	vor.u32 v24, v38;
	v62 =	vld [tilespmem:s19+$0x70];
	[tilespmem:v47+s31+$0x0] =	vst.idx.msk $0xffff, v57  }
0x162: {  	v35 =	vor.u32 v28, v35;
	v63 =	vld [tilespmem:s19+$0xB0];
	[tilespmem:v56+s31+$0x0] =	vst.idx.msk $0xffff, v55  }
0x163: {  	v49 =	vor.u32 v4, v45;
	[tilespmem:v40+s31+$0x0] =	vst.idx.msk $0xffff, v58;
	v48 =	vld [tilespmem:s19+$0xFFFFFF30]  }
0x164: {  	[tilespmem:v42+s31+$0x0] =	vst.idx.msk $0xffff, v59  }
0x165: {  	[tilespmem:v61+s31+$0x0] =	vst.idx.msk $0xffff, v60  }
0x166: {  	[tilespmem:v38+s31+$0x0] =	vst.idx.msk $0xffff, v62  }
0x167: {  	[tilespmem:v35+s31+$0x0] =	vst.idx.msk $0xffff, v63  }
0x168: {  	[tilespmem:v49+s31+$0x0] =	vst.idx.msk $0xffff, v48  }
0x169: {  	v33 =	vld @!p0 [tilespmem:s16+$0x280];
	_ =	sdelay $0x6  }
0x16a: {  	s18 =	simm.s32 @!p0 $0x0;
	s19 =	simm.s32 @!p0 $0x8400  }
0x16b: {  	[tilespmem:s19], [sflag:$0x2] =	stream.indirect_vreg.gather @!p0 [hbm4b:s4+s18], $0x40, v33, vm1, $0xb8;
	[tilespmem:$0x12400] =	vst v63  }
0x16c: {  	v33 =	vld @!p0 [tilespmem:s16+$0x290];
	_ =	sdelay $0x6  }
0x16d: {  	s19 =	simm.s32 @!p0 $0x8800  }
0x16e: {  	[tilespmem:s19], [sflag:$0x2] =	stream.indirect_vreg.gather @!p0 [hbm4b:s4+s18], $0x40, v33, vm1, $0xb8;
	[tilespmem:$0x12400] =	vst v63  }
0x16f: {  	v33 =	vld @!p0 [tilespmem:s16+$0x2A0];
	_ =	sdelay $0x6  }
0x170: {  	s19 =	simm.s32 @!p0 $0x8C00  }
0x171: {  	[tilespmem:s19], [sflag:$0x2] =	stream.indirect_vreg.gather @!p0 [hbm4b:s4+s18], $0x40, v33, vm1, $0xb8;
	[tilespmem:$0x12400] =	vst v63  }
0x172: {  	v33 =	vld @!p0 [tilespmem:s16+$0x2B0];
	_ =	sdelay $0x6  }
0x173: {  	s19 =	simm.s32 @!p0 $0x9000  }
0x174: {  	[tilespmem:s19], [sflag:$0x2] =	stream.indirect_vreg.gather @!p0 [hbm4b:s4+s18], $0x40, v33, vm1, $0xb8;
	[tilespmem:$0x12400] =	vst v63  }
0x175: {  	v33 =	vld @!p0 [tilespmem:s16+$0x2C0];
	_ =	sdelay $0x6  }
0x176: {  	s19 =	simm.s32 @!p0 $0x9400  }
0x177: {  	[tilespmem:s19], [sflag:$0x2] =	stream.indirect_vreg.gather @!p0 [hbm4b:s4+s18], $0x40, v33, vm1, $0xb8;
	[tilespmem:$0x12400] =	vst v63  }
0x178: {  	v33 =	vld @!p0 [tilespmem:s16+$0x2D0];
	_ =	sdelay $0x6  }
0x179: {  	s19 =	simm.s32 @!p0 $0x9800  }
0x17a: {  	[tilespmem:s19], [sflag:$0x2] =	stream.indirect_vreg.gather @!p0 [hbm4b:s4+s18], $0x40, v33, vm1, $0xb8;
	[tilespmem:$0x12400] =	vst v63  }
0x17b: {  	v33 =	vld @!p0 [tilespmem:s16+$0x2E0];
	_ =	sdelay $0x6  }
0x17c: {  	s19 =	simm.s32 @!p0 $0x9C00  }
0x17d: {  	[tilespmem:s19], [sflag:$0x2] =	stream.indirect_vreg.gather @!p0 [hbm4b:s4+s18], $0x40, v33, vm1, $0xb8;
	[tilespmem:$0x12400] =	vst v63  }
0x17e: {  	v33 =	vld @!p0 [tilespmem:s16+$0x2F0];
	_ =	sdelay $0x6  }
0x17f: {  	s22 =	simm.s32 $0x0;
	s19 =	simm.s32 @!p0 $0xA000  }
0x180: {  	[tilespmem:s19], [sflag:$0x2] =	stream.indirect_vreg.gather @!p0 [hbm4b:s4+s18], $0x40, v33, vm1, $0xb8;
	[tilespmem:$0x12400] =	vst v63  }
0x181: {  	s20 =	sadd.s32 s17, s7;
	v50 =	vmov s22;
	s22 =	simm.s32 $0x3  }
0x182: {  	v53 =	vmov s22;
	[hbm4b:s20+s29] =	stream.strided.scatter [tilespmem:s31], [sflag:$0x6], $0x2000, s21, s29, $0x38;
	[tilespmem:$0x12400] =	vst v63  }
0x183: {  	s22 =	simm.s32 $0x5;
	v36 =	vshrl.u32 v53, $0x3;
	s20 =	simm.s32 $0x2  }
0x184: {  	v39 =	vmov s22;
	v58 =	vshll.u32 v36, v1;
	s19 =	simm.s32 $0x1;
	_ =	swait.ge [sflag:s0], $0x2000;
	v52 =	vmov s20;
	s20 =	simm.s32 $0x7  }
0x185: {  	v33 =	vshrl.u32 v50, $0x3;
	v51 =	vmov s19;
	s19 =	simm.s32 $0x4;
	[sflag:s0] =	ssyncset.done $0x0;
	v55 =	vmov s20  }
0x186: {  	v33 =	vshll.u32 v33, v1;
	v54 =	vmov s19;
	[sflag:s0] =	ssyncadd.s32 $0xFFFFE000;
	v38 =	vshrl.u32 v55, $0x3  }
0x187: {  	v34 =	vshrl.u32 v51, $0x3;
	v33 =	vbroadcast v33, $0x0;
	_ =	swait.ge [sflag:s1], $0x2000;
	v38 =	vshll.u32 v38, v1  }
0x188: {  	s19 =	simm.s32 $0x6;
	v34 =	vshll.u32 v34, v1;
	v35 =	vshrl.u32 v52, $0x3;
	[sflag:s1] =	ssyncset.done $0x0;
	v38 =	vbroadcast v38, $0x0  }
0x189: {  	s18 =	simm.s32 $0xA500;
	v40 =	vmov s19;
	v45 =	vbroadcast v34, $0x0;
	v56 =	vshll.u32 v35, v1;
	[sflag:s1] =	ssyncadd.s32 $0xFFFFE000  }
0x18a: {  	v37 =	vshrl.u32 v54, $0x3;
	v52 =	vbroadcast v56, $0x0;
	v41 =	vld [tilespmem:s18+$0xC0];
	v42 =	vor.u32 v29, v38  }
0x18b: {  	v57 =	vor.u32 v0, v33;
	v61 =	vshll.u32 v37, v1;
	v60 =	vor.u32 v5, v45;
	v59 =	vld [tilespmem:s18+$0xFFFFFF40]  }
0x18c: {  	v35 =	vbroadcast v58, $0x0;
	v55 =	vshrl.u32 v39, $0x3;
	v63 =	vor.u32 v9, v52;
	v62 =	vld [tilespmem:s18+$0xFFFFFF80]  }
0x18d: {  	v40 =	vshrl.u32 v40, $0x3;
	v34 =	vbroadcast v61, $0x0;
	v36 =	vshll.u32 v55, v1;
	v43 =	vld [tilespmem:s18+$0xFFFFFF00]  }
0x18e: {  	v56 =	vshll.u32 v40, v1;
	v50 =	vor.u32 v13, v35;
	v37 =	vbroadcast v36, $0x0;
	v39 =	vld [tilespmem:s18+$0xFFFFFFC0]  }
0x18f: {  	v53 =	vor.u32 v17, v34;
	v36 =	vbroadcast v56, $0x0;
	v51 =	vld [tilespmem:s18+$0x0];
	[tilespmem:v42+s28+$0x0] =	vst.idx.msk $0xffff, v41  }
0x190: {  	[tilespmem:v60+s28+$0x0] =	vst.idx.msk $0xffff, v59;
	v59 =	vld [tilespmem:s18+$0x40];
	v60 =	vor.u32 v21, v37  }
0x191: {  	v61 =	vld [tilespmem:s18+$0x80];
	[tilespmem:v63+s28+$0x0] =	vst.idx.msk $0xffff, v62;
	v62 =	vor.u32 v25, v36  }
0x192: {  	v58 =	vor.u32 v30, v38;
	[tilespmem:v57+s28+$0x0] =	vst.idx.msk $0xffff, v43;
	v57 =	vld [tilespmem:s18+$0xD0]  }
0x193: {  	v63 =	vor.u32 v6, v45;
	[tilespmem:v50+s28+$0x0] =	vst.idx.msk $0xffff, v39;
	v47 =	vld [tilespmem:s18+$0xFFFFFF50]  }
0x194: {  	v55 =	vor.u32 v10, v52;
	[tilespmem:v53+s28+$0x0] =	vst.idx.msk $0xffff, v51;
	v54 =	vld [tilespmem:s18+$0xFFFFFF90]  }
0x195: {  	v56 =	vor.u32 v14, v35;
	v50 =	vld [tilespmem:s18+$0xFFFFFFD0];
	[tilespmem:v60+s28+$0x0] =	vst.idx.msk $0xffff, v59  }
0x196: {  	[tilespmem:v62+s28+$0x0] =	vst.idx.msk $0xffff, v61;
	v61 =	vld [tilespmem:s18+$0xFFFFFF10];
	v62 =	vor.u32 v2, v33  }
0x197: {  	v59 =	vor.u32 v18, v34;
	[tilespmem:v58+s28+$0x0] =	vst.idx.msk $0xffff, v57;
	v58 =	vld [tilespmem:s18+$0x10]  }
0x198: {  	v57 =	vor.u32 v31, v38;
	[tilespmem:v63+s28+$0x0] =	vst.idx.msk $0xffff, v47;
	v40 =	vld [tilespmem:s18+$0xE0]  }
0x199: {  	v46 =	vor.u32 v22, v37;
	v44 =	vld [tilespmem:s18+$0x50];
	[tilespmem:v55+s28+$0x0] =	vst.idx.msk $0xffff, v54  }
0x19a: {  	v60 =	vor.u32 v26, v36;
	v63 =	vld [tilespmem:s18+$0x90];
	[tilespmem:v56+s28+$0x0] =	vst.idx.msk $0xffff, v50  }
0x19b: {  	v51 =	vor.u32 v7, v45;
	v50 =	vld [tilespmem:s18+$0xFFFFFF60];
	[tilespmem:v62+s28+$0x0] =	vst.idx.msk $0xffff, v61  }
0x19c: {  	v56 =	vor.u32 v11, v52;
	v55 =	vld [tilespmem:s18+$0xFFFFFFA0];
	[tilespmem:v59+s28+$0x0] =	vst.idx.msk $0xffff, v58  }
0x19d: {  	v58 =	vor.u32 v15, v35;
	[tilespmem:v57+s28+$0x0] =	vst.idx.msk $0xffff, v40;
	v57 =	vld [tilespmem:s18+$0xFFFFFFE0]  }
0x19e: {  	v38 =	vor.u32 v32, v38;
	[tilespmem:v46+s28+$0x0] =	vst.idx.msk $0xffff, v44;
	v54 =	vld [tilespmem:s18+$0xF0]  }
0x19f: {  	[tilespmem:v60+s28+$0x0] =	vst.idx.msk $0xffff, v63;
	v60 =	vor.u32 v19, v34;
	v59 =	vld [tilespmem:s18+$0x20]  }
0x1a0: {  	s22 =	simm.s32 $0x9;
	s20 =	simm.s32 $0x8;
	v48 =	vor.u32 v3, v33;
	v41 =	vor.u32 v23, v37;
	[tilespmem:v51+s28+$0x0] =	vst.idx.msk $0xffff, v50;
	v40 =	vld [tilespmem:s18+$0x60]  }
0x1a1: {  	v53 =	vmov s22;
	s22 =	simm.s32 $0xB;
	v43 =	vor.u32 v27, v36;
	v63 =	vmov s20;
	v42 =	vld [tilespmem:s18+$0xA0];
	[tilespmem:v56+s28+$0x0] =	vst.idx.msk $0xffff, v55  }
0x1a2: {  	v52 =	vor.u32 v12, v52;
	s20 =	simm.s32 $0xA;
	v44 =	vmov s22;
	s22 =	simm.s32 $0xD;
	v46 =	vld [tilespmem:s18+$0xFFFFFF20];
	v39 =	vshrl.u32 v63, $0x3;
	[tilespmem:v58+s28+$0x0] =	vst.idx.msk $0xffff, v57  }
0x1a3: {  	v51 =	vor.u32 v8, v45;
	v49 =	vld [tilespmem:s18+$0xFFFFFF70];
	[tilespmem:v38+s28+$0x0] =	vst.idx.msk $0xffff, v54;
	v54 =	vmov s20;
	s20 =	simm.s32 $0xC;
	v38 =	vmov s22;
	s22 =	simm.s32 $0xE  }
0x1a4: {  	s19 =	simm.s32 $0x10;
	v45 =	vshll.u32 v39, v1;
	v50 =	vld [tilespmem:s18+$0xFFFFFFB0];
	[tilespmem:v60+s28+$0x0] =	vst.idx.msk $0xffff, v59;
	v47 =	vmov s20;
	v39 =	vmov s22;
	s20 =	simm.s32 $0xF  }
.LBB2_7:
0x1a5: {  	p1 =	slt.u32 s19, $0x78;
	v53 =	vshrl.u32 v53, $0x3;
	v55 =	vmov s20;
	v56 =	vld [tilespmem:s18+$0xFFFFFFF0];
	v35 =	vor.u32 v16, v35;
	[tilespmem:v41+s28+$0x0] =	vst.idx.msk $0xffff, v40  }
0x1a6: {  	v40 =	vshrl.u32 v54, $0x3;
	v34 =	vor.u32 v20, v34;
	v41 =	vshrl.u32 v55, $0x3;
	v54 =	vld [tilespmem:s18+$0x30];
	[tilespmem:v43+s28+$0x0] =	vst.idx.msk $0xffff, v42  }
0x1a7: {  	v37 =	vor.u32 v24, v37;
	v42 =	vshrl.u32 v44, $0x3;
	v41 =	vshll.u32 v41, v1;
	[tilespmem:v48+s28+$0x0] =	vst.idx.msk $0xffff, v46;
	v43 =	vld [tilespmem:s18+$0x70]  }
0x1a8: {  	v36 =	vor.u32 v28, v36;
	v44 =	vshrl.u32 v47, $0x3;
	v41 =	vbroadcast v41, $0x0;
	[tilespmem:v51+s28+$0x0] =	vst.idx.msk $0xffff, v49;
	v46 =	vld [tilespmem:s18+$0xB0]  }
0x1a9: {  	v47 =	vshll.u32 v53, v1;
	v49 =	vor.u32 v4, v33;
	v33 =	vbroadcast v45, $0x0;
	v48 =	vld [tilespmem:s18+$0xFFFFFF30];
	[tilespmem:v52+s28+$0x0] =	vst.idx.msk $0xffff, v50;
	s18 =	sadd.s32 $0x200, s18  }
0x1aa: {  	v40 =	vshll.u32 v40, v1;
	v45 =	vbroadcast v47, $0x0;
	v47 =	vld [tilespmem:s18+$0xC0];
	v50 =	vor.u32 v29, v41;
	[tilespmem:v35+s28+$0x0] =	vst.idx.msk $0xffff, v56  }
0x1ab: {  	v55 =	vbroadcast v40, $0x0;
	v52 =	vor.u32 v0, v33;
	v35 =	vshll.u32 v42, v1;
	v51 =	vld [tilespmem:s18+$0xFFFFFF00];
	[tilespmem:v34+s28+$0x0] =	vst.idx.msk $0xffff, v54  }
0x1ac: {  	v42 =	vor.u32 v5, v45;
	v35 =	vbroadcast v35, $0x0;
	v34 =	vshll.u32 v44, v1;
	v40 =	vld [tilespmem:s18+$0xFFFFFF40];
	[tilespmem:v37+s28+$0x0] =	vst.idx.msk $0xffff, v43  }
0x1ad: {  	v44 =	vor.u32 v9, v55;
	v34 =	vbroadcast v34, $0x0;
	v37 =	vshrl.u32 v38, $0x3;
	v43 =	vld [tilespmem:s18+$0xFFFFFF80];
	[tilespmem:v36+s28+$0x0] =	vst.idx.msk $0xffff, v46  }
0x1ae: {  	v39 =	vshrl.u32 v39, $0x3;
	v46 =	vor.u32 v13, v35;
	v36 =	vshll.u32 v37, v1;
	v38 =	vld [tilespmem:s18+$0xFFFFFFC0];
	[tilespmem:v49+s28+$0x0] =	vst.idx.msk $0xffff, v48  }
0x1af: {  	v49 =	vor.u32 v17, v34;
	v37 =	vbroadcast v36, $0x0;
	v36 =	vshll.u32 v39, v1;
	v48 =	vld [tilespmem:s18+$0x0];
	[tilespmem:v50+s28+$0x0] =	vst.idx.msk $0xffff, v47  }
0x1b0: {  	v36 =	vbroadcast v36, $0x0;
	v47 =	vor.u32 v30, v41;
	[tilespmem:v52+s28+$0x0] =	vst.idx.msk $0xffff, v51;
	v39 =	vld [tilespmem:s18+$0xD0]  }
0x1b1: {  	[tilespmem:v42+s28+$0x0] =	vst.idx.msk $0xffff, v40;
	v40 =	vld [tilespmem:s18+$0x40];
	v42 =	vor.u32 v21, v37  }
0x1b2: {  	[tilespmem:v44+s28+$0x0] =	vst.idx.msk $0xffff, v43;
	v43 =	vld [tilespmem:s18+$0x80];
	v44 =	vor.u32 v25, v36  }
0x1b3: {  	v51 =	vor.u32 v6, v45;
	v50 =	vld [tilespmem:s18+$0xFFFFFF50];
	[tilespmem:v46+s28+$0x0] =	vst.idx.msk $0xffff, v38  }
0x1b4: {  	v46 =	vor.u32 v10, v55;
	v38 =	vld [tilespmem:s18+$0xFFFFFF90];
	[tilespmem:v49+s28+$0x0] =	vst.idx.msk $0xffff, v48  }
0x1b5: {  	v49 =	vor.u32 v14, v35;
	v48 =	vld [tilespmem:s18+$0xFFFFFFD0];
	[tilespmem:v47+s28+$0x0] =	vst.idx.msk $0xffff, v39  }
0x1b6: {  	[tilespmem:v42+s28+$0x0] =	vst.idx.msk $0xffff, v40;
	v39 =	vld [tilespmem:s18+$0xE0];
	v40 =	vor.u32 v31, v41  }
0x1b7: {  	v47 =	vor.u32 v18, v34;
	v42 =	vld [tilespmem:s18+$0x10];
	[tilespmem:v44+s28+$0x0] =	vst.idx.msk $0xffff, v43  }
0x1b8: {  	v44 =	vor.u32 v22, v37;
	[tilespmem:v51+s28+$0x0] =	vst.idx.msk $0xffff, v50;
	v43 =	vld [tilespmem:s18+$0x50]  }
0x1b9: {  	[tilespmem:v46+s28+$0x0] =	vst.idx.msk $0xffff, v38;
	v38 =	vld [tilespmem:s18+$0x90];
	v46 =	vor.u32 v26, v36  }
0x1ba: {  	v51 =	vor.u32 v2, v33;
	v50 =	vld [tilespmem:s18+$0xFFFFFF10];
	[tilespmem:v49+s28+$0x0] =	vst.idx.msk $0xffff, v48  }
0x1bb: {  	v49 =	vor.u32 v7, v45;
	v48 =	vld [tilespmem:s18+$0xFFFFFF60];
	[tilespmem:v40+s28+$0x0] =	vst.idx.msk $0xffff, v39  }
0x1bc: {  	[tilespmem:v47+s28+$0x0] =	vst.idx.msk $0xffff, v42;
	v39 =	vld [tilespmem:s18+$0xF0];
	v47 =	vor.u32 v32, v41  }
0x1bd: {  	v56 =	vor.u32 v11, v55;
	v52 =	vld [tilespmem:s18+$0xFFFFFFA0];
	[tilespmem:v44+s28+$0x0] =	vst.idx.msk $0xffff, v43  }
0x1be: {  	v58 =	vor.u32 v15, v35;
	v57 =	vld [tilespmem:s18+$0xFFFFFFE0];
	[tilespmem:v46+s28+$0x0] =	vst.idx.msk $0xffff, v38  }
0x1bf: {  	v60 =	vor.u32 v19, v34;
	[tilespmem:v51+s28+$0x0] =	vst.idx.msk $0xffff, v50;
	v59 =	vld [tilespmem:s18+$0x20]  }
.Ltmp2:
0x1c0: {  	s20 =	sadd.s32 $0x1, s19;
	v41 =	vor.u32 v23, v37;
	v38 =	vmov s19;
	[tilespmem:v49+s28+$0x0] =	vst.idx.msk $0xffff, v48;
	v40 =	vld [tilespmem:s18+$0x60];
	(pc) =	sbr.rel @p1 .LBB2_7-.Ltmp2, $4  }
0x1c1: {  	s22 =	sadd.s32 $0x3, s19;
	v53 =	vmov s20;
	s20 =	sadd.s32 $0x2, s19;
	v43 =	vor.u32 v27, v36;
	v50 =	vshrl.u32 v38, $0x3;
	v42 =	vld [tilespmem:s18+$0xA0];
	[tilespmem:v47+s28+$0x0] =	vst.idx.msk $0xffff, v39  }
0x1c2: {  	v54 =	vmov s20;
	s20 =	sadd.s32 $0x4, s19;
	v44 =	vmov s22;
	s22 =	sadd.s32 $0x5, s19;
	v48 =	vor.u32 v3, v33;
	v46 =	vld [tilespmem:s18+$0xFFFFFF20];
	[tilespmem:v56+s28+$0x0] =	vst.idx.msk $0xffff, v52  }
0x1c3: {  	v38 =	vmov s22;
	v51 =	vor.u32 v8, v45;
	v47 =	vmov s20;
	s20 =	sadd.s32 $0x6, s19;
	v49 =	vld [tilespmem:s18+$0xFFFFFF70];
	[tilespmem:v58+s28+$0x0] =	vst.idx.msk $0xffff, v57  }
0x1c4: {  	v45 =	vshll.u32 v50, v1;
	v39 =	vmov s20;
	s20 =	sadd.s32 $0x7, s19;
	s19 =	sadd.s32 $0x8, s19;
	v52 =	vor.u32 v12, v55;
	v50 =	vld [tilespmem:s18+$0xFFFFFFB0];
	[tilespmem:v60+s28+$0x0] =	vst.idx.msk $0xffff, v59  }
0x1c5: {  	_ =	sdelay $0x2  }
0x1c6: {  	v53 =	vshrl.u32 v53, $0x3  }
0x1c7: {  	v55 =	vmov s20;
	v56 =	vld [tilespmem:s18+$0xFFFFFFF0];
	v35 =	vor.u32 v16, v35;
	[tilespmem:v41+s28+$0x0] =	vst.idx.msk $0xffff, v40;
	v34 =	vor.u32 v20, v34  }
0x1c8: {  	v61 =	vshrl.u32 v54, $0x3;
	v63 =	vld [tilespmem:s18+$0x30];
	v37 =	vor.u32 v24, v37;
	v36 =	vor.u32 v28, v36;
	[tilespmem:v43+s28+$0x0] =	vst.idx.msk $0xffff, v42  }
0x1c9: {  	v45 =	vbroadcast v45, $0x0;
	v33 =	vor.u32 v4, v33;
	v62 =	vshrl.u32 v55, $0x3;
	v43 =	vld [tilespmem:s18+$0x70];
	[tilespmem:v48+s28+$0x0] =	vst.idx.msk $0xffff, v46  }
0x1ca: {  	s19 =	sadd.s32 $0x200, s18;
	v38 =	vshrl.u32 v38, $0x3;
	v55 =	vshrl.u32 v44, $0x3;
	v41 =	vshll.u32 v62, v1;
	v46 =	vld [tilespmem:s18+$0xB0];
	[tilespmem:v51+s28+$0x0] =	vst.idx.msk $0xffff, v49  }
0x1cb: {  	v40 =	vshll.u32 v61, v1;
	v60 =	vld [tilespmem:s19+$0xFFFFFF00];
	v61 =	vor.u32 v0, v45;
	v41 =	vbroadcast v41, $0x0;
	[tilespmem:v52+s28+$0x0] =	vst.idx.msk $0xffff, v50  }
0x1cc: {  	v44 =	vshrl.u32 v47, $0x3;
	v57 =	vshll.u32 v53, v1;
	v40 =	vbroadcast v40, $0x0;
	v48 =	vld [tilespmem:s18+$0xFFFFFF30];
	[tilespmem:v35+s28+$0x0] =	vst.idx.msk $0xffff, v56  }
0x1cd: {  	v58 =	vld [tilespmem:s19+$0xC0];
	v47 =	vbroadcast v57, $0x0;
	v42 =	vshll.u32 v55, v1;
	v59 =	vor.u32 v29, v41;
	[tilespmem:v34+s28+$0x0] =	vst.idx.msk $0xffff, v63  }
0x1ce: {  	v54 =	vld [tilespmem:s19+$0xFFFFFF80];
	v44 =	vshll.u32 v44, v1;
	v42 =	vbroadcast v42, $0x0;
	v55 =	vor.u32 v9, v40;
	[tilespmem:v37+s28+$0x0] =	vst.idx.msk $0xffff, v43  }
0x1cf: {  	v38 =	vshll.u32 v38, v1;
	v62 =	vld [tilespmem:s19+$0xFFFFFF40];
	v44 =	vbroadcast v44, $0x0;
	v63 =	vor.u32 v5, v47;
	[tilespmem:v36+s28+$0x0] =	vst.idx.msk $0xffff, v46  }
0x1d0: {  	v39 =	vshrl.u32 v39, $0x3;
	v38 =	vbroadcast v38, $0x0;
	v36 =	vld [tilespmem:s19+$0xFFFFFFC0];
	v46 =	vor.u32 v13, v42;
	[tilespmem:v61+s28+$0x0] =	vst.idx.msk $0xffff, v60  }
0x1d1: {  	v39 =	vshll.u32 v39, v1;
	[tilespmem:v33+s28+$0x0] =	vst.idx.msk $0xffff, v48;
	v33 =	vld [tilespmem:s19+$0x0];
	v48 =	vor.u32 v17, v44  }
0x1d2: {  	v35 =	vbroadcast v39, $0x0;
	[tilespmem:v59+s28+$0x0] =	vst.idx.msk $0xffff, v58;
	v58 =	vld [tilespmem:s19+$0x40];
	v59 =	vor.u32 v21, v38  }
0x1d3: {  	v57 =	vor.u32 v30, v41;
	[tilespmem:v55+s28+$0x0] =	vst.idx.msk $0xffff, v54;
	v56 =	vld [tilespmem:s19+$0xD0]  }
0x1d4: {  	v60 =	vld [tilespmem:s19+$0x80];
	v61 =	vor.u32 v25, v35;
	[tilespmem:v63+s28+$0x0] =	vst.idx.msk $0xffff, v62  }
0x1d5: {  	v55 =	vor.u32 v10, v40;
	v54 =	vld [tilespmem:s19+$0xFFFFFF90];
	[tilespmem:v46+s28+$0x0] =	vst.idx.msk $0xffff, v36  }
0x1d6: {  	v63 =	vor.u32 v6, v47;
	v62 =	vld [tilespmem:s19+$0xFFFFFF50];
	[tilespmem:v48+s28+$0x0] =	vst.idx.msk $0xffff, v33  }
0x1d7: {  	v33 =	vld [tilespmem:s19+$0xFFFFFFD0];
	v48 =	vor.u32 v14, v42;
	[tilespmem:v59+s28+$0x0] =	vst.idx.msk $0xffff, v58  }
0x1d8: {  	[tilespmem:v57+s28+$0x0] =	vst.idx.msk $0xffff, v56;
	v56 =	vld [tilespmem:s19+$0x10];
	v57 =	vor.u32 v18, v44  }
0x1d9: {  	[tilespmem:v61+s28+$0x0] =	vst.idx.msk $0xffff, v60;
	v59 =	vor.u32 v22, v38;
	v58 =	vld [tilespmem:s19+$0x50]  }
0x1da: {  	v39 =	vor.u32 v31, v41;
	[tilespmem:v55+s28+$0x0] =	vst.idx.msk $0xffff, v54;
	v34 =	vld [tilespmem:s19+$0xE0]  }
0x1db: {  	v61 =	vor.u32 v26, v35;
	v60 =	vld [tilespmem:s19+$0x90];
	[tilespmem:v63+s28+$0x0] =	vst.idx.msk $0xffff, v62  }
0x1dc: {  	v62 =	vld [tilespmem:s19+$0xFFFFFF10];
	v63 =	vor.u32 v2, v45;
	[tilespmem:v48+s28+$0x0] =	vst.idx.msk $0xffff, v33  }
0x1dd: {  	v55 =	vor.u32 v7, v47;
	v54 =	vld [tilespmem:s19+$0xFFFFFF60];
	[tilespmem:v57+s28+$0x0] =	vst.idx.msk $0xffff, v56  }
0x1de: {  	v56 =	vor.u32 v32, v41;
	v41 =	vld [tilespmem:s19+$0xFFFFFFA0];
	v57 =	vor.u32 v11, v40;
	[tilespmem:v59+s28+$0x0] =	vst.idx.msk $0xffff, v58  }
0x1df: {  	v37 =	vld [tilespmem:s19+$0xFFFFFFE0];
	v58 =	vor.u32 v15, v42;
	[tilespmem:v39+s28+$0x0] =	vst.idx.msk $0xffff, v34  }
0x1e0: {  	[tilespmem:v61+s28+$0x0] =	vst.idx.msk $0xffff, v60;
	v34 =	vld [tilespmem:s19+$0xF0]  }
0x1e1: {  	v60 =	vor.u32 v19, v44;
	[tilespmem:v63+s28+$0x0] =	vst.idx.msk $0xffff, v62;
	v59 =	vld [tilespmem:s19+$0x20]  }
0x1e2: {  	v62 =	vor.u32 v23, v38;
	[tilespmem:v55+s28+$0x0] =	vst.idx.msk $0xffff, v54;
	v61 =	vld [tilespmem:s19+$0x60]  }
0x1e3: {  	v63 =	vld [tilespmem:s19+$0xA0];
	v54 =	vor.u32 v27, v35;
	[tilespmem:v57+s28+$0x0] =	vst.idx.msk $0xffff, v41  }
0x1e4: {  	v47 =	vor.u32 v8, v47;
	v57 =	vld [tilespmem:s19+$0xFFFFFF70];
	[tilespmem:v58+s28+$0x0] =	vst.idx.msk $0xffff, v37  }
0x1e5: {  	v55 =	vld [tilespmem:s19+$0xFFFFFF20];
	[tilespmem:v56+s28+$0x0] =	vst.idx.msk $0xffff, v34;
	v56 =	vor.u32 v3, v45  }
0x1e6: {  	v40 =	vor.u32 v12, v40;
	v58 =	vld [tilespmem:s19+$0xFFFFFFB0];
	[tilespmem:v60+s28+$0x0] =	vst.idx.msk $0xffff, v59  }
0x1e7: {  	v42 =	vor.u32 v16, v42;
	v59 =	vld [tilespmem:s19+$0xFFFFFFF0];
	[tilespmem:v62+s28+$0x0] =	vst.idx.msk $0xffff, v61  }
0x1e8: {  	v61 =	vor.u32 v20, v44;
	[tilespmem:v54+s28+$0x0] =	vst.idx.msk $0xffff, v63;
	v60 =	vld [tilespmem:s19+$0x30]  }
0x1e9: {  	v38 =	vor.u32 v24, v38;
	v62 =	vld [tilespmem:s19+$0x70];
	[tilespmem:v47+s28+$0x0] =	vst.idx.msk $0xffff, v57  }
0x1ea: {  	v35 =	vor.u32 v28, v35;
	v63 =	vld [tilespmem:s19+$0xB0];
	[tilespmem:v56+s28+$0x0] =	vst.idx.msk $0xffff, v55  }
0x1eb: {  	v49 =	vor.u32 v4, v45;
	[tilespmem:v40+s28+$0x0] =	vst.idx.msk $0xffff, v58;
	v48 =	vld [tilespmem:s19+$0xFFFFFF30]  }
0x1ec: {  	[tilespmem:v42+s28+$0x0] =	vst.idx.msk $0xffff, v59  }
0x1ed: {  	[tilespmem:v61+s28+$0x0] =	vst.idx.msk $0xffff, v60  }
0x1ee: {  	[tilespmem:v38+s28+$0x0] =	vst.idx.msk $0xffff, v62  }
0x1ef: {  	[tilespmem:v35+s28+$0x0] =	vst.idx.msk $0xffff, v63  }
0x1f0: {  	[tilespmem:v49+s28+$0x0] =	vst.idx.msk $0xffff, v48  }
0x1f1: {  	v33 =	vld @!p0 [tilespmem:s16+$0x300];
	_ =	sdelay $0x6  }
0x1f2: {  	s18 =	simm.s32 @!p0 $0x0;
	s19 =	simm.s32 @!p0 $0xA400  }
0x1f3: {  	[tilespmem:s19], [sflag:$0x3] =	stream.indirect_vreg.gather @!p0 [hbm4b:s4+s18], $0x40, v33, vm1, $0xb8;
	[tilespmem:$0x12400] =	vst v63  }
0x1f4: {  	v33 =	vld @!p0 [tilespmem:s16+$0x310];
	_ =	sdelay $0x6  }
0x1f5: {  	s19 =	simm.s32 @!p0 $0xA800  }
0x1f6: {  	[tilespmem:s19], [sflag:$0x3] =	stream.indirect_vreg.gather @!p0 [hbm4b:s4+s18], $0x40, v33, vm1, $0xb8;
	[tilespmem:$0x12400] =	vst v63  }
0x1f7: {  	v33 =	vld @!p0 [tilespmem:s16+$0x320];
	_ =	sdelay $0x6  }
0x1f8: {  	s19 =	simm.s32 @!p0 $0xAC00  }
0x1f9: {  	[tilespmem:s19], [sflag:$0x3] =	stream.indirect_vreg.gather @!p0 [hbm4b:s4+s18], $0x40, v33, vm1, $0xb8;
	[tilespmem:$0x12400] =	vst v63  }
0x1fa: {  	v33 =	vld @!p0 [tilespmem:s16+$0x330];
	_ =	sdelay $0x6  }
0x1fb: {  	s19 =	simm.s32 @!p0 $0xB000  }
0x1fc: {  	[tilespmem:s19], [sflag:$0x3] =	stream.indirect_vreg.gather @!p0 [hbm4b:s4+s18], $0x40, v33, vm1, $0xb8;
	[tilespmem:$0x12400] =	vst v63  }
0x1fd: {  	v33 =	vld @!p0 [tilespmem:s16+$0x340];
	_ =	sdelay $0x6  }
0x1fe: {  	s19 =	simm.s32 @!p0 $0xB400  }
0x1ff: {  	[tilespmem:s19], [sflag:$0x3] =	stream.indirect_vreg.gather @!p0 [hbm4b:s4+s18], $0x40, v33, vm1, $0xb8;
	[tilespmem:$0x12400] =	vst v63  }
0x200: {  	v33 =	vld @!p0 [tilespmem:s16+$0x350];
	_ =	sdelay $0x6  }
0x201: {  	s19 =	simm.s32 @!p0 $0xB800  }
0x202: {  	[tilespmem:s19], [sflag:$0x3] =	stream.indirect_vreg.gather @!p0 [hbm4b:s4+s18], $0x40, v33, vm1, $0xb8;
	[tilespmem:$0x12400] =	vst v63  }
0x203: {  	v33 =	vld @!p0 [tilespmem:s16+$0x360];
	_ =	sdelay $0x6  }
0x204: {  	s19 =	simm.s32 @!p0 $0xBC00  }
0x205: {  	[tilespmem:s19], [sflag:$0x3] =	stream.indirect_vreg.gather @!p0 [hbm4b:s4+s18], $0x40, v33, vm1, $0xb8;
	[tilespmem:$0x12400] =	vst v63  }
0x206: {  	v33 =	vld @!p0 [tilespmem:s16+$0x370];
	_ =	sdelay $0x6  }
0x207: {  	s22 =	simm.s32 $0x0;
	s19 =	simm.s32 @!p0 $0xC000  }
0x208: {  	[tilespmem:s19], [sflag:$0x3] =	stream.indirect_vreg.gather @!p0 [hbm4b:s4+s18], $0x40, v33, vm1, $0xb8;
	[tilespmem:$0x12400] =	vst v63  }
0x209: {  	s20 =	sadd.s32 s17, s8;
	v50 =	vmov s22;
	s22 =	simm.s32 $0x3  }
0x20a: {  	v53 =	vmov s22;
	[hbm4b:s20+s29] =	stream.strided.scatter [tilespmem:s28], [sflag:$0x5], $0x2000, s21, s29, $0x38;
	[tilespmem:$0x12400] =	vst v63  }
0x20b: {  	s22 =	simm.s32 $0x5;
	v36 =	vshrl.u32 v53, $0x3;
	s20 =	simm.s32 $0x2  }
0x20c: {  	v39 =	vmov s22;
	v58 =	vshll.u32 v36, v1;
	s19 =	simm.s32 $0x1;
	_ =	swait.ge [sflag:s11], $0x2000;
	v52 =	vmov s20;
	s20 =	simm.s32 $0x7  }
0x20d: {  	v33 =	vshrl.u32 v50, $0x3;
	v51 =	vmov s19;
	s19 =	simm.s32 $0x4;
	[sflag:s11] =	ssyncset.done $0x0;
	v55 =	vmov s20  }
0x20e: {  	v33 =	vshll.u32 v33, v1;
	v54 =	vmov s19;
	[sflag:s11] =	ssyncadd.s32 $0xFFFFE000;
	v38 =	vshrl.u32 v55, $0x3  }
0x20f: {  	v34 =	vshrl.u32 v51, $0x3;
	v33 =	vbroadcast v33, $0x0;
	_ =	swait.ge [sflag:s12], $0x2000;
	v38 =	vshll.u32 v38, v1  }
0x210: {  	s19 =	simm.s32 $0x6;
	v34 =	vshll.u32 v34, v1;
	v35 =	vshrl.u32 v52, $0x3;
	[sflag:s12] =	ssyncset.done $0x0;
	v38 =	vbroadcast v38, $0x0  }
0x211: {  	s18 =	simm.s32 $0xC500;
	v40 =	vmov s19;
	v45 =	vbroadcast v34, $0x0;
	v56 =	vshll.u32 v35, v1;
	[sflag:s12] =	ssyncadd.s32 $0xFFFFE000  }
0x212: {  	v37 =	vshrl.u32 v54, $0x3;
	v52 =	vbroadcast v56, $0x0;
	v41 =	vld [tilespmem:s18+$0xC0];
	v42 =	vor.u32 v29, v38  }
0x213: {  	v57 =	vor.u32 v0, v33;
	v61 =	vshll.u32 v37, v1;
	v60 =	vor.u32 v5, v45;
	v59 =	vld [tilespmem:s18+$0xFFFFFF40]  }
0x214: {  	v35 =	vbroadcast v58, $0x0;
	v55 =	vshrl.u32 v39, $0x3;
	v63 =	vor.u32 v9, v52;
	v62 =	vld [tilespmem:s18+$0xFFFFFF80]  }
0x215: {  	v40 =	vshrl.u32 v40, $0x3;
	v34 =	vbroadcast v61, $0x0;
	v36 =	vshll.u32 v55, v1;
	v43 =	vld [tilespmem:s18+$0xFFFFFF00]  }
0x216: {  	v56 =	vshll.u32 v40, v1;
	v50 =	vor.u32 v13, v35;
	v37 =	vbroadcast v36, $0x0;
	v39 =	vld [tilespmem:s18+$0xFFFFFFC0]  }
0x217: {  	v53 =	vor.u32 v17, v34;
	v36 =	vbroadcast v56, $0x0;
	v51 =	vld [tilespmem:s18+$0x0];
	[tilespmem:v42+s31+$0x0] =	vst.idx.msk $0xffff, v41  }
0x218: {  	[tilespmem:v60+s31+$0x0] =	vst.idx.msk $0xffff, v59;
	v59 =	vld [tilespmem:s18+$0x40];
	v60 =	vor.u32 v21, v37  }
0x219: {  	v61 =	vld [tilespmem:s18+$0x80];
	[tilespmem:v63+s31+$0x0] =	vst.idx.msk $0xffff, v62;
	v62 =	vor.u32 v25, v36  }
0x21a: {  	v58 =	vor.u32 v30, v38;
	[tilespmem:v57+s31+$0x0] =	vst.idx.msk $0xffff, v43;
	v57 =	vld [tilespmem:s18+$0xD0]  }
0x21b: {  	v63 =	vor.u32 v6, v45;
	[tilespmem:v50+s31+$0x0] =	vst.idx.msk $0xffff, v39;
	v47 =	vld [tilespmem:s18+$0xFFFFFF50]  }
0x21c: {  	v55 =	vor.u32 v10, v52;
	[tilespmem:v53+s31+$0x0] =	vst.idx.msk $0xffff, v51;
	v54 =	vld [tilespmem:s18+$0xFFFFFF90]  }
0x21d: {  	v56 =	vor.u32 v14, v35;
	v50 =	vld [tilespmem:s18+$0xFFFFFFD0];
	[tilespmem:v60+s31+$0x0] =	vst.idx.msk $0xffff, v59  }
0x21e: {  	[tilespmem:v62+s31+$0x0] =	vst.idx.msk $0xffff, v61;
	v61 =	vld [tilespmem:s18+$0xFFFFFF10];
	v62 =	vor.u32 v2, v33  }
0x21f: {  	v59 =	vor.u32 v18, v34;
	[tilespmem:v58+s31+$0x0] =	vst.idx.msk $0xffff, v57;
	v58 =	vld [tilespmem:s18+$0x10]  }
0x220: {  	v57 =	vor.u32 v31, v38;
	[tilespmem:v63+s31+$0x0] =	vst.idx.msk $0xffff, v47;
	v40 =	vld [tilespmem:s18+$0xE0]  }
0x221: {  	v46 =	vor.u32 v22, v37;
	v44 =	vld [tilespmem:s18+$0x50];
	[tilespmem:v55+s31+$0x0] =	vst.idx.msk $0xffff, v54  }
0x222: {  	v60 =	vor.u32 v26, v36;
	v63 =	vld [tilespmem:s18+$0x90];
	[tilespmem:v56+s31+$0x0] =	vst.idx.msk $0xffff, v50  }
0x223: {  	v51 =	vor.u32 v7, v45;
	v50 =	vld [tilespmem:s18+$0xFFFFFF60];
	[tilespmem:v62+s31+$0x0] =	vst.idx.msk $0xffff, v61  }
0x224: {  	v56 =	vor.u32 v11, v52;
	v55 =	vld [tilespmem:s18+$0xFFFFFFA0];
	[tilespmem:v59+s31+$0x0] =	vst.idx.msk $0xffff, v58  }
0x225: {  	v58 =	vor.u32 v15, v35;
	[tilespmem:v57+s31+$0x0] =	vst.idx.msk $0xffff, v40;
	v57 =	vld [tilespmem:s18+$0xFFFFFFE0]  }
0x226: {  	v38 =	vor.u32 v32, v38;
	[tilespmem:v46+s31+$0x0] =	vst.idx.msk $0xffff, v44;
	v54 =	vld [tilespmem:s18+$0xF0]  }
0x227: {  	[tilespmem:v60+s31+$0x0] =	vst.idx.msk $0xffff, v63;
	v60 =	vor.u32 v19, v34;
	v59 =	vld [tilespmem:s18+$0x20]  }
0x228: {  	s22 =	simm.s32 $0x9;
	s20 =	simm.s32 $0x8;
	v48 =	vor.u32 v3, v33;
	v41 =	vor.u32 v23, v37;
	[tilespmem:v51+s31+$0x0] =	vst.idx.msk $0xffff, v50;
	v40 =	vld [tilespmem:s18+$0x60]  }
0x229: {  	v53 =	vmov s22;
	s22 =	simm.s32 $0xB;
	v43 =	vor.u32 v27, v36;
	v63 =	vmov s20;
	v42 =	vld [tilespmem:s18+$0xA0];
	[tilespmem:v56+s31+$0x0] =	vst.idx.msk $0xffff, v55  }
0x22a: {  	v52 =	vor.u32 v12, v52;
	s20 =	simm.s32 $0xA;
	v44 =	vmov s22;
	s22 =	simm.s32 $0xD;
	v46 =	vld [tilespmem:s18+$0xFFFFFF20];
	v39 =	vshrl.u32 v63, $0x3;
	[tilespmem:v58+s31+$0x0] =	vst.idx.msk $0xffff, v57  }
0x22b: {  	v51 =	vor.u32 v8, v45;
	v49 =	vld [tilespmem:s18+$0xFFFFFF70];
	[tilespmem:v38+s31+$0x0] =	vst.idx.msk $0xffff, v54;
	v54 =	vmov s20;
	s20 =	simm.s32 $0xC;
	v38 =	vmov s22;
	s22 =	simm.s32 $0xE  }
0x22c: {  	s19 =	simm.s32 $0x10;
	v45 =	vshll.u32 v39, v1;
	v50 =	vld [tilespmem:s18+$0xFFFFFFB0];
	[tilespmem:v60+s31+$0x0] =	vst.idx.msk $0xffff, v59;
	v47 =	vmov s20;
	v39 =	vmov s22;
	s20 =	simm.s32 $0xF  }
.LBB2_9:
0x22d: {  	p1 =	slt.u32 s19, $0x78;
	v53 =	vshrl.u32 v53, $0x3;
	v55 =	vmov s20;
	v56 =	vld [tilespmem:s18+$0xFFFFFFF0];
	v35 =	vor.u32 v16, v35;
	[tilespmem:v41+s31+$0x0] =	vst.idx.msk $0xffff, v40  }
0x22e: {  	v40 =	vshrl.u32 v54, $0x3;
	v34 =	vor.u32 v20, v34;
	v41 =	vshrl.u32 v55, $0x3;
	v54 =	vld [tilespmem:s18+$0x30];
	[tilespmem:v43+s31+$0x0] =	vst.idx.msk $0xffff, v42  }
0x22f: {  	v37 =	vor.u32 v24, v37;
	v42 =	vshrl.u32 v44, $0x3;
	v41 =	vshll.u32 v41, v1;
	[tilespmem:v48+s31+$0x0] =	vst.idx.msk $0xffff, v46;
	v43 =	vld [tilespmem:s18+$0x70]  }
0x230: {  	v36 =	vor.u32 v28, v36;
	v44 =	vshrl.u32 v47, $0x3;
	v41 =	vbroadcast v41, $0x0;
	[tilespmem:v51+s31+$0x0] =	vst.idx.msk $0xffff, v49;
	v46 =	vld [tilespmem:s18+$0xB0]  }
0x231: {  	v47 =	vshll.u32 v53, v1;
	v49 =	vor.u32 v4, v33;
	v33 =	vbroadcast v45, $0x0;
	v48 =	vld [tilespmem:s18+$0xFFFFFF30];
	[tilespmem:v52+s31+$0x0] =	vst.idx.msk $0xffff, v50;
	s18 =	sadd.s32 $0x200, s18  }
0x232: {  	v40 =	vshll.u32 v40, v1;
	v45 =	vbroadcast v47, $0x0;
	v47 =	vld [tilespmem:s18+$0xC0];
	v50 =	vor.u32 v29, v41;
	[tilespmem:v35+s31+$0x0] =	vst.idx.msk $0xffff, v56  }
0x233: {  	v55 =	vbroadcast v40, $0x0;
	v52 =	vor.u32 v0, v33;
	v35 =	vshll.u32 v42, v1;
	v51 =	vld [tilespmem:s18+$0xFFFFFF00];
	[tilespmem:v34+s31+$0x0] =	vst.idx.msk $0xffff, v54  }
0x234: {  	v42 =	vor.u32 v5, v45;
	v35 =	vbroadcast v35, $0x0;
	v34 =	vshll.u32 v44, v1;
	v40 =	vld [tilespmem:s18+$0xFFFFFF40];
	[tilespmem:v37+s31+$0x0] =	vst.idx.msk $0xffff, v43  }
0x235: {  	v44 =	vor.u32 v9, v55;
	v34 =	vbroadcast v34, $0x0;
	v37 =	vshrl.u32 v38, $0x3;
	v43 =	vld [tilespmem:s18+$0xFFFFFF80];
	[tilespmem:v36+s31+$0x0] =	vst.idx.msk $0xffff, v46  }
0x236: {  	v39 =	vshrl.u32 v39, $0x3;
	v46 =	vor.u32 v13, v35;
	v36 =	vshll.u32 v37, v1;
	v38 =	vld [tilespmem:s18+$0xFFFFFFC0];
	[tilespmem:v49+s31+$0x0] =	vst.idx.msk $0xffff, v48  }
0x237: {  	v49 =	vor.u32 v17, v34;
	v37 =	vbroadcast v36, $0x0;
	v36 =	vshll.u32 v39, v1;
	v48 =	vld [tilespmem:s18+$0x0];
	[tilespmem:v50+s31+$0x0] =	vst.idx.msk $0xffff, v47  }
0x238: {  	v36 =	vbroadcast v36, $0x0;
	v47 =	vor.u32 v30, v41;
	[tilespmem:v52+s31+$0x0] =	vst.idx.msk $0xffff, v51;
	v39 =	vld [tilespmem:s18+$0xD0]  }
0x239: {  	[tilespmem:v42+s31+$0x0] =	vst.idx.msk $0xffff, v40;
	v40 =	vld [tilespmem:s18+$0x40];
	v42 =	vor.u32 v21, v37  }
0x23a: {  	[tilespmem:v44+s31+$0x0] =	vst.idx.msk $0xffff, v43;
	v43 =	vld [tilespmem:s18+$0x80];
	v44 =	vor.u32 v25, v36  }
0x23b: {  	v51 =	vor.u32 v6, v45;
	v50 =	vld [tilespmem:s18+$0xFFFFFF50];
	[tilespmem:v46+s31+$0x0] =	vst.idx.msk $0xffff, v38  }
0x23c: {  	v46 =	vor.u32 v10, v55;
	v38 =	vld [tilespmem:s18+$0xFFFFFF90];
	[tilespmem:v49+s31+$0x0] =	vst.idx.msk $0xffff, v48  }
0x23d: {  	v49 =	vor.u32 v14, v35;
	v48 =	vld [tilespmem:s18+$0xFFFFFFD0];
	[tilespmem:v47+s31+$0x0] =	vst.idx.msk $0xffff, v39  }
0x23e: {  	[tilespmem:v42+s31+$0x0] =	vst.idx.msk $0xffff, v40;
	v39 =	vld [tilespmem:s18+$0xE0];
	v40 =	vor.u32 v31, v41  }
0x23f: {  	v47 =	vor.u32 v18, v34;
	v42 =	vld [tilespmem:s18+$0x10];
	[tilespmem:v44+s31+$0x0] =	vst.idx.msk $0xffff, v43  }
0x240: {  	v44 =	vor.u32 v22, v37;
	[tilespmem:v51+s31+$0x0] =	vst.idx.msk $0xffff, v50;
	v43 =	vld [tilespmem:s18+$0x50]  }
0x241: {  	[tilespmem:v46+s31+$0x0] =	vst.idx.msk $0xffff, v38;
	v38 =	vld [tilespmem:s18+$0x90];
	v46 =	vor.u32 v26, v36  }
0x242: {  	v51 =	vor.u32 v2, v33;
	v50 =	vld [tilespmem:s18+$0xFFFFFF10];
	[tilespmem:v49+s31+$0x0] =	vst.idx.msk $0xffff, v48  }
0x243: {  	v49 =	vor.u32 v7, v45;
	v48 =	vld [tilespmem:s18+$0xFFFFFF60];
	[tilespmem:v40+s31+$0x0] =	vst.idx.msk $0xffff, v39  }
0x244: {  	[tilespmem:v47+s31+$0x0] =	vst.idx.msk $0xffff, v42;
	v39 =	vld [tilespmem:s18+$0xF0];
	v47 =	vor.u32 v32, v41  }
0x245: {  	v56 =	vor.u32 v11, v55;
	v52 =	vld [tilespmem:s18+$0xFFFFFFA0];
	[tilespmem:v44+s31+$0x0] =	vst.idx.msk $0xffff, v43  }
0x246: {  	v58 =	vor.u32 v15, v35;
	v57 =	vld [tilespmem:s18+$0xFFFFFFE0];
	[tilespmem:v46+s31+$0x0] =	vst.idx.msk $0xffff, v38  }
0x247: {  	v60 =	vor.u32 v19, v34;
	[tilespmem:v51+s31+$0x0] =	vst.idx.msk $0xffff, v50;
	v59 =	vld [tilespmem:s18+$0x20]  }
.Ltmp3:
0x248: {  	s20 =	sadd.s32 $0x1, s19;
	v41 =	vor.u32 v23, v37;
	v38 =	vmov s19;
	[tilespmem:v49+s31+$0x0] =	vst.idx.msk $0xffff, v48;
	v40 =	vld [tilespmem:s18+$0x60];
	(pc) =	sbr.rel @p1 .LBB2_9-.Ltmp3, $4  }
0x249: {  	s22 =	sadd.s32 $0x3, s19;
	v53 =	vmov s20;
	s20 =	sadd.s32 $0x2, s19;
	v43 =	vor.u32 v27, v36;
	v50 =	vshrl.u32 v38, $0x3;
	v42 =	vld [tilespmem:s18+$0xA0];
	[tilespmem:v47+s31+$0x0] =	vst.idx.msk $0xffff, v39  }
0x24a: {  	v54 =	vmov s20;
	s20 =	sadd.s32 $0x4, s19;
	v44 =	vmov s22;
	s22 =	sadd.s32 $0x5, s19;
	v48 =	vor.u32 v3, v33;
	v46 =	vld [tilespmem:s18+$0xFFFFFF20];
	[tilespmem:v56+s31+$0x0] =	vst.idx.msk $0xffff, v52  }
0x24b: {  	v38 =	vmov s22;
	v51 =	vor.u32 v8, v45;
	v47 =	vmov s20;
	s20 =	sadd.s32 $0x6, s19;
	v49 =	vld [tilespmem:s18+$0xFFFFFF70];
	[tilespmem:v58+s31+$0x0] =	vst.idx.msk $0xffff, v57  }
0x24c: {  	v45 =	vshll.u32 v50, v1;
	v39 =	vmov s20;
	s20 =	sadd.s32 $0x7, s19;
	s19 =	sadd.s32 $0x8, s19;
	v52 =	vor.u32 v12, v55;
	v50 =	vld [tilespmem:s18+$0xFFFFFFB0];
	[tilespmem:v60+s31+$0x0] =	vst.idx.msk $0xffff, v59  }
0x24d: {  	_ =	sdelay $0x2  }
0x24e: {  	v53 =	vshrl.u32 v53, $0x3  }
0x24f: {  	v55 =	vmov s20;
	v56 =	vld [tilespmem:s18+$0xFFFFFFF0];
	v35 =	vor.u32 v16, v35;
	[tilespmem:v41+s31+$0x0] =	vst.idx.msk $0xffff, v40;
	v57 =	vshrl.u32 v54, $0x3  }
0x250: {  	v59 =	vld [tilespmem:s18+$0x30];
	v34 =	vor.u32 v20, v34;
	v60 =	vshrl.u32 v44, $0x3;
	v58 =	vshrl.u32 v55, $0x3;
	[tilespmem:v43+s31+$0x0] =	vst.idx.msk $0xffff, v42  }
0x251: {  	v37 =	vor.u32 v24, v37;
	v62 =	vshrl.u32 v47, $0x3;
	v61 =	vld [tilespmem:s18+$0x70];
	v41 =	vshll.u32 v58, v1;
	[tilespmem:v48+s31+$0x0] =	vst.idx.msk $0xffff, v46  }
0x252: {  	v36 =	vor.u32 v28, v36;
	v45 =	vbroadcast v45, $0x0;
	v63 =	vld [tilespmem:s18+$0xB0];
	v41 =	vbroadcast v41, $0x0;
	[tilespmem:v51+s31+$0x0] =	vst.idx.msk $0xffff, v49  }
0x253: {  	v33 =	vor.u32 v4, v33;
	s20 =	sadd.s32 $0x200, s18;
	v38 =	vshrl.u32 v38, $0x3;
	v55 =	vshll.u32 v53, v1;
	v48 =	vld [tilespmem:s18+$0xFFFFFF30];
	[tilespmem:v52+s31+$0x0] =	vst.idx.msk $0xffff, v50  }
0x254: {  	v40 =	vshll.u32 v57, v1;
	v47 =	vbroadcast v55, $0x0;
	v49 =	vld [tilespmem:s20+$0xC0];
	v50 =	vor.u32 v29, v41;
	[tilespmem:v35+s31+$0x0] =	vst.idx.msk $0xffff, v56  }
0x255: {  	v42 =	vshll.u32 v60, v1;
	v40 =	vbroadcast v40, $0x0;
	v35 =	vld [tilespmem:s20+$0xFFFFFF00];
	v56 =	vor.u32 v0, v45;
	[tilespmem:v34+s31+$0x0] =	vst.idx.msk $0xffff, v59  }
0x256: {  	v57 =	vld [tilespmem:s20+$0xFFFFFF40];
	v44 =	vshll.u32 v62, v1;
	v42 =	vbroadcast v42, $0x0;
	v58 =	vor.u32 v5, v47;
	[tilespmem:v37+s31+$0x0] =	vst.idx.msk $0xffff, v61  }
0x257: {  	v38 =	vshll.u32 v38, v1;
	v44 =	vbroadcast v44, $0x0;
	v60 =	vor.u32 v9, v40;
	v59 =	vld [tilespmem:s20+$0xFFFFFF80];
	[tilespmem:v36+s31+$0x0] =	vst.idx.msk $0xffff, v63  }
0x258: {  	v38 =	vbroadcast v38, $0x0;
	v62 =	vor.u32 v13, v42;
	v61 =	vld [tilespmem:s20+$0xFFFFFFC0];
	[tilespmem:v33+s31+$0x0] =	vst.idx.msk $0xffff, v48  }
0x259: {  	v39 =	vshrl.u32 v39, $0x3;
	v63 =	vor.u32 v17, v44;
	v33 =	vld [tilespmem:s20+$0x0];
	[tilespmem:v50+s31+$0x0] =	vst.idx.msk $0xffff, v49  }
0x25a: {  	v39 =	vshll.u32 v39, v1;
	v34 =	vld [tilespmem:s20+$0x40];
	[tilespmem:v56+s31+$0x0] =	vst.idx.msk $0xffff, v35;
	v56 =	vor.u32 v21, v38  }
0x25b: {  	[tilespmem:v58+s31+$0x0] =	vst.idx.msk $0xffff, v57;
	v35 =	vbroadcast v39, $0x0;
	v49 =	vor.u32 v30, v41;
	v39 =	vld [tilespmem:s20+$0xD0]  }
0x25c: {  	[tilespmem:v60+s31+$0x0] =	vst.idx.msk $0xffff, v59;
	v59 =	vld [tilespmem:s20+$0xFFFFFF50];
	v60 =	vor.u32 v6, v47  }
0x25d: {  	v57 =	vld [tilespmem:s20+$0x80];
	[tilespmem:v62+s31+$0x0] =	vst.idx.msk $0xffff, v61;
	v58 =	vor.u32 v25, v35  }
0x25e: {  	v61 =	vld [tilespmem:s20+$0xFFFFFF90];
	v62 =	vor.u32 v10, v40;
	[tilespmem:v63+s31+$0x0] =	vst.idx.msk $0xffff, v33  }
0x25f: {  	v33 =	vld [tilespmem:s20+$0xFFFFFFD0];
	v63 =	vor.u32 v14, v42;
	[tilespmem:v56+s31+$0x0] =	vst.idx.msk $0xffff, v34  }
0x260: {  	v56 =	vor.u32 v18, v44;
	[tilespmem:v49+s31+$0x0] =	vst.idx.msk $0xffff, v39;
	v49 =	vld [tilespmem:s20+$0x10]  }
0x261: {  	[tilespmem:v60+s31+$0x0] =	vst.idx.msk $0xffff, v59;
	v39 =	vor.u32 v31, v41;
	v34 =	vld [tilespmem:s20+$0xE0]  }
0x262: {  	[tilespmem:v58+s31+$0x0] =	vst.idx.msk $0xffff, v57;
	v57 =	vld [tilespmem:s20+$0x50];
	v58 =	vor.u32 v22, v38  }
0x263: {  	[tilespmem:v62+s31+$0x0] =	vst.idx.msk $0xffff, v61;
	v61 =	vld [tilespmem:s20+$0xFFFFFF10];
	v62 =	vor.u32 v2, v45  }
0x264: {  	v60 =	vor.u32 v26, v35;
	v59 =	vld [tilespmem:s20+$0x90];
	[tilespmem:v63+s31+$0x0] =	vst.idx.msk $0xffff, v33  }
0x265: {  	v55 =	vor.u32 v11, v40;
	v54 =	vor.u32 v32, v41;
	v41 =	vld [tilespmem:s20+$0xFFFFFFA0];
	[tilespmem:v56+s31+$0x0] =	vst.idx.msk $0xffff, v49  }
0x266: {  	v53 =	vor.u32 v7, v47;
	v63 =	vld [tilespmem:s20+$0xFFFFFF60];
	[tilespmem:v39+s31+$0x0] =	vst.idx.msk $0xffff, v34  }
0x267: {  	v56 =	vld [tilespmem:s20+$0xFFFFFFE0];
	[tilespmem:v58+s31+$0x0] =	vst.idx.msk $0xffff, v57;
	v57 =	vor.u32 v15, v42  }
0x268: {  	[tilespmem:v62+s31+$0x0] =	vst.idx.msk $0xffff, v61;
	v34 =	vld [tilespmem:s20+$0xF0]  }
0x269: {  	v58 =	vld [tilespmem:s20+$0x20];
	[tilespmem:v60+s31+$0x0] =	vst.idx.msk $0xffff, v59;
	v59 =	vor.u32 v19, v44  }
0x26a: {  	v61 =	vor.u32 v23, v38;
	[tilespmem:v55+s31+$0x0] =	vst.idx.msk $0xffff, v41;
	v60 =	vld [tilespmem:s20+$0x60]  }
0x26b: {  	[tilespmem:v53+s31+$0x0] =	vst.idx.msk $0xffff, v63;
	v63 =	vor.u32 v27, v35;
	v62 =	vld [tilespmem:s20+$0xA0]  }
0x26c: {  	v47 =	vor.u32 v8, v47;
	v55 =	vld [tilespmem:s20+$0xFFFFFF70];
	[tilespmem:v57+s31+$0x0] =	vst.idx.msk $0xffff, v56  }
0x26d: {  	v53 =	vld [tilespmem:s20+$0xFFFFFF20];
	[tilespmem:v54+s31+$0x0] =	vst.idx.msk $0xffff, v34;
	v54 =	vor.u32 v3, v45  }
0x26e: {  	v40 =	vor.u32 v12, v40;
	v56 =	vld [tilespmem:s20+$0xFFFFFFB0];
	[tilespmem:v59+s31+$0x0] =	vst.idx.msk $0xffff, v58  }
0x26f: {  	v42 =	vor.u32 v16, v42;
	v57 =	vld [tilespmem:s20+$0xFFFFFFF0];
	[tilespmem:v61+s31+$0x0] =	vst.idx.msk $0xffff, v60  }
0x270: {  	v59 =	vor.u32 v20, v44;
	v58 =	vld [tilespmem:s20+$0x30];
	[tilespmem:v63+s31+$0x0] =	vst.idx.msk $0xffff, v62  }
0x271: {  	v38 =	vor.u32 v24, v38;
	v60 =	vld [tilespmem:s20+$0x70];
	[tilespmem:v47+s31+$0x0] =	vst.idx.msk $0xffff, v55  }
0x272: {  	v35 =	vor.u32 v28, v35;
	v61 =	vld [tilespmem:s20+$0xB0];
	[tilespmem:v54+s31+$0x0] =	vst.idx.msk $0xffff, v53  }
0x273: {  	v63 =	vor.u32 v4, v45;
	[tilespmem:v40+s31+$0x0] =	vst.idx.msk $0xffff, v56;
	v62 =	vld [tilespmem:s20+$0xFFFFFF30]  }
0x274: {  	[tilespmem:v42+s31+$0x0] =	vst.idx.msk $0xffff, v57  }
0x275: {  	[tilespmem:v59+s31+$0x0] =	vst.idx.msk $0xffff, v58  }
0x276: {  	[tilespmem:v38+s31+$0x0] =	vst.idx.msk $0xffff, v60  }
0x277: {  	[tilespmem:v35+s31+$0x0] =	vst.idx.msk $0xffff, v61  }
0x278: {  	[tilespmem:v63+s31+$0x0] =	vst.idx.msk $0xffff, v62  }
0x279: {  	v33 =	vld @!p0 [tilespmem:s16+$0x380];
	_ =	sdelay $0x6  }
0x27a: {  	s19 =	simm.s32 @!p0 $0xC400;
	s18 =	simm.s32 @!p0 $0x0  }
0x27b: {  	[tilespmem:s19], [sflag:$0x4] =	stream.indirect_vreg.gather @!p0 [hbm4b:s4+s18], $0x40, v33, vm1, $0xb8;
	[tilespmem:$0x12400] =	vst v63  }
0x27c: {  	v33 =	vld @!p0 [tilespmem:s16+$0x390];
	_ =	sdelay $0x6  }
0x27d: {  	s19 =	simm.s32 @!p0 $0xC800  }
0x27e: {  	[tilespmem:s19], [sflag:$0x4] =	stream.indirect_vreg.gather @!p0 [hbm4b:s4+s18], $0x40, v33, vm1, $0xb8;
	[tilespmem:$0x12400] =	vst v63  }
0x27f: {  	v33 =	vld @!p0 [tilespmem:s16+$0x3A0];
	_ =	sdelay $0x6  }
0x280: {  	s19 =	simm.s32 @!p0 $0xCC00  }
0x281: {  	[tilespmem:s19], [sflag:$0x4] =	stream.indirect_vreg.gather @!p0 [hbm4b:s4+s18], $0x40, v33, vm1, $0xb8;
	[tilespmem:$0x12400] =	vst v63  }
0x282: {  	v33 =	vld @!p0 [tilespmem:s16+$0x3B0];
	_ =	sdelay $0x6  }
0x283: {  	s19 =	simm.s32 @!p0 $0xD000  }
0x284: {  	[tilespmem:s19], [sflag:$0x4] =	stream.indirect_vreg.gather @!p0 [hbm4b:s4+s18], $0x40, v33, vm1, $0xb8;
	[tilespmem:$0x12400] =	vst v63  }
0x285: {  	v33 =	vld @!p0 [tilespmem:s16+$0x3C0];
	_ =	sdelay $0x6  }
0x286: {  	s19 =	simm.s32 @!p0 $0xD400  }
0x287: {  	[tilespmem:s19], [sflag:$0x4] =	stream.indirect_vreg.gather @!p0 [hbm4b:s4+s18], $0x40, v33, vm1, $0xb8;
	[tilespmem:$0x12400] =	vst v63  }
0x288: {  	v33 =	vld @!p0 [tilespmem:s16+$0x3D0];
	_ =	sdelay $0x6  }
0x289: {  	s19 =	simm.s32 @!p0 $0xD800  }
0x28a: {  	[tilespmem:s19], [sflag:$0x4] =	stream.indirect_vreg.gather @!p0 [hbm4b:s4+s18], $0x40, v33, vm1, $0xb8;
	[tilespmem:$0x12400] =	vst v63  }
0x28b: {  	v33 =	vld @!p0 [tilespmem:s16+$0x3E0];
	_ =	sdelay $0x6  }
0x28c: {  	s19 =	simm.s32 @!p0 $0xDC00  }
0x28d: {  	[tilespmem:s19], [sflag:$0x4] =	stream.indirect_vreg.gather @!p0 [hbm4b:s4+s18], $0x40, v33, vm1, $0xb8;
	[tilespmem:$0x12400] =	vst v63  }
0x28e: {  	v33 =	vld @!p0 [tilespmem:s16+$0x3F0];
	_ =	sdelay $0x6  }
0x28f: {  	s15 =	sadd.s32 $0x1, s15;
	s16 =	simm.s32 @!p0 $0xE000  }
0x290: {  	[tilespmem:s16], [sflag:$0x4] =	stream.indirect_vreg.gather @!p0 [hbm4b:s4+s18], $0x40, v33, vm1, $0xb8;
	[tilespmem:$0x12400] =	vst v63  }
0x291: {  	p0 =	sne.s32 s15, $0x32  }
.Ltmp4:
0x292: {  	_ = 	snop;
	(pc) =	sbr.rel @p0 .LBB2_2-.Ltmp4, $3  }
0x293: {  	_ =	sdelay $0x1  }
0x294: {  	s22 =	sadd.s32 s17, s9  }
0x295: {  	[hbm4b:s22+s29] =	stream.strided.scatter [tilespmem:s31], [sflag:$0x6], $0x2000, s21, s29, $0x38;
	[tilespmem:$0x12400] =	vst v63  }
0x296: {  	s14 =	sadd.s32 $0x1, s14  }
0x297: {  	_ =	swait.ge [sflag:s1], $0x2000;
	p0 =	sne.s32 s14, s10  }
.Ltmp5:
0x298: {  	[sflag:s1] =	ssyncset.done $0x0;
	(pc) =	sbr.rel @p0 .LBB2_1-.Ltmp5, $4  }
0x299: {  	[sflag:s1] =	ssyncadd.s32 $0xFFFFE000  }
0x29a: {  	_ =	swait.ge [sflag:s12], $0x2000  }
0x29b: {  	[sflag:s12] =	ssyncset.done $0x0  }
0x29c: {  	[sflag:s12] =	ssyncadd.s32 $0xFFFFE000  }
0x29d: {  	_ =	sfence.sel $0x180000  }
0x29e: {  	[bflag:$0x0] =	sbarrier.arrive $0xFFFF  }
0x29f: {  	_ =	strace $0x90000047  }
0x2a0: {  	s0 =	stileid.u32;
	[bflag:$0x2] =	sbarrier.arrive $0xFFFF  }
0x2a1: {  	p0 =	sne.s32 s0, $0x0;
	s0 =	rddreg [dreg:$0x2]  }
0x2a2: {  	s0 =	sadd.s32 @!p0 $0x100000, s0  }
0x2a3: {  	[sflag:s0] =	ssyncadd.tile.s32 @!p0 $0x1;
	_ =	shalt  }
.Lfunc_end2:
_tile_overlayer_lowered:
.L_overlay_start_2:
0x2a4: {  	(tag) =	ssettag $0x2  }
0x2a5: {  	s0 =	rddreg [dreg:$0x0];
	s2 =	stileid.u32  }
0x2a6: {  	s1 =	rddreg [dreg:$0x1];
	p0 =	sne.s32 s2, $0x0  }
0x2a7: {  	s3 =	rddreg [dreg:$0x2];
	[bflag:$0x3] =	sbarrier.arrive $0xFFFF;
	s2 =	simm.s32 @!p0 $0x1C07  }
0x2a8: {  	[timem:s3], [sflag:s2] =	dma.local @!p0 [hbm:s0], s1  }
0x2a9: {  	s0 =	simm.s32 @!p0 $0x7  }
0x2aa: {  	_ =	swait.ge @!p0 [sflag:s0], s1  }
0x2ab: {  	s1 =	ssub.s32 @!p0 $0x0, s1;
	[sflag:s0] =	ssyncset.done @!p0 $0x0  }
0x2ac: {  	[sflag:s0] =	ssyncadd.s32 @!p0 s1  }
0x2ad: {  	[bflag:$0x3] =	sbarrier.arrive $0xFFFF  }
0x2ae: {  	_ =	shalt  }

</sc_bundles>
